<compile_context>
chip_gen: v7x
topology: tpu7x:2x2x1
jax: 0.10.2.dev20260603
libtpu: 0.0.44.dev20260713+nightly
codegen_flags: <defaults>
</compile_context>

<pallas_src>
import dataclasses
import functools

import jax
import jax.numpy as jnp
from jax import lax
from jax.experimental import pallas as pl
from jax.experimental.pallas import tpu as pltpu
from jax.experimental.pallas import tpu_sc as plsc

N = 10000
D = 128
NC = 2
NS = 16
NW = NC * NS
K = 128
TR = 632
NP = NS * TR
TRD = 640
NPD = NS * TRD
RB = 1000

_MESH = plsc.VectorSubcoreMesh(core_axis_name="c", subcore_axis_name="s")

_CP = pltpu.CompilerParams()
if "needs_layout_passes" in pltpu.CompilerParams.__dataclass_fields__:
    _CP = dataclasses.replace(_CP, needs_layout_passes=False)


def _fill(ref, value, rows, cols):
    vec = jnp.full((16,), value, jnp.float32)

    @pl.loop(0, rows)
    def _(r):
        for c in range(cols // 16):
            ref[r, pl.ds(c * 16, 16)] = vec


def _deg_kernel(dst_flat):
    epw = dst_flat.shape[0] // NW

    @functools.partial(
        pl.kernel,
        out_type=jax.ShapeDtypeStruct((NC * NPD * D,), jnp.float32),
        mesh=_MESH,
        compiler_params=_CP,
        scratch_types=[
            pltpu.VMEM_SHARED((NS, NPD), jnp.float32),
        ],
    )
    def deg(dst_hbm, out_hbm, hist_sh):
        cid = lax.axis_index("c")
        tid = lax.axis_index("s")
        wid = tid * NC + cid
        row0 = tid * TRD
        ones16 = jnp.ones((16,), jnp.float32)
        zeros16 = jnp.zeros((16,), jnp.float32)

        def body(dstv, hist, buf1d, cnt, rowbuf):
            pltpu.sync_copy(dst_hbm.at[pl.ds(wid * epw, epw)], dstv)

            @pl.loop(0, NPD // 16)
            def _(i):
                hist[pl.ds(i * 16, 16)] = zeros16

            @pl.loop(0, epw // 16)
            def _(j):
                idxv = dstv[pl.ds(j * 16, 16)]
                plsc.addupdate_scatter(hist, [idxv], ones16)

            pltpu.sync_copy(hist, hist_sh.at[tid])
            plsc.subcore_barrier()
            for r in range(NS):
                pltpu.sync_copy(hist_sh.at[r, pl.ds(row0, TRD)],
                                buf1d.at[pl.ds(r * TRD, TRD)])

            @pl.loop(0, TRD // 16)
            def _(g):
                acc = zeros16
                for r in range(NS):
                    acc = acc + buf1d[pl.ds(r * TRD + g * 16, 16)]
                cnt[pl.ds(g * 16, 16)] = acc

            for off in range(0, TRD, K):
                @pl.loop(0, K)
                def _(rr):
                    v = plsc.load_gather(
                        cnt, [jnp.full((16,), off + rr, jnp.int32)])
                    for c in range(D // 16):
                        rowbuf[pl.ds(rr * D + c * 16, 16)] = v

                pltpu.sync_copy(
                    rowbuf,
                    out_hbm.at[pl.ds((cid * NPD + row0 + off) * D, K * D)])

        pl.run_scoped(
            body,
            pltpu.VMEM((epw,), jnp.int32),
            pltpu.VMEM((NPD,), jnp.float32),
            pltpu.VMEM((NS * TRD,), jnp.float32),
            pltpu.VMEM((TRD,), jnp.float32),
            pltpu.VMEM((K * D,), jnp.float32),
        )

    return deg(dst_flat)


def _agg_kernel(src2d, dst2d, y):
    ch = src2d.shape[0] // NW

    @functools.partial(
        pl.kernel,
        out_type=jax.ShapeDtypeStruct((NC * NP, D), jnp.float32),
        mesh=_MESH,
        scratch_types=[
            pltpu.VMEM_SHARED((NP, D), jnp.float32),
            pltpu.SemaphoreType.DMA,
            pltpu.SemaphoreType.DMA,
        ],
    )
    def agg(src_hbm, dst_hbm, y_hbm, out_hbm, acc_sh, gsem0, gsem1):
        cid = lax.axis_index("c")
        tid = lax.axis_index("s")
        wid = tid * NC + cid
        row0 = tid * TR

        ch2 = ch // 2
        gsems = (gsem0, gsem1)

        def body(srcv, dstv, rows0, rows1):
            rbufs = (rows0, rows1)
            _fill(rows0, 0.0, K, D)
            for off in range(0, TR, K):
                sz = min(K, TR - off)
                pltpu.sync_copy(rows0.at[pl.ds(0, sz)],
                                acc_sh.at[pl.ds(row0 + off, sz)])
            plsc.subcore_barrier()

            for h in range(2):
                base = wid * ch + h * ch2
                pltpu.sync_copy(src_hbm.at[pl.ds(base, ch2)], srcv)
                pltpu.sync_copy(dst_hbm.at[pl.ds(base, ch2)], dstv)

                for b in range(2):
                    pltpu.async_copy(y_hbm.at[srcv.at[b]], rbufs[b],
                                     gsems[b])

                @pl.loop(0, ch2, step=2)
                def _(g):
                    for b in range(2):
                        j = g + b
                        pltpu.make_async_copy(
                            y_hbm.at[srcv.at[j]], rbufs[b], gsems[b]).wait()
                        pltpu.sync_copy(rbufs[b], acc_sh.at[dstv.at[j]],
                                        add=True)

                        @pl.when(j + 2 < ch2)
                        def _():
                            pltpu.async_copy(
                                y_hbm.at[srcv.at[j + 2]], rbufs[b],
                                gsems[b])

            plsc.subcore_barrier()
            for off in range(0, TR, K):
                sz = min(K, TR - off)
                pltpu.sync_copy(acc_sh.at[pl.ds(row0 + off, sz)],
                                out_hbm.at[pl.ds(cid * NP + row0 + off, sz)])

        pl.run_scoped(
            body,
            pltpu.VMEM((ch2, K), jnp.int32),
            pltpu.VMEM((ch2, K), jnp.int32),
            pltpu.VMEM((K, D), jnp.float32),
            pltpu.VMEM((K, D), jnp.float32),
        )

    return agg(src2d, dst2d, y)


def _scale_body(x_ref, dp_ref, y_ref):
    deg = dp_ref[0, :, 0] + dp_ref[1, :, 0] + 1.0
    y_ref[...] = x_ref[...] * lax.rsqrt(deg)[:, None]


def _scale_kernel(x, dp):
    return pl.pallas_call(
        _scale_body,
        grid=(N // RB,),
        in_specs=[
            pl.BlockSpec((RB, D), lambda i: (i, 0)),
            pl.BlockSpec((NC, RB, D), lambda i: (0, i, 0)),
        ],
        out_specs=pl.BlockSpec((RB, D), lambda i: (i, 0)),
        out_shape=jax.ShapeDtypeStruct((N, D), jnp.float32),
    )(x, dp)


def _mix_body(x_ref, accp_ref, dp_ref, wl_ref, wh_ref, wi_ref,
              bl_ref, bh_ref, bi_ref, awl_ref, awh_ref, awi_ref,
              abl_ref, abh_ref, abi_ref, o_ref):
    deg = dp_ref[0, :, 0] + dp_ref[1, :, 0] + 1.0
    dis = lax.rsqrt(deg)
    x = x_ref[...]
    acc = accp_ref[0] + accp_ref[1]
    p = dis[:, None] * acc + (1.0 / deg)[:, None] * x

    hL = jnp.maximum(jnp.dot(p, wl_ref[...],
                             preferred_element_type=jnp.float32)
                     + bl_ref[...], 0.0)
    hH = jnp.maximum(jnp.dot(x - p, wh_ref[...],
                             preferred_element_type=jnp.float32)
                     + bh_ref[...], 0.0)
    hI = jnp.maximum(jnp.dot(x, wi_ref[...],
                             preferred_element_type=jnp.float32)
                     + bi_ref[...], 0.0)

    sL = jax.nn.sigmoid(jnp.sum(hL * awl_ref[...], axis=1) + abl_ref[0, 0]) / 3.0
    sH = jax.nn.sigmoid(jnp.sum(hH * awh_ref[...], axis=1) + abh_ref[0, 0]) / 3.0
    sI = jax.nn.sigmoid(jnp.sum(hI * awi_ref[...], axis=1) + abi_ref[0, 0]) / 3.0
    m = jnp.maximum(jnp.maximum(sL, sH), sI)
    eL = jnp.exp(sL - m)
    eH = jnp.exp(sH - m)
    eI = jnp.exp(sI - m)
    inv = 1.0 / (eL + eH + eI)
    out = (eL * inv)[:, None] * hL + (eH * inv)[:, None] * hH \
        + (eI * inv)[:, None] * hI

    mm = jnp.max(out, axis=1, keepdims=True)
    z = out - mm
    o_ref[...] = z - jnp.log(jnp.sum(jnp.exp(z), axis=1, keepdims=True))


def _mix_kernel(x, accp, dp, W_L, W_H, W_I, b_L, b_H, b_I,
                awL, awH, awI, abL, abH, abI):
    row_spec = pl.BlockSpec((RB, D), lambda i: (i, 0))
    w_spec = pl.BlockSpec((D, D), lambda i: (0, 0))
    v_spec = pl.BlockSpec((1, D), lambda i: (0, 0))
    s_spec = pl.BlockSpec((1, 1), lambda i: (0, 0))
    return pl.pallas_call(
        _mix_body,
        grid=(N // RB,),
        in_specs=[
            row_spec,
            pl.BlockSpec((NC, RB, D), lambda i: (0, i, 0)),
            pl.BlockSpec((NC, RB, D), lambda i: (0, i, 0)),
            w_spec, w_spec, w_spec,
            v_spec, v_spec, v_spec,
            v_spec, v_spec, v_spec,
            s_spec, s_spec, s_spec,
        ],
        out_specs=row_spec,
        out_shape=jax.ShapeDtypeStruct((N, D), jnp.float32),
    )(x, accp, dp, W_L, W_H, W_I, b_L, b_H, b_I,
      awL, awH, awI, abL, abH, abI)


def kernel(x, edge_index, W_L, b_L, W_H, b_H, W_I, b_I,
           attL_w, attL_b, attH_w, attH_b, attI_w, attI_b):
    E = edge_index.shape[1]
    epw = -(-E // (NW * K * 16)) * K * 16
    e_pad = NW * epw
    pad = e_pad - E

    src = edge_index[0].astype(jnp.int32)
    dst = edge_index[1].astype(jnp.int32)
    r = jnp.arange(pad, dtype=jnp.int32)
    src_p = jnp.concatenate([src, (r * 997) % N])
    dst_p = jnp.concatenate([dst, N + (r % (NP - N))])
    src2d = src_p.reshape(e_pad // K, K)
    dst2d = dst_p.reshape(e_pad // K, K)

    dp = _deg_kernel(dst_p).reshape(NC, NPD, D)
    y = _scale_kernel(x, dp)
    accp = _agg_kernel(src2d, dst2d, y).reshape(NC, NP, D)
    return _mix_kernel(
        x, accp, dp, W_L, W_H, W_I,
        b_L.reshape(1, D), b_H.reshape(1, D), b_I.reshape(1, D),
        attL_w.reshape(1, D), attH_w.reshape(1, D), attI_w.reshape(1, D),
        attL_b.reshape(1, 1), attH_b.reshape(1, 1), attI_b.reshape(1, 1))

# --- scband reference (transcript-rebuilt; emitter-appended) ---
"""Pipeline reference for scband-acm-gcn-32272384262629 (READ-ONLY COPY).

The authoritative reference and input builder live on the scoring server;
editing this copy changes nothing except your own understanding.
"""

import jax, jax.numpy as jnp
import numpy as np

N, E, D_IN, D_OUT = 10000, 320000, 128, 128

def setup_inputs(seed: int = 0):
    key = jax.random.key(seed)
    ks = jax.random.split(key, 16)
    x = jax.random.normal(ks[0], (N, D_IN), dtype=jnp.float32)
    edge_index = jax.random.randint(ks[1], (2, E), 0, N)
    s = 0.05
    W_L = jax.random.normal(ks[2], (D_IN, D_OUT), dtype=jnp.float32) * s
    b_L = jnp.zeros((D_OUT,), dtype=jnp.float32)
    W_H = jax.random.normal(ks[3], (D_IN, D_OUT), dtype=jnp.float32) * s
    b_H = jnp.zeros((D_OUT,), dtype=jnp.float32)
    W_I = jax.random.normal(ks[4], (D_IN, D_OUT), dtype=jnp.float32) * s
    b_I = jnp.zeros((D_OUT,), dtype=jnp.float32)
    attL_w = jax.random.normal(ks[5], (D_OUT, 1), dtype=jnp.float32) * s
    attL_b = jnp.zeros((1,), dtype=jnp.float32)
    attH_w = jax.random.normal(ks[6], (D_OUT, 1), dtype=jnp.float32) * s
    attH_b = jnp.zeros((1,), dtype=jnp.float32)
    attI_w = jax.random.normal(ks[7], (D_OUT, 1), dtype=jnp.float32) * s
    attI_b = jnp.zeros((1,), dtype=jnp.float32)
    return {"x": x, "edge_index": edge_index, "W_L": W_L, "b_L": b_L, "W_H": W_H, "b_H": b_H, "W_I": W_I, "b_I": b_I, "attL_w": attL_w, "attL_b": attL_b, "attH_w": attH_w, "attH_b": attH_b, "attI_w": attI_w, "attI_b": attI_b}

def reference(x, edge_index, W_L, b_L, W_H, b_H, W_I, b_I, attL_w, attL_b, attH_w, attH_b, attI_w, attI_b):
    # Dropout inactive (eval mode). ACM framework, single layer (improve=False, mix=False).
    n = x.shape[0]
    self_loop = jnp.arange(n, dtype=edge_index.dtype)
    src = jnp.concatenate([edge_index[0], self_loop])
    dst = jnp.concatenate([edge_index[1], self_loop])
    deg = jax.ops.segment_sum(jnp.ones_like(src, dtype=jnp.float32), dst, num_segments=n)
    dis = jnp.where(deg > 0, 1.0 / jnp.sqrt(deg), 0.0)
    norm = dis[src] * dis[dst]
    def prop(h):
        return jax.ops.segment_sum(h[src] * norm[:, None], dst, num_segments=n)
    # low-pass channel: ReLU(A_hat X W_L)
    xL = x @ W_L + b_L
    hL = jax.nn.relu(prop(xL))
    # high-pass channel: ReLU((I - A_hat) X W_H)
    xH = x @ W_H + b_H
    hH = jax.nn.relu(xH - prop(xH))
    # identity channel
    hI = jax.nn.relu(x @ W_I + b_I)
    # adaptive mixing
    aL = jax.nn.sigmoid(hL @ attL_w + attL_b)
    aH = jax.nn.sigmoid(hH @ attH_w + attH_b)
    aI = jax.nn.sigmoid(hI @ attI_w + attI_b)
    alpha = jax.nn.softmax(jnp.concatenate([aL, aH, aI], axis=1) / 3.0, axis=1)
    out = alpha[:, 0:1] * hL + alpha[:, 1:2] * hH + alpha[:, 2:3] * hI
    return jax.nn.log_softmax(out, axis=1)

if __name__ == "__main__":
    import jax
    _d = setup_inputs()
    print(jax.jit(kernel)(*tuple(_d.values())))

</pallas_src>

<mosaic_0001>
#map = affine_map<(d0, d1) -> (0)>
module attributes {stable_mosaic.version = 14 : i64} {
  func.func @deg(%arg0: i32, %arg1: i32, %arg2: memref<327680xi32, #tpu.memory_space<hbm>>, %arg3: memref<2621440xf32, #tpu.memory_space<hbm>>, %arg4: memref<16x10240xf32, #tpu.memory_space<vmem_shared>>) attributes {dimension_semantics = [#tpu.dimension_semantics<core_parallel>, #tpu.dimension_semantics<subcore_parallel>], iteration_bounds = array<i64: 2, 16>, scalar_prefetch = 0 : i64, scratch_operands = 1 : i64, tpu.core_type = #tpu.core_type<sc_vector_subcore>, window_params = [{transform_indices = #map}, {transform_indices = #map}]} {
    %mul3A = arith.constant 2 : i32
    %mul3A_0 = arith.muli %arg1, %mul3A : i32
    %add3A = arith.addi %mul3A_0, %arg0 : i32
    %mul3A_1 = arith.constant 640 : i32
    %mul3A_2 = arith.muli %arg1, %mul3A_1 : i32
    %broadcast_in_dim3A = arith.constant 1.000000e+00 : f32
    %broadcast_in_dim3A_3 = vector.broadcast %broadcast_in_dim3A : f32 to vector<16xf32>
    %broadcast_in_dim3A_4 = arith.constant 0.000000e+00 : f32
    %broadcast_in_dim3A_5 = vector.broadcast %broadcast_in_dim3A_4 : f32 to vector<16xf32>
    "tpu.region"() ({
      %run_scoped3A = memref.alloca() : memref<10240xi32, #tpu.memory_space<vmem>>
      %run_scoped3A_6 = memref.alloca() : memref<10240xf32, #tpu.memory_space<vmem>>
      %run_scoped3A_7 = memref.alloca() : memref<10240xf32, #tpu.memory_space<vmem>>
      %run_scoped3A_8 = memref.alloca() : memref<640xf32, #tpu.memory_space<vmem>>
      %run_scoped3A_9 = memref.alloca() : memref<16384xf32, #tpu.memory_space<vmem>>
      %mul3A_10 = arith.constant 10240 : i32
      %mul3A_11 = arith.muli %add3A, %mul3A_10 : i32
      "tpu.region"() ({
        %run_scoped3A_102 = tpu.sem_alloc : memref<!tpu.dma_semaphore, #tpu.memory_space<semaphore_mem>>
        %dma_start3A = tpu.memref_slice %arg2[%mul3A_11] : memref<327680xi32, #tpu.memory_space<hbm>> -> memref<10240xi32, #tpu.memory_space<hbm>>
        %dma_start3A_103 = tpu.memref_slice %arg2[%mul3A_11] : memref<327680xi32, #tpu.memory_space<hbm>> -> memref<10240xi32, #tpu.memory_space<hbm>>
        tpu.enqueue_dma source(%dma_start3A_103 : memref<10240xi32, #tpu.memory_space<hbm>>) target(%run_scoped3A : memref<10240xi32, #tpu.memory_space<vmem>>) target_semaphore(%run_scoped3A_102 : memref<!tpu.dma_semaphore, #tpu.memory_space<semaphore_mem>>)
        %dma_wait3A = tpu.memref_slice %arg2[%mul3A_11] : memref<327680xi32, #tpu.memory_space<hbm>> -> memref<10240xi32, #tpu.memory_space<hbm>>
        %dma_wait3A_104 = tpu.memref_slice %arg2[%mul3A_11] : memref<327680xi32, #tpu.memory_space<hbm>> -> memref<10240xi32, #tpu.memory_space<hbm>>
        tpu.wait_dma2 semaphore(%run_scoped3A_102 : memref<!tpu.dma_semaphore, #tpu.memory_space<semaphore_mem>>) src(%dma_wait3A_104 : memref<10240xi32, #tpu.memory_space<hbm>>) dst(%run_scoped3A : memref<10240xi32, #tpu.memory_space<vmem>>)
        tpu.yield
      }) : () -> ()
      %scan3A = arith.constant 0 : i32
      %scan3A_12 = arith.constant 640 : i32
      %scan3A_13 = arith.addi %scan3A, %scan3A_12 : i32
      %scan3A_14 = arith.constant 1 : i32
      scf.for %scan3A_102 = %scan3A to %scan3A_13 step %scan3A_14  : i32 {
        %mul3A_103 = arith.constant 1 : i32
        %mul3A_104 = arith.muli %scan3A_102, %mul3A_103 : i32
        %add3A_105 = arith.constant 0 : i32
        %add3A_106 = arith.addi %add3A_105, %mul3A_104 : i32
        %mul3A_107 = arith.constant 16 : i32
        %mul3A_108 = arith.muli %add3A_106, %mul3A_107 : i32
        %swap3A = arith.index_cast %mul3A_108 : i32 to index
        %swap3A_109 = tpu.vector_load %run_scoped3A_6[%swap3A] {strides = array<i32>} : memref<10240xf32, #tpu.memory_space<vmem>>, vector<16xf32>,
        tpu.vector_store %run_scoped3A_6[%swap3A], %broadcast_in_dim3A_5 {strides = array<i32>} : memref<10240xf32, #tpu.memory_space<vmem>>, vector<16xf32>,
      }
      %scan3A_15 = arith.constant 640 : i32
      %scan3A_16 = arith.constant 0 : i32
      %scan3A_17 = arith.constant 640 : i32
      %scan3A_18 = arith.addi %scan3A_16, %scan3A_17 : i32
      %scan3A_19 = arith.constant 1 : i32
      scf.for %scan3A_102 = %scan3A_16 to %scan3A_18 step %scan3A_19  : i32 {
        %mul3A_103 = arith.constant 1 : i32
        %mul3A_104 = arith.muli %scan3A_102, %mul3A_103 : i32
        %add3A_105 = arith.constant 0 : i32
        %add3A_106 = arith.addi %add3A_105, %mul3A_104 : i32
        %mul3A_107 = arith.constant 16 : i32
        %mul3A_108 = arith.muli %add3A_106, %mul3A_107 : i32
        %get3A = arith.index_cast %mul3A_108 : i32 to index
        %get3A_109 = tpu.vector_load %run_scoped3A[%get3A] {strides = array<i32>} : memref<10240xi32, #tpu.memory_space<vmem>>, vector<16xi32>,
        tpu.vector_store_idx %run_scoped3A_6[%get3A_109], %broadcast_in_dim3A_3 {add = true} : memref<10240xf32, #tpu.memory_space<vmem>>[vector<16xi32>], vector<16xf32>,
      }
      %scan3A_20 = arith.constant 640 : i32
      "tpu.region"() ({
        %run_scoped3A_102 = tpu.sem_alloc : memref<!tpu.dma_semaphore, #tpu.memory_space<semaphore_mem>>
        %dma_start3A = arith.constant 0 : i32
        %dma_start3A_103 = tpu.memref_slice %arg4[%arg1, %dma_start3A] : memref<16x10240xf32, #tpu.memory_space<vmem_shared>> -> memref<1x10240xf32, #tpu.memory_space<vmem_shared>>
        %dma_start3A_104 = tpu.memref_squeeze %dma_start3A_103 : memref<1x10240xf32, #tpu.memory_space<vmem_shared>> -> memref<10240xf32, #tpu.memory_space<vmem_shared>>
        %dma_start3A_105 = arith.constant 0 : i32
        %dma_start3A_106 = tpu.memref_slice %arg4[%arg1, %dma_start3A_105] : memref<16x10240xf32, #tpu.memory_space<vmem_shared>> -> memref<1x10240xf32, #tpu.memory_space<vmem_shared>>
        %dma_start3A_107 = tpu.memref_squeeze %dma_start3A_106 : memref<1x10240xf32, #tpu.memory_space<vmem_shared>> -> memref<10240xf32, #tpu.memory_space<vmem_shared>>
        tpu.enqueue_dma source(%run_scoped3A_6 : memref<10240xf32, #tpu.memory_space<vmem>>) target(%dma_start3A_107 : memref<10240xf32, #tpu.memory_space<vmem_shared>>) target_semaphore(%run_scoped3A_102 : memref<!tpu.dma_semaphore, #tpu.memory_space<semaphore_mem>>)
        %dma_wait3A = arith.constant 0 : i32
        %dma_wait3A_108 = tpu.memref_slice %arg4[%arg1, %dma_wait3A] : memref<16x10240xf32, #tpu.memory_space<vmem_shared>> -> memref<1x10240xf32, #tpu.memory_space<vmem_shared>>
        %dma_wait3A_109 = tpu.memref_squeeze %dma_wait3A_108 : memref<1x10240xf32, #tpu.memory_space<vmem_shared>> -> memref<10240xf32, #tpu.memory_space<vmem_shared>>
        %dma_wait3A_110 = arith.constant 0 : i32
        %dma_wait3A_111 = tpu.memref_slice %arg4[%arg1, %dma_wait3A_110] : memref<16x10240xf32, #tpu.memory_space<vmem_shared>> -> memref<1x10240xf32, #tpu.memory_space<vmem_shared>>
        %dma_wait3A_112 = tpu.memref_squeeze %dma_wait3A_111 : memref<1x10240xf32, #tpu.memory_space<vmem_shared>> -> memref<10240xf32, #tpu.memory_space<vmem_shared>>
        tpu.wait_dma2 semaphore(%run_scoped3A_102 : memref<!tpu.dma_semaphore, #tpu.memory_space<semaphore_mem>>) src(%run_scoped3A_6 : memref<10240xf32, #tpu.memory_space<vmem>>) dst(%dma_wait3A_112 : memref<10240xf32, #tpu.memory_space<vmem_shared>>)
        tpu.yield
      }) : () -> ()
      %barrier3A = arith.constant 0 : index
      tpu.barrier barrier_id(%barrier3A)
      %run_scoped3A_21 = arith.constant 0 : i32
      "tpu.region"() ({
        %run_scoped3A_102 = tpu.sem_alloc : memref<!tpu.dma_semaphore, #tpu.memory_space<semaphore_mem>>
        %dma_start3A = arith.constant 0 : i32
        %dma_start3A_103 = tpu.memref_slice %run_scoped3A_7[%dma_start3A] : memref<10240xf32, #tpu.memory_space<vmem>> -> memref<640xf32, #tpu.memory_space<vmem>>
        %dma_start3A_104 = tpu.memref_slice %arg4[%run_scoped3A_21, %mul3A_2] : memref<16x10240xf32, #tpu.memory_space<vmem_shared>> -> memref<1x640xf32, #tpu.memory_space<vmem_shared>>
        %dma_start3A_105 = tpu.memref_squeeze %dma_start3A_104 : memref<1x640xf32, #tpu.memory_space<vmem_shared>> -> memref<640xf32, #tpu.memory_space<vmem_shared>>
        %dma_start3A_106 = arith.constant 0 : i32
        %dma_start3A_107 = tpu.memref_slice %run_scoped3A_7[%dma_start3A_106] : memref<10240xf32, #tpu.memory_space<vmem>> -> memref<640xf32, #tpu.memory_space<vmem>>
        %dma_start3A_108 = tpu.memref_slice %arg4[%run_scoped3A_21, %mul3A_2] : memref<16x10240xf32, #tpu.memory_space<vmem_shared>> -> memref<1x640xf32, #tpu.memory_space<vmem_shared>>
        %dma_start3A_109 = tpu.memref_squeeze %dma_start3A_108 : memref<1x640xf32, #tpu.memory_space<vmem_shared>> -> memref<640xf32, #tpu.memory_space<vmem_shared>>
        tpu.enqueue_dma source(%dma_start3A_109 : memref<640xf32, #tpu.memory_space<vmem_shared>>) target(%dma_start3A_107 : memref<640xf32, #tpu.memory_space<vmem>>) target_semaphore(%run_scoped3A_102 : memref<!tpu.dma_semaphore, #tpu.memory_space<semaphore_mem>>)
        %dma_wait3A = arith.constant 0 : i32
        %dma_wait3A_110 = tpu.memref_slice %run_scoped3A_7[%dma_wait3A] : memref<10240xf32, #tpu.memory_space<vmem>> -> memref<640xf32, #tpu.memory_space<vmem>>
        %dma_wait3A_111 = tpu.memref_slice %arg4[%run_scoped3A_21, %mul3A_2] : memref<16x10240xf32, #tpu.memory_space<vmem_shared>> -> memref<1x640xf32, #tpu.memory_space<vmem_shared>>
        %dma_wait3A_112 = tpu.memref_squeeze %dma_wait3A_111 : memref<1x640xf32, #tpu.memory_space<vmem_shared>> -> memref<640xf32, #tpu.memory_space<vmem_shared>>
        %dma_wait3A_113 = arith.constant 0 : i32
        %dma_wait3A_114 = tpu.memref_slice %run_scoped3A_7[%dma_wait3A_113] : memref<10240xf32, #tpu.memory_space<vmem>> -> memref<640xf32, #tpu.memory_space<vmem>>
        %dma_wait3A_115 = tpu.memref_slice %arg4[%run_scoped3A_21, %mul3A_2] : memref<16x10240xf32, #tpu.memory_space<vmem_shared>> -> memref<1x640xf32, #tpu.memory_space<vmem_shared>>
        %dma_wait3A_116 = tpu.memref_squeeze %dma_wait3A_115 : memref<1x640xf32, #tpu.memory_space<vmem_shared>> -> memref<640xf32, #tpu.memory_space<vmem_shared>>
        tpu.wait_dma2 semaphore(%run_scoped3A_102 : memref<!tpu.dma_semaphore, #tpu.memory_space<semaphore_mem>>) src(%dma_wait3A_116 : memref<640xf32, #tpu.memory_space<vmem_shared>>) dst(%dma_wait3A_114 : memref<640xf32, #tpu.memory_space<vmem>>)
        tpu.yield
      }) : () -> ()
      %run_scoped3A_22 = arith.constant 1 : i32
      "tpu.region"() ({
        %run_scoped3A_102 = tpu.sem_alloc : memref<!tpu.dma_semaphore, #tpu.memory_space<semaphore_mem>>
        %dma_start3A = arith.constant 640 : i32
        %dma_start3A_103 = tpu.memref_slice %run_scoped3A_7[%dma_start3A] : memref<10240xf32, #tpu.memory_space<vmem>> -> memref<640xf32, #tpu.memory_space<vmem>>
        %dma_start3A_104 = tpu.memref_slice %arg4[%run_scoped3A_22, %mul3A_2] : memref<16x10240xf32, #tpu.memory_space<vmem_shared>> -> memref<1x640xf32, #tpu.memory_space<vmem_shared>>
        %dma_start3A_105 = tpu.memref_squeeze %dma_start3A_104 : memref<1x640xf32, #tpu.memory_space<vmem_shared>> -> memref<640xf32, #tpu.memory_space<vmem_shared>>
        %dma_start3A_106 = arith.constant 640 : i32
        %dma_start3A_107 = tpu.memref_slice %run_scoped3A_7[%dma_start3A_106] : memref<10240xf32, #tpu.memory_space<vmem>> -> memref<640xf32, #tpu.memory_space<vmem>>
        %dma_start3A_108 = tpu.memref_slice %arg4[%run_scoped3A_22, %mul3A_2] : memref<16x10240xf32, #tpu.memory_space<vmem_shared>> -> memref<1x640xf32, #tpu.memory_space<vmem_shared>>
        %dma_start3A_109 = tpu.memref_squeeze %dma_start3A_108 : memref<1x640xf32, #tpu.memory_space<vmem_shared>> -> memref<640xf32, #tpu.memory_space<vmem_shared>>
        tpu.enqueue_dma source(%dma_start3A_109 : memref<640xf32, #tpu.memory_space<vmem_shared>>) target(%dma_start3A_107 : memref<640xf32, #tpu.memory_space<vmem>>) target_semaphore(%run_scoped3A_102 : memref<!tpu.dma_semaphore, #tpu.memory_space<semaphore_mem>>)
        %dma_wait3A = arith.constant 640 : i32
        %dma_wait3A_110 = tpu.memref_slice %run_scoped3A_7[%dma_wait3A] : memref<10240xf32, #tpu.memory_space<vmem>> -> memref<640xf32, #tpu.memory_space<vmem>>
        %dma_wait3A_111 = tpu.memref_slice %arg4[%run_scoped3A_22, %mul3A_2] : memref<16x10240xf32, #tpu.memory_space<vmem_shared>> -> memref<1x640xf32, #tpu.memory_space<vmem_shared>>
        %dma_wait3A_112 = tpu.memref_squeeze %dma_wait3A_111 : memref<1x640xf32, #tpu.memory_space<vmem_shared>> -> memref<640xf32, #tpu.memory_space<vmem_shared>>
        %dma_wait3A_113 = arith.constant 640 : i32
        %dma_wait3A_114 = tpu.memref_slice %run_scoped3A_7[%dma_wait3A_113] : memref<10240xf32, #tpu.memory_space<vmem>> -> memref<640xf32, #tpu.memory_space<vmem>>
        %dma_wait3A_115 = tpu.memref_slice %arg4[%run_scoped3A_22, %mul3A_2] : memref<16x10240xf32, #tpu.memory_space<vmem_shared>> -> memref<1x640xf32, #tpu.memory_space<vmem_shared>>
        %dma_wait3A_116 = tpu.memref_squeeze %dma_wait3A_115 : memref<1x640xf32, #tpu.memory_space<vmem_shared>> -> memref<640xf32, #tpu.memory_space<vmem_shared>>
        tpu.wait_dma2 semaphore(%run_scoped3A_102 : memref<!tpu.dma_semaphore, #tpu.memory_space<semaphore_mem>>) src(%dma_wait3A_116 : memref<640xf32, #tpu.memory_space<vmem_shared>>) dst(%dma_wait3A_114 : memref<640xf32, #tpu.memory_space<vmem>>)
        tpu.yield
      }) : () -> ()
      %run_scoped3A_23 = arith.constant 2 : i32
      "tpu.region"() ({
        %run_scoped3A_102 = tpu.sem_alloc : memref<!tpu.dma_semaphore, #tpu.memory_space<semaphore_mem>>
        %dma_start3A = arith.constant 1280 : i32
        %dma_start3A_103 = tpu.memref_slice %run_scoped3A_7[%dma_start3A] : memref<10240xf32, #tpu.memory_space<vmem>> -> memref<640xf32, #tpu.memory_space<vmem>>
        %dma_start3A_104 = tpu.memref_slice %arg4[%run_scoped3A_23, %mul3A_2] : memref<16x10240xf32, #tpu.memory_space<vmem_shared>> -> memref<1x640xf32, #tpu.memory_space<vmem_shared>>
        %dma_start3A_105 = tpu.memref_squeeze %dma_start3A_104 : memref<1x640xf32, #tpu.memory_space<vmem_shared>> -> memref<640xf32, #tpu.memory_space<vmem_shared>>
        %dma_start3A_106 = arith.constant 1280 : i32
        %dma_start3A_107 = tpu.memref_slice %run_scoped3A_7[%dma_start3A_106] : memref<10240xf32, #tpu.memory_space<vmem>> -> memref<640xf32, #tpu.memory_space<vmem>>
        %dma_start3A_108 = tpu.memref_slice %arg4[%run_scoped3A_23, %mul3A_2] : memref<16x10240xf32, #tpu.memory_space<vmem_shared>> -> memref<1x640xf32, #tpu.memory_space<vmem_shared>>
        %dma_start3A_109 = tpu.memref_squeeze %dma_start3A_108 : memref<1x640xf32, #tpu.memory_space<vmem_shared>> -> memref<640xf32, #tpu.memory_space<vmem_shared>>
        tpu.enqueue_dma source(%dma_start3A_109 : memref<640xf32, #tpu.memory_space<vmem_shared>>) target(%dma_start3A_107 : memref<640xf32, #tpu.memory_space<vmem>>) target_semaphore(%run_scoped3A_102 : memref<!tpu.dma_semaphore, #tpu.memory_space<semaphore_mem>>)
        %dma_wait3A = arith.constant 1280 : i32
        %dma_wait3A_110 = tpu.memref_slice %run_scoped3A_7[%dma_wait3A] : memref<10240xf32, #tpu.memory_space<vmem>> -> memref<640xf32, #tpu.memory_space<vmem>>
        %dma_wait3A_111 = tpu.memref_slice %arg4[%run_scoped3A_23, %mul3A_2] : memref<16x10240xf32, #tpu.memory_space<vmem_shared>> -> memref<1x640xf32, #tpu.memory_space<vmem_shared>>
        %dma_wait3A_112 = tpu.memref_squeeze %dma_wait3A_111 : memref<1x640xf32, #tpu.memory_space<vmem_shared>> -> memref<640xf32, #tpu.memory_space<vmem_shared>>
        %dma_wait3A_113 = arith.constant 1280 : i32
        %dma_wait3A_114 = tpu.memref_slice %run_scoped3A_7[%dma_wait3A_113] : memref<10240xf32, #tpu.memory_space<vmem>> -> memref<640xf32, #tpu.memory_space<vmem>>
        %dma_wait3A_115 = tpu.memref_slice %arg4[%run_scoped3A_23, %mul3A_2] : memref<16x10240xf32, #tpu.memory_space<vmem_shared>> -> memref<1x640xf32, #tpu.memory_space<vmem_shared>>
        %dma_wait3A_116 = tpu.memref_squeeze %dma_wait3A_115 : memref<1x640xf32, #tpu.memory_space<vmem_shared>> -> memref<640xf32, #tpu.memory_space<vmem_shared>>
        tpu.wait_dma2 semaphore(%run_scoped3A_102 : memref<!tpu.dma_semaphore, #tpu.memory_space<semaphore_mem>>) src(%dma_wait3A_116 : memref<640xf32, #tpu.memory_space<vmem_shared>>) dst(%dma_wait3A_114 : memref<640xf32, #tpu.memory_space<vmem>>)
        tpu.yield
      }) : () -> ()
      %run_scoped3A_24 = arith.constant 3 : i32
      "tpu.region"() ({
        %run_scoped3A_102 = tpu.sem_alloc : memref<!tpu.dma_semaphore, #tpu.memory_space<semaphore_mem>>
        %dma_start3A = arith.constant 1920 : i32
        %dma_start3A_103 = tpu.memref_slice %run_scoped3A_7[%dma_start3A] : memref<10240xf32, #tpu.memory_space<vmem>> -> memref<640xf32, #tpu.memory_space<vmem>>
        %dma_start3A_104 = tpu.memref_slice %arg4[%run_scoped3A_24, %mul3A_2] : memref<16x10240xf32, #tpu.memory_space<vmem_shared>> -> memref<1x640xf32, #tpu.memory_space<vmem_shared>>
        %dma_start3A_105 = tpu.memref_squeeze %dma_start3A_104 : memref<1x640xf32, #tpu.memory_space<vmem_shared>> -> memref<640xf32, #tpu.memory_space<vmem_shared>>
        %dma_start3A_106 = arith.constant 1920 : i32
        %dma_start3A_107 = tpu.memref_slice %run_scoped3A_7[%dma_start3A_106] : memref<10240xf32, #tpu.memory_space<vmem>> -> memref<640xf32, #tpu.memory_space<vmem>>
        %dma_start3A_108 = tpu.memref_slice %arg4[%run_scoped3A_24, %mul3A_2] : memref<16x10240xf32, #tpu.memory_space<vmem_shared>> -> memref<1x640xf32, #tpu.memory_space<vmem_shared>>
        %dma_start3A_109 = tpu.memref_squeeze %dma_start3A_108 : memref<1x640xf32, #tpu.memory_space<vmem_shared>> -> memref<640xf32, #tpu.memory_space<vmem_shared>>
        tpu.enqueue_dma source(%dma_start3A_109 : memref<640xf32, #tpu.memory_space<vmem_shared>>) target(%dma_start3A_107 : memref<640xf32, #tpu.memory_space<vmem>>) target_semaphore(%run_scoped3A_102 : memref<!tpu.dma_semaphore, #tpu.memory_space<semaphore_mem>>)
        %dma_wait3A = arith.constant 1920 : i32
        %dma_wait3A_110 = tpu.memref_slice %run_scoped3A_7[%dma_wait3A] : memref<10240xf32, #tpu.memory_space<vmem>> -> memref<640xf32, #tpu.memory_space<vmem>>
        %dma_wait3A_111 = tpu.memref_slice %arg4[%run_scoped3A_24, %mul3A_2] : memref<16x10240xf32, #tpu.memory_space<vmem_shared>> -> memref<1x640xf32, #tpu.memory_space<vmem_shared>>
        %dma_wait3A_112 = tpu.memref_squeeze %dma_wait3A_111 : memref<1x640xf32, #tpu.memory_space<vmem_shared>> -> memref<640xf32, #tpu.memory_space<vmem_shared>>
        %dma_wait3A_113 = arith.constant 1920 : i32
        %dma_wait3A_114 = tpu.memref_slice %run_scoped3A_7[%dma_wait3A_113] : memref<10240xf32, #tpu.memory_space<vmem>> -> memref<640xf32, #tpu.memory_space<vmem>>
        %dma_wait3A_115 = tpu.memref_slice %arg4[%run_scoped3A_24, %mul3A_2] : memref<16x10240xf32, #tpu.memory_space<vmem_shared>> -> memref<1x640xf32, #tpu.memory_space<vmem_shared>>
        %dma_wait3A_116 = tpu.memref_squeeze %dma_wait3A_115 : memref<1x640xf32, #tpu.memory_space<vmem_shared>> -> memref<640xf32, #tpu.memory_space<vmem_shared>>
        tpu.wait_dma2 semaphore(%run_scoped3A_102 : memref<!tpu.dma_semaphore, #tpu.memory_space<semaphore_mem>>) src(%dma_wait3A_116 : memref<640xf32, #tpu.memory_space<vmem_shared>>) dst(%dma_wait3A_114 : memref<640xf32, #tpu.memory_space<vmem>>)
        tpu.yield
      }) : () -> ()
      %run_scoped3A_25 = arith.constant 4 : i32
      "tpu.region"() ({
        %run_scoped3A_102 = tpu.sem_alloc : memref<!tpu.dma_semaphore, #tpu.memory_space<semaphore_mem>>
        %dma_start3A = arith.constant 2560 : i32
        %dma_start3A_103 = tpu.memref_slice %run_scoped3A_7[%dma_start3A] : memref<10240xf32, #tpu.memory_space<vmem>> -> memref<640xf32, #tpu.memory_space<vmem>>
        %dma_start3A_104 = tpu.memref_slice %arg4[%run_scoped3A_25, %mul3A_2] : memref<16x10240xf32, #tpu.memory_space<vmem_shared>> -> memref<1x640xf32, #tpu.memory_space<vmem_shared>>
        %dma_start3A_105 = tpu.memref_squeeze %dma_start3A_104 : memref<1x640xf32, #tpu.memory_space<vmem_shared>> -> memref<640xf32, #tpu.memory_space<vmem_shared>>
        %dma_start3A_106 = arith.constant 2560 : i32
        %dma_start3A_107 = tpu.memref_slice %run_scoped3A_7[%dma_start3A_106] : memref<10240xf32, #tpu.memory_space<vmem>> -> memref<640xf32, #tpu.memory_space<vmem>>
        %dma_start3A_108 = tpu.memref_slice %arg4[%run_scoped3A_25, %mul3A_2] : memref<16x10240xf32, #tpu.memory_space<vmem_shared>> -> memref<1x640xf32, #tpu.memory_space<vmem_shared>>
        %dma_start3A_109 = tpu.memref_squeeze %dma_start3A_108 : memref<1x640xf32, #tpu.memory_space<vmem_shared>> -> memref<640xf32, #tpu.memory_space<vmem_shared>>
        tpu.enqueue_dma source(%dma_start3A_109 : memref<640xf32, #tpu.memory_space<vmem_shared>>) target(%dma_start3A_107 : memref<640xf32, #tpu.memory_space<vmem>>) target_semaphore(%run_scoped3A_102 : memref<!tpu.dma_semaphore, #tpu.memory_space<semaphore_mem>>)
        %dma_wait3A = arith.constant 2560 : i32
        %dma_wait3A_110 = tpu.memref_slice %run_scoped3A_7[%dma_wait3A] : memref<10240xf32, #tpu.memory_space<vmem>> -> memref<640xf32, #tpu.memory_space<vmem>>
        %dma_wait3A_111 = tpu.memref_slice %arg4[%run_scoped3A_25, %mul3A_2] : memref<16x10240xf32, #tpu.memory_space<vmem_shared>> -> memref<1x640xf32, #tpu.memory_space<vmem_shared>>
        %dma_wait3A_112 = tpu.memref_squeeze %dma_wait3A_111 : memref<1x640xf32, #tpu.memory_space<vmem_shared>> -> memref<640xf32, #tpu.memory_space<vmem_shared>>
        %dma_wait3A_113 = arith.constant 2560 : i32
        %dma_wait3A_114 = tpu.memref_slice %run_scoped3A_7[%dma_wait3A_113] : memref<10240xf32, #tpu.memory_space<vmem>> -> memref<640xf32, #tpu.memory_space<vmem>>
        %dma_wait3A_115 = tpu.memref_slice %arg4[%run_scoped3A_25, %mul3A_2] : memref<16x10240xf32, #tpu.memory_space<vmem_shared>> -> memref<1x640xf32, #tpu.memory_space<vmem_shared>>
        %dma_wait3A_116 = tpu.memref_squeeze %dma_wait3A_115 : memref<1x640xf32, #tpu.memory_space<vmem_shared>> -> memref<640xf32, #tpu.memory_space<vmem_shared>>
        tpu.wait_dma2 semaphore(%run_scoped3A_102 : memref<!tpu.dma_semaphore, #tpu.memory_space<semaphore_mem>>) src(%dma_wait3A_116 : memref<640xf32, #tpu.memory_space<vmem_shared>>) dst(%dma_wait3A_114 : memref<640xf32, #tpu.memory_space<vmem>>)
        tpu.yield
      }) : () -> ()
      %run_scoped3A_26 = arith.constant 5 : i32
      "tpu.region"() ({
        %run_scoped3A_102 = tpu.sem_alloc : memref<!tpu.dma_semaphore, #tpu.memory_space<semaphore_mem>>
        %dma_start3A = arith.constant 3200 : i32
        %dma_start3A_103 = tpu.memref_slice %run_scoped3A_7[%dma_start3A] : memref<10240xf32, #tpu.memory_space<vmem>> -> memref<640xf32, #tpu.memory_space<vmem>>
        %dma_start3A_104 = tpu.memref_slice %arg4[%run_scoped3A_26, %mul3A_2] : memref<16x10240xf32, #tpu.memory_space<vmem_shared>> -> memref<1x640xf32, #tpu.memory_space<vmem_shared>>
        %dma_start3A_105 = tpu.memref_squeeze %dma_start3A_104 : memref<1x640xf32, #tpu.memory_space<vmem_shared>> -> memref<640xf32, #tpu.memory_space<vmem_shared>>
        %dma_start3A_106 = arith.constant 3200 : i32
        %dma_start3A_107 = tpu.memref_slice %run_scoped3A_7[%dma_start3A_106] : memref<10240xf32, #tpu.memory_space<vmem>> -> memref<640xf32, #tpu.memory_space<vmem>>
        %dma_start3A_108 = tpu.memref_slice %arg4[%run_scoped3A_26, %mul3A_2] : memref<16x10240xf32, #tpu.memory_space<vmem_shared>> -> memref<1x640xf32, #tpu.memory_space<vmem_shared>>
        %dma_start3A_109 = tpu.memref_squeeze %dma_start3A_108 : memref<1x640xf32, #tpu.memory_space<vmem_shared>> -> memref<640xf32, #tpu.memory_space<vmem_shared>>
        tpu.enqueue_dma source(%dma_start3A_109 : memref<640xf32, #tpu.memory_space<vmem_shared>>) target(%dma_start3A_107 : memref<640xf32, #tpu.memory_space<vmem>>) target_semaphore(%run_scoped3A_102 : memref<!tpu.dma_semaphore, #tpu.memory_space<semaphore_mem>>)
        %dma_wait3A = arith.constant 3200 : i32
        %dma_wait3A_110 = tpu.memref_slice %run_scoped3A_7[%dma_wait3A] : memref<10240xf32, #tpu.memory_space<vmem>> -> memref<640xf32, #tpu.memory_space<vmem>>
        %dma_wait3A_111 = tpu.memref_slice %arg4[%run_scoped3A_26, %mul3A_2] : memref<16x10240xf32, #tpu.memory_space<vmem_shared>> -> memref<1x640xf32, #tpu.memory_space<vmem_shared>>
        %dma_wait3A_112 = tpu.memref_squeeze %dma_wait3A_111 : memref<1x640xf32, #tpu.memory_space<vmem_shared>> -> memref<640xf32, #tpu.memory_space<vmem_shared>>
        %dma_wait3A_113 = arith.constant 3200 : i32
        %dma_wait3A_114 = tpu.memref_slice %run_scoped3A_7[%dma_wait3A_113] : memref<10240xf32, #tpu.memory_space<vmem>> -> memref<640xf32, #tpu.memory_space<vmem>>
        %dma_wait3A_115 = tpu.memref_slice %arg4[%run_scoped3A_26, %mul3A_2] : memref<16x10240xf32, #tpu.memory_space<vmem_shared>> -> memref<1x640xf32, #tpu.memory_space<vmem_shared>>
        %dma_wait3A_116 = tpu.memref_squeeze %dma_wait3A_115 : memref<1x640xf32, #tpu.memory_space<vmem_shared>> -> memref<640xf32, #tpu.memory_space<vmem_shared>>
        tpu.wait_dma2 semaphore(%run_scoped3A_102 : memref<!tpu.dma_semaphore, #tpu.memory_space<semaphore_mem>>) src(%dma_wait3A_116 : memref<640xf32, #tpu.memory_space<vmem_shared>>) dst(%dma_wait3A_114 : memref<640xf32, #tpu.memory_space<vmem>>)
        tpu.yield
      }) : () -> ()
      %run_scoped3A_27 = arith.constant 6 : i32
      "tpu.region"() ({
        %run_scoped3A_102 = tpu.sem_alloc : memref<!tpu.dma_semaphore, #tpu.memory_space<semaphore_mem>>
        %dma_start3A = arith.constant 3840 : i32
        %dma_start3A_103 = tpu.memref_slice %run_scoped3A_7[%dma_start3A] : memref<10240xf32, #tpu.memory_space<vmem>> -> memref<640xf32, #tpu.memory_space<vmem>>
        %dma_start3A_104 = tpu.memref_slice %arg4[%run_scoped3A_27, %mul3A_2] : memref<16x10240xf32, #tpu.memory_space<vmem_shared>> -> memref<1x640xf32, #tpu.memory_space<vmem_shared>>
        %dma_start3A_105 = tpu.memref_squeeze %dma_start3A_104 : memref<1x640xf32, #tpu.memory_space<vmem_shared>> -> memref<640xf32, #tpu.memory_space<vmem_shared>>
        %dma_start3A_106 = arith.constant 3840 : i32
        %dma_start3A_107 = tpu.memref_slice %run_scoped3A_7[%dma_start3A_106] : memref<10240xf32, #tpu.memory_space<vmem>> -> memref<640xf32, #tpu.memory_space<vmem>>
        %dma_start3A_108 = tpu.memref_slice %arg4[%run_scoped3A_27, %mul3A_2] : memref<16x10240xf32, #tpu.memory_space<vmem_shared>> -> memref<1x640xf32, #tpu.memory_space<vmem_shared>>
        %dma_start3A_109 = tpu.memref_squeeze %dma_start3A_108 : memref<1x640xf32, #tpu.memory_space<vmem_shared>> -> memref<640xf32, #tpu.memory_space<vmem_shared>>
        tpu.enqueue_dma source(%dma_start3A_109 : memref<640xf32, #tpu.memory_space<vmem_shared>>) target(%dma_start3A_107 : memref<640xf32, #tpu.memory_space<vmem>>) target_semaphore(%run_scoped3A_102 : memref<!tpu.dma_semaphore, #tpu.memory_space<semaphore_mem>>)
        %dma_wait3A = arith.constant 3840 : i32
        %dma_wait3A_110 = tpu.memref_slice %run_scoped3A_7[%dma_wait3A] : memref<10240xf32, #tpu.memory_space<vmem>> -> memref<640xf32, #tpu.memory_space<vmem>>
        %dma_wait3A_111 = tpu.memref_slice %arg4[%run_scoped3A_27, %mul3A_2] : memref<16x10240xf32, #tpu.memory_space<vmem_shared>> -> memref<1x640xf32, #tpu.memory_space<vmem_shared>>
        %dma_wait3A_112 = tpu.memref_squeeze %dma_wait3A_111 : memref<1x640xf32, #tpu.memory_space<vmem_shared>> -> memref<640xf32, #tpu.memory_space<vmem_shared>>
        %dma_wait3A_113 = arith.constant 3840 : i32
        %dma_wait3A_114 = tpu.memref_slice %run_scoped3A_7[%dma_wait3A_113] : memref<10240xf32, #tpu.memory_space<vmem>> -> memref<640xf32, #tpu.memory_space<vmem>>
        %dma_wait3A_115 = tpu.memref_slice %arg4[%run_scoped3A_27, %mul3A_2] : memref<16x10240xf32, #tpu.memory_space<vmem_shared>> -> memref<1x640xf32, #tpu.memory_space<vmem_shared>>
        %dma_wait3A_116 = tpu.memref_squeeze %dma_wait3A_115 : memref<1x640xf32, #tpu.memory_space<vmem_shared>> -> memref<640xf32, #tpu.memory_space<vmem_shared>>
        tpu.wait_dma2 semaphore(%run_scoped3A_102 : memref<!tpu.dma_semaphore, #tpu.memory_space<semaphore_mem>>) src(%dma_wait3A_116 : memref<640xf32, #tpu.memory_space<vmem_shared>>) dst(%dma_wait3A_114 : memref<640xf32, #tpu.memory_space<vmem>>)
        tpu.yield
      }) : () -> ()
      %run_scoped3A_28 = arith.constant 7 : i32
      "tpu.region"() ({
        %run_scoped3A_102 = tpu.sem_alloc : memref<!tpu.dma_semaphore, #tpu.memory_space<semaphore_mem>>
        %dma_start3A = arith.constant 4480 : i32
        %dma_start3A_103 = tpu.memref_slice %run_scoped3A_7[%dma_start3A] : memref<10240xf32, #tpu.memory_space<vmem>> -> memref<640xf32, #tpu.memory_space<vmem>>
        %dma_start3A_104 = tpu.memref_slice %arg4[%run_scoped3A_28, %mul3A_2] : memref<16x10240xf32, #tpu.memory_space<vmem_shared>> -> memref<1x640xf32, #tpu.memory_space<vmem_shared>>
        %dma_start3A_105 = tpu.memref_squeeze %dma_start3A_104 : memref<1x640xf32, #tpu.memory_space<vmem_shared>> -> memref<640xf32, #tpu.memory_space<vmem_shared>>
        %dma_start3A_106 = arith.constant 4480 : i32
        %dma_start3A_107 = tpu.memref_slice %run_scoped3A_7[%dma_start3A_106] : memref<10240xf32, #tpu.memory_space<vmem>> -> memref<640xf32, #tpu.memory_space<vmem>>
        %dma_start3A_108 = tpu.memref_slice %arg4[%run_scoped3A_28, %mul3A_2] : memref<16x10240xf32, #tpu.memory_space<vmem_shared>> -> memref<1x640xf32, #tpu.memory_space<vmem_shared>>
        %dma_start3A_109 = tpu.memref_squeeze %dma_start3A_108 : memref<1x640xf32, #tpu.memory_space<vmem_shared>> -> memref<640xf32, #tpu.memory_space<vmem_shared>>
        tpu.enqueue_dma source(%dma_start3A_109 : memref<640xf32, #tpu.memory_space<vmem_shared>>) target(%dma_start3A_107 : memref<640xf32, #tpu.memory_space<vmem>>) target_semaphore(%run_scoped3A_102 : memref<!tpu.dma_semaphore, #tpu.memory_space<semaphore_mem>>)
        %dma_wait3A = arith.constant 4480 : i32
        %dma_wait3A_110 = tpu.memref_slice %run_scoped3A_7[%dma_wait3A] : memref<10240xf32, #tpu.memory_space<vmem>> -> memref<640xf32, #tpu.memory_space<vmem>>
        %dma_wait3A_111 = tpu.memref_slice %arg4[%run_scoped3A_28, %mul3A_2] : memref<16x10240xf32, #tpu.memory_space<vmem_shared>> -> memref<1x640xf32, #tpu.memory_space<vmem_shared>>
        %dma_wait3A_112 = tpu.memref_squeeze %dma_wait3A_111 : memref<1x640xf32, #tpu.memory_space<vmem_shared>> -> memref<640xf32, #tpu.memory_space<vmem_shared>>
        %dma_wait3A_113 = arith.constant 4480 : i32
        %dma_wait3A_114 = tpu.memref_slice %run_scoped3A_7[%dma_wait3A_113] : memref<10240xf32, #tpu.memory_space<vmem>> -> memref<640xf32, #tpu.memory_space<vmem>>
        %dma_wait3A_115 = tpu.memref_slice %arg4[%run_scoped3A_28, %mul3A_2] : memref<16x10240xf32, #tpu.memory_space<vmem_shared>> -> memref<1x640xf32, #tpu.memory_space<vmem_shared>>
        %dma_wait3A_116 = tpu.memref_squeeze %dma_wait3A_115 : memref<1x640xf32, #tpu.memory_space<vmem_shared>> -> memref<640xf32, #tpu.memory_space<vmem_shared>>
        tpu.wait_dma2 semaphore(%run_scoped3A_102 : memref<!tpu.dma_semaphore, #tpu.memory_space<semaphore_mem>>) src(%dma_wait3A_116 : memref<640xf32, #tpu.memory_space<vmem_shared>>) dst(%dma_wait3A_114 : memref<640xf32, #tpu.memory_space<vmem>>)
        tpu.yield
      }) : () -> ()
      %run_scoped3A_29 = arith.constant 8 : i32
      "tpu.region"() ({
        %run_scoped3A_102 = tpu.sem_alloc : memref<!tpu.dma_semaphore, #tpu.memory_space<semaphore_mem>>
        %dma_start3A = arith.constant 5120 : i32
        %dma_start3A_103 = tpu.memref_slice %run_scoped3A_7[%dma_start3A] : memref<10240xf32, #tpu.memory_space<vmem>> -> memref<640xf32, #tpu.memory_space<vmem>>
        %dma_start3A_104 = tpu.memref_slice %arg4[%run_scoped3A_29, %mul3A_2] : memref<16x10240xf32, #tpu.memory_space<vmem_shared>> -> memref<1x640xf32, #tpu.memory_space<vmem_shared>>
        %dma_start3A_105 = tpu.memref_squeeze %dma_start3A_104 : memref<1x640xf32, #tpu.memory_space<vmem_shared>> -> memref<640xf32, #tpu.memory_space<vmem_shared>>
        %dma_start3A_106 = arith.constant 5120 : i32
        %dma_start3A_107 = tpu.memref_slice %run_scoped3A_7[%dma_start3A_106] : memref<10240xf32, #tpu.memory_space<vmem>> -> memref<640xf32, #tpu.memory_space<vmem>>
        %dma_start3A_108 = tpu.memref_slice %arg4[%run_scoped3A_29, %mul3A_2] : memref<16x10240xf32, #tpu.memory_space<vmem_shared>> -> memref<1x640xf32, #tpu.memory_space<vmem_shared>>
        %dma_start3A_109 = tpu.memref_squeeze %dma_start3A_108 : memref<1x640xf32, #tpu.memory_space<vmem_shared>> -> memref<640xf32, #tpu.memory_space<vmem_shared>>
        tpu.enqueue_dma source(%dma_start3A_109 : memref<640xf32, #tpu.memory_space<vmem_shared>>) target(%dma_start3A_107 : memref<640xf32, #tpu.memory_space<vmem>>) target_semaphore(%run_scoped3A_102 : memref<!tpu.dma_semaphore, #tpu.memory_space<semaphore_mem>>)
        %dma_wait3A = arith.constant 5120 : i32
        %dma_wait3A_110 = tpu.memref_slice %run_scoped3A_7[%dma_wait3A] : memref<10240xf32, #tpu.memory_space<vmem>> -> memref<640xf32, #tpu.memory_space<vmem>>
        %dma_wait3A_111 = tpu.memref_slice %arg4[%run_scoped3A_29, %mul3A_2] : memref<16x10240xf32, #tpu.memory_space<vmem_shared>> -> memref<1x640xf32, #tpu.memory_space<vmem_shared>>
        %dma_wait3A_112 = tpu.memref_squeeze %dma_wait3A_111 : memref<1x640xf32, #tpu.memory_space<vmem_shared>> -> memref<640xf32, #tpu.memory_space<vmem_shared>>
        %dma_wait3A_113 = arith.constant 5120 : i32
        %dma_wait3A_114 = tpu.memref_slice %run_scoped3A_7[%dma_wait3A_113] : memref<10240xf32, #tpu.memory_space<vmem>> -> memref<640xf32, #tpu.memory_space<vmem>>
        %dma_wait3A_115 = tpu.memref_slice %arg4[%run_scoped3A_29, %mul3A_2] : memref<16x10240xf32, #tpu.memory_space<vmem_shared>> -> memref<1x640xf32, #tpu.memory_space<vmem_shared>>
        %dma_wait3A_116 = tpu.memref_squeeze %dma_wait3A_115 : memref<1x640xf32, #tpu.memory_space<vmem_shared>> -> memref<640xf32, #tpu.memory_space<vmem_shared>>
        tpu.wait_dma2 semaphore(%run_scoped3A_102 : memref<!tpu.dma_semaphore, #tpu.memory_space<semaphore_mem>>) src(%dma_wait3A_116 : memref<640xf32, #tpu.memory_space<vmem_shared>>) dst(%dma_wait3A_114 : memref<640xf32, #tpu.memory_space<vmem>>)
        tpu.yield
      }) : () -> ()
      %run_scoped3A_30 = arith.constant 9 : i32
      "tpu.region"() ({
        %run_scoped3A_102 = tpu.sem_alloc : memref<!tpu.dma_semaphore, #tpu.memory_space<semaphore_mem>>
        %dma_start3A = arith.constant 5760 : i32
        %dma_start3A_103 = tpu.memref_slice %run_scoped3A_7[%dma_start3A] : memref<10240xf32, #tpu.memory_space<vmem>> -> memref<640xf32, #tpu.memory_space<vmem>>
        %dma_start3A_104 = tpu.memref_slice %arg4[%run_scoped3A_30, %mul3A_2] : memref<16x10240xf32, #tpu.memory_space<vmem_shared>> -> memref<1x640xf32, #tpu.memory_space<vmem_shared>>
        %dma_start3A_105 = tpu.memref_squeeze %dma_start3A_104 : memref<1x640xf32, #tpu.memory_space<vmem_shared>> -> memref<640xf32, #tpu.memory_space<vmem_shared>>
        %dma_start3A_106 = arith.constant 5760 : i32
        %dma_start3A_107 = tpu.memref_slice %run_scoped3A_7[%dma_start3A_106] : memref<10240xf32, #tpu.memory_space<vmem>> -> memref<640xf32, #tpu.memory_space<vmem>>
        %dma_start3A_108 = tpu.memref_slice %arg4[%run_scoped3A_30, %mul3A_2] : memref<16x10240xf32, #tpu.memory_space<vmem_shared>> -> memref<1x640xf32, #tpu.memory_space<vmem_shared>>
        %dma_start3A_109 = tpu.memref_squeeze %dma_start3A_108 : memref<1x640xf32, #tpu.memory_space<vmem_shared>> -> memref<640xf32, #tpu.memory_space<vmem_shared>>
        tpu.enqueue_dma source(%dma_start3A_109 : memref<640xf32, #tpu.memory_space<vmem_shared>>) target(%dma_start3A_107 : memref<640xf32, #tpu.memory_space<vmem>>) target_semaphore(%run_scoped3A_102 : memref<!tpu.dma_semaphore, #tpu.memory_space<semaphore_mem>>)
        %dma_wait3A = arith.constant 5760 : i32
        %dma_wait3A_110 = tpu.memref_slice %run_scoped3A_7[%dma_wait3A] : memref<10240xf32, #tpu.memory_space<vmem>> -> memref<640xf32, #tpu.memory_space<vmem>>
        %dma_wait3A_111 = tpu.memref_slice %arg4[%run_scoped3A_30, %mul3A_2] : memref<16x10240xf32, #tpu.memory_space<vmem_shared>> -> memref<1x640xf32, #tpu.memory_space<vmem_shared>>
        %dma_wait3A_112 = tpu.memref_squeeze %dma_wait3A_111 : memref<1x640xf32, #tpu.memory_space<vmem_shared>> -> memref<640xf32, #tpu.memory_space<vmem_shared>>
        %dma_wait3A_113 = arith.constant 5760 : i32
        %dma_wait3A_114 = tpu.memref_slice %run_scoped3A_7[%dma_wait3A_113] : memref<10240xf32, #tpu.memory_space<vmem>> -> memref<640xf32, #tpu.memory_space<vmem>>
        %dma_wait3A_115 = tpu.memref_slice %arg4[%run_scoped3A_30, %mul3A_2] : memref<16x10240xf32, #tpu.memory_space<vmem_shared>> -> memref<1x640xf32, #tpu.memory_space<vmem_shared>>
        %dma_wait3A_116 = tpu.memref_squeeze %dma_wait3A_115 : memref<1x640xf32, #tpu.memory_space<vmem_shared>> -> memref<640xf32, #tpu.memory_space<vmem_shared>>
        tpu.wait_dma2 semaphore(%run_scoped3A_102 : memref<!tpu.dma_semaphore, #tpu.memory_space<semaphore_mem>>) src(%dma_wait3A_116 : memref<640xf32, #tpu.memory_space<vmem_shared>>) dst(%dma_wait3A_114 : memref<640xf32, #tpu.memory_space<vmem>>)
        tpu.yield
      }) : () -> ()
      %run_scoped3A_31 = arith.constant 10 : i32
      "tpu.region"() ({
        %run_scoped3A_102 = tpu.sem_alloc : memref<!tpu.dma_semaphore, #tpu.memory_space<semaphore_mem>>
        %dma_start3A = arith.constant 6400 : i32
        %dma_start3A_103 = tpu.memref_slice %run_scoped3A_7[%dma_start3A] : memref<10240xf32, #tpu.memory_space<vmem>> -> memref<640xf32, #tpu.memory_space<vmem>>
        %dma_start3A_104 = tpu.memref_slice %arg4[%run_scoped3A_31, %mul3A_2] : memref<16x10240xf32, #tpu.memory_space<vmem_shared>> -> memref<1x640xf32, #tpu.memory_space<vmem_shared>>
        %dma_start3A_105 = tpu.memref_squeeze %dma_start3A_104 : memref<1x640xf32, #tpu.memory_space<vmem_shared>> -> memref<640xf32, #tpu.memory_space<vmem_shared>>
        %dma_start3A_106 = arith.constant 6400 : i32
        %dma_start3A_107 = tpu.memref_slice %run_scoped3A_7[%dma_start3A_106] : memref<10240xf32, #tpu.memory_space<vmem>> -> memref<640xf32, #tpu.memory_space<vmem>>
        %dma_start3A_108 = tpu.memref_slice %arg4[%run_scoped3A_31, %mul3A_2] : memref<16x10240xf32, #tpu.memory_space<vmem_shared>> -> memref<1x640xf32, #tpu.memory_space<vmem_shared>>
        %dma_start3A_109 = tpu.memref_squeeze %dma_start3A_108 : memref<1x640xf32, #tpu.memory_space<vmem_shared>> -> memref<640xf32, #tpu.memory_space<vmem_shared>>
        tpu.enqueue_dma source(%dma_start3A_109 : memref<640xf32, #tpu.memory_space<vmem_shared>>) target(%dma_start3A_107 : memref<640xf32, #tpu.memory_space<vmem>>) target_semaphore(%run_scoped3A_102 : memref<!tpu.dma_semaphore, #tpu.memory_space<semaphore_mem>>)
        %dma_wait3A = arith.constant 6400 : i32
        %dma_wait3A_110 = tpu.memref_slice %run_scoped3A_7[%dma_wait3A] : memref<10240xf32, #tpu.memory_space<vmem>> -> memref<640xf32, #tpu.memory_space<vmem>>
        %dma_wait3A_111 = tpu.memref_slice %arg4[%run_scoped3A_31, %mul3A_2] : memref<16x10240xf32, #tpu.memory_space<vmem_shared>> -> memref<1x640xf32, #tpu.memory_space<vmem_shared>>
        %dma_wait3A_112 = tpu.memref_squeeze %dma_wait3A_111 : memref<1x640xf32, #tpu.memory_space<vmem_shared>> -> memref<640xf32, #tpu.memory_space<vmem_shared>>
        %dma_wait3A_113 = arith.constant 6400 : i32
        %dma_wait3A_114 = tpu.memref_slice %run_scoped3A_7[%dma_wait3A_113] : memref<10240xf32, #tpu.memory_space<vmem>> -> memref<640xf32, #tpu.memory_space<vmem>>
        %dma_wait3A_115 = tpu.memref_slice %arg4[%run_scoped3A_31, %mul3A_2] : memref<16x10240xf32, #tpu.memory_space<vmem_shared>> -> memref<1x640xf32, #tpu.memory_space<vmem_shared>>
        %dma_wait3A_116 = tpu.memref_squeeze %dma_wait3A_115 : memref<1x640xf32, #tpu.memory_space<vmem_shared>> -> memref<640xf32, #tpu.memory_space<vmem_shared>>
        tpu.wait_dma2 semaphore(%run_scoped3A_102 : memref<!tpu.dma_semaphore, #tpu.memory_space<semaphore_mem>>) src(%dma_wait3A_116 : memref<640xf32, #tpu.memory_space<vmem_shared>>) dst(%dma_wait3A_114 : memref<640xf32, #tpu.memory_space<vmem>>)
        tpu.yield
      }) : () -> ()
      %run_scoped3A_32 = arith.constant 11 : i32
      "tpu.region"() ({
        %run_scoped3A_102 = tpu.sem_alloc : memref<!tpu.dma_semaphore, #tpu.memory_space<semaphore_mem>>
        %dma_start3A = arith.constant 7040 : i32
        %dma_start3A_103 = tpu.memref_slice %run_scoped3A_7[%dma_start3A] : memref<10240xf32, #tpu.memory_space<vmem>> -> memref<640xf32, #tpu.memory_space<vmem>>
        %dma_start3A_104 = tpu.memref_slice %arg4[%run_scoped3A_32, %mul3A_2] : memref<16x10240xf32, #tpu.memory_space<vmem_shared>> -> memref<1x640xf32, #tpu.memory_space<vmem_shared>>
        %dma_start3A_105 = tpu.memref_squeeze %dma_start3A_104 : memref<1x640xf32, #tpu.memory_space<vmem_shared>> -> memref<640xf32, #tpu.memory_space<vmem_shared>>
        %dma_start3A_106 = arith.constant 7040 : i32
        %dma_start3A_107 = tpu.memref_slice %run_scoped3A_7[%dma_start3A_106] : memref<10240xf32, #tpu.memory_space<vmem>> -> memref<640xf32, #tpu.memory_space<vmem>>
        %dma_start3A_108 = tpu.memref_slice %arg4[%run_scoped3A_32, %mul3A_2] : memref<16x10240xf32, #tpu.memory_space<vmem_shared>> -> memref<1x640xf32, #tpu.memory_space<vmem_shared>>
        %dma_start3A_109 = tpu.memref_squeeze %dma_start3A_108 : memref<1x640xf32, #tpu.memory_space<vmem_shared>> -> memref<640xf32, #tpu.memory_space<vmem_shared>>
        tpu.enqueue_dma source(%dma_start3A_109 : memref<640xf32, #tpu.memory_space<vmem_shared>>) target(%dma_start3A_107 : memref<640xf32, #tpu.memory_space<vmem>>) target_semaphore(%run_scoped3A_102 : memref<!tpu.dma_semaphore, #tpu.memory_space<semaphore_mem>>)
        %dma_wait3A = arith.constant 7040 : i32
        %dma_wait3A_110 = tpu.memref_slice %run_scoped3A_7[%dma_wait3A] : memref<10240xf32, #tpu.memory_space<vmem>> -> memref<640xf32, #tpu.memory_space<vmem>>
        %dma_wait3A_111 = tpu.memref_slice %arg4[%run_scoped3A_32, %mul3A_2] : memref<16x10240xf32, #tpu.memory_space<vmem_shared>> -> memref<1x640xf32, #tpu.memory_space<vmem_shared>>
        %dma_wait3A_112 = tpu.memref_squeeze %dma_wait3A_111 : memref<1x640xf32, #tpu.memory_space<vmem_shared>> -> memref<640xf32, #tpu.memory_space<vmem_shared>>
        %dma_wait3A_113 = arith.constant 7040 : i32
        %dma_wait3A_114 = tpu.memref_slice %run_scoped3A_7[%dma_wait3A_113] : memref<10240xf32, #tpu.memory_space<vmem>> -> memref<640xf32, #tpu.memory_space<vmem>>
        %dma_wait3A_115 = tpu.memref_slice %arg4[%run_scoped3A_32, %mul3A_2] : memref<16x10240xf32, #tpu.memory_space<vmem_shared>> -> memref<1x640xf32, #tpu.memory_space<vmem_shared>>
        %dma_wait3A_116 = tpu.memref_squeeze %dma_wait3A_115 : memref<1x640xf32, #tpu.memory_space<vmem_shared>> -> memref<640xf32, #tpu.memory_space<vmem_shared>>
        tpu.wait_dma2 semaphore(%run_scoped3A_102 : memref<!tpu.dma_semaphore, #tpu.memory_space<semaphore_mem>>) src(%dma_wait3A_116 : memref<640xf32, #tpu.memory_space<vmem_shared>>) dst(%dma_wait3A_114 : memref<640xf32, #tpu.memory_space<vmem>>)
        tpu.yield
      }) : () -> ()
      %run_scoped3A_33 = arith.constant 12 : i32
      "tpu.region"() ({
        %run_scoped3A_102 = tpu.sem_alloc : memref<!tpu.dma_semaphore, #tpu.memory_space<semaphore_mem>>
        %dma_start3A = arith.constant 7680 : i32
        %dma_start3A_103 = tpu.memref_slice %run_scoped3A_7[%dma_start3A] : memref<10240xf32, #tpu.memory_space<vmem>> -> memref<640xf32, #tpu.memory_space<vmem>>
        %dma_start3A_104 = tpu.memref_slice %arg4[%run_scoped3A_33, %mul3A_2] : memref<16x10240xf32, #tpu.memory_space<vmem_shared>> -> memref<1x640xf32, #tpu.memory_space<vmem_shared>>
        %dma_start3A_105 = tpu.memref_squeeze %dma_start3A_104 : memref<1x640xf32, #tpu.memory_space<vmem_shared>> -> memref<640xf32, #tpu.memory_space<vmem_shared>>
        %dma_start3A_106 = arith.constant 7680 : i32
        %dma_start3A_107 = tpu.memref_slice %run_scoped3A_7[%dma_start3A_106] : memref<10240xf32, #tpu.memory_space<vmem>> -> memref<640xf32, #tpu.memory_space<vmem>>
        %dma_start3A_108 = tpu.memref_slice %arg4[%run_scoped3A_33, %mul3A_2] : memref<16x10240xf32, #tpu.memory_space<vmem_shared>> -> memref<1x640xf32, #tpu.memory_space<vmem_shared>>
        %dma_start3A_109 = tpu.memref_squeeze %dma_start3A_108 : memref<1x640xf32, #tpu.memory_space<vmem_shared>> -> memref<640xf32, #tpu.memory_space<vmem_shared>>
        tpu.enqueue_dma source(%dma_start3A_109 : memref<640xf32, #tpu.memory_space<vmem_shared>>) target(%dma_start3A_107 : memref<640xf32, #tpu.memory_space<vmem>>) target_semaphore(%run_scoped3A_102 : memref<!tpu.dma_semaphore, #tpu.memory_space<semaphore_mem>>)
        %dma_wait3A = arith.constant 7680 : i32
        %dma_wait3A_110 = tpu.memref_slice %run_scoped3A_7[%dma_wait3A] : memref<10240xf32, #tpu.memory_space<vmem>> -> memref<640xf32, #tpu.memory_space<vmem>>
        %dma_wait3A_111 = tpu.memref_slice %arg4[%run_scoped3A_33, %mul3A_2] : memref<16x10240xf32, #tpu.memory_space<vmem_shared>> -> memref<1x640xf32, #tpu.memory_space<vmem_shared>>
        %dma_wait3A_112 = tpu.memref_squeeze %dma_wait3A_111 : memref<1x640xf32, #tpu.memory_space<vmem_shared>> -> memref<640xf32, #tpu.memory_space<vmem_shared>>
        %dma_wait3A_113 = arith.constant 7680 : i32
        %dma_wait3A_114 = tpu.memref_slice %run_scoped3A_7[%dma_wait3A_113] : memref<10240xf32, #tpu.memory_space<vmem>> -> memref<640xf32, #tpu.memory_space<vmem>>
        %dma_wait3A_115 = tpu.memref_slice %arg4[%run_scoped3A_33, %mul3A_2] : memref<16x10240xf32, #tpu.memory_space<vmem_shared>> -> memref<1x640xf32, #tpu.memory_space<vmem_shared>>
        %dma_wait3A_116 = tpu.memref_squeeze %dma_wait3A_115 : memref<1x640xf32, #tpu.memory_space<vmem_shared>> -> memref<640xf32, #tpu.memory_space<vmem_shared>>
        tpu.wait_dma2 semaphore(%run_scoped3A_102 : memref<!tpu.dma_semaphore, #tpu.memory_space<semaphore_mem>>) src(%dma_wait3A_116 : memref<640xf32, #tpu.memory_space<vmem_shared>>) dst(%dma_wait3A_114 : memref<640xf32, #tpu.memory_space<vmem>>)
        tpu.yield
      }) : () -> ()
      %run_scoped3A_34 = arith.constant 13 : i32
      "tpu.region"() ({
        %run_scoped3A_102 = tpu.sem_alloc : memref<!tpu.dma_semaphore, #tpu.memory_space<semaphore_mem>>
        %dma_start3A = arith.constant 8320 : i32
        %dma_start3A_103 = tpu.memref_slice %run_scoped3A_7[%dma_start3A] : memref<10240xf32, #tpu.memory_space<vmem>> -> memref<640xf32, #tpu.memory_space<vmem>>
        %dma_start3A_104 = tpu.memref_slice %arg4[%run_scoped3A_34, %mul3A_2] : memref<16x10240xf32, #tpu.memory_space<vmem_shared>> -> memref<1x640xf32, #tpu.memory_space<vmem_shared>>
        %dma_start3A_105 = tpu.memref_squeeze %dma_start3A_104 : memref<1x640xf32, #tpu.memory_space<vmem_shared>> -> memref<640xf32, #tpu.memory_space<vmem_shared>>
        %dma_start3A_106 = arith.constant 8320 : i32
        %dma_start3A_107 = tpu.memref_slice %run_scoped3A_7[%dma_start3A_106] : memref<10240xf32, #tpu.memory_space<vmem>> -> memref<640xf32, #tpu.memory_space<vmem>>
        %dma_start3A_108 = tpu.memref_slice %arg4[%run_scoped3A_34, %mul3A_2] : memref<16x10240xf32, #tpu.memory_space<vmem_shared>> -> memref<1x640xf32, #tpu.memory_space<vmem_shared>>
        %dma_start3A_109 = tpu.memref_squeeze %dma_start3A_108 : memref<1x640xf32, #tpu.memory_space<vmem_shared>> -> memref<640xf32, #tpu.memory_space<vmem_shared>>
        tpu.enqueue_dma source(%dma_start3A_109 : memref<640xf32, #tpu.memory_space<vmem_shared>>) target(%dma_start3A_107 : memref<640xf32, #tpu.memory_space<vmem>>) target_semaphore(%run_scoped3A_102 : memref<!tpu.dma_semaphore, #tpu.memory_space<semaphore_mem>>)
        %dma_wait3A = arith.constant 8320 : i32
        %dma_wait3A_110 = tpu.memref_slice %run_scoped3A_7[%dma_wait3A] : memref<10240xf32, #tpu.memory_space<vmem>> -> memref<640xf32, #tpu.memory_space<vmem>>
        %dma_wait3A_111 = tpu.memref_slice %arg4[%run_scoped3A_34, %mul3A_2] : memref<16x10240xf32, #tpu.memory_space<vmem_shared>> -> memref<1x640xf32, #tpu.memory_space<vmem_shared>>
        %dma_wait3A_112 = tpu.memref_squeeze %dma_wait3A_111 : memref<1x640xf32, #tpu.memory_space<vmem_shared>> -> memref<640xf32, #tpu.memory_space<vmem_shared>>
        %dma_wait3A_113 = arith.constant 8320 : i32
        %dma_wait3A_114 = tpu.memref_slice %run_scoped3A_7[%dma_wait3A_113] : memref<10240xf32, #tpu.memory_space<vmem>> -> memref<640xf32, #tpu.memory_space<vmem>>
        %dma_wait3A_115 = tpu.memref_slice %arg4[%run_scoped3A_34, %mul3A_2] : memref<16x10240xf32, #tpu.memory_space<vmem_shared>> -> memref<1x640xf32, #tpu.memory_space<vmem_shared>>
        %dma_wait3A_116 = tpu.memref_squeeze %dma_wait3A_115 : memref<1x640xf32, #tpu.memory_space<vmem_shared>> -> memref<640xf32, #tpu.memory_space<vmem_shared>>
        tpu.wait_dma2 semaphore(%run_scoped3A_102 : memref<!tpu.dma_semaphore, #tpu.memory_space<semaphore_mem>>) src(%dma_wait3A_116 : memref<640xf32, #tpu.memory_space<vmem_shared>>) dst(%dma_wait3A_114 : memref<640xf32, #tpu.memory_space<vmem>>)
        tpu.yield
      }) : () -> ()
      %run_scoped3A_35 = arith.constant 14 : i32
      "tpu.region"() ({
        %run_scoped3A_102 = tpu.sem_alloc : memref<!tpu.dma_semaphore, #tpu.memory_space<semaphore_mem>>
        %dma_start3A = arith.constant 8960 : i32
        %dma_start3A_103 = tpu.memref_slice %run_scoped3A_7[%dma_start3A] : memref<10240xf32, #tpu.memory_space<vmem>> -> memref<640xf32, #tpu.memory_space<vmem>>
        %dma_start3A_104 = tpu.memref_slice %arg4[%run_scoped3A_35, %mul3A_2] : memref<16x10240xf32, #tpu.memory_space<vmem_shared>> -> memref<1x640xf32, #tpu.memory_space<vmem_shared>>
        %dma_start3A_105 = tpu.memref_squeeze %dma_start3A_104 : memref<1x640xf32, #tpu.memory_space<vmem_shared>> -> memref<640xf32, #tpu.memory_space<vmem_shared>>
        %dma_start3A_106 = arith.constant 8960 : i32
        %dma_start3A_107 = tpu.memref_slice %run_scoped3A_7[%dma_start3A_106] : memref<10240xf32, #tpu.memory_space<vmem>> -> memref<640xf32, #tpu.memory_space<vmem>>
        %dma_start3A_108 = tpu.memref_slice %arg4[%run_scoped3A_35, %mul3A_2] : memref<16x10240xf32, #tpu.memory_space<vmem_shared>> -> memref<1x640xf32, #tpu.memory_space<vmem_shared>>
        %dma_start3A_109 = tpu.memref_squeeze %dma_start3A_108 : memref<1x640xf32, #tpu.memory_space<vmem_shared>> -> memref<640xf32, #tpu.memory_space<vmem_shared>>
        tpu.enqueue_dma source(%dma_start3A_109 : memref<640xf32, #tpu.memory_space<vmem_shared>>) target(%dma_start3A_107 : memref<640xf32, #tpu.memory_space<vmem>>) target_semaphore(%run_scoped3A_102 : memref<!tpu.dma_semaphore, #tpu.memory_space<semaphore_mem>>)
        %dma_wait3A = arith.constant 8960 : i32
        %dma_wait3A_110 = tpu.memref_slice %run_scoped3A_7[%dma_wait3A] : memref<10240xf32, #tpu.memory_space<vmem>> -> memref<640xf32, #tpu.memory_space<vmem>>
        %dma_wait3A_111 = tpu.memref_slice %arg4[%run_scoped3A_35, %mul3A_2] : memref<16x10240xf32, #tpu.memory_space<vmem_shared>> -> memref<1x640xf32, #tpu.memory_space<vmem_shared>>
        %dma_wait3A_112 = tpu.memref_squeeze %dma_wait3A_111 : memref<1x640xf32, #tpu.memory_space<vmem_shared>> -> memref<640xf32, #tpu.memory_space<vmem_shared>>
        %dma_wait3A_113 = arith.constant 8960 : i32
        %dma_wait3A_114 = tpu.memref_slice %run_scoped3A_7[%dma_wait3A_113] : memref<10240xf32, #tpu.memory_space<vmem>> -> memref<640xf32, #tpu.memory_space<vmem>>
        %dma_wait3A_115 = tpu.memref_slice %arg4[%run_scoped3A_35, %mul3A_2] : memref<16x10240xf32, #tpu.memory_space<vmem_shared>> -> memref<1x640xf32, #tpu.memory_space<vmem_shared>>
        %dma_wait3A_116 = tpu.memref_squeeze %dma_wait3A_115 : memref<1x640xf32, #tpu.memory_space<vmem_shared>> -> memref<640xf32, #tpu.memory_space<vmem_shared>>
        tpu.wait_dma2 semaphore(%run_scoped3A_102 : memref<!tpu.dma_semaphore, #tpu.memory_space<semaphore_mem>>) src(%dma_wait3A_116 : memref<640xf32, #tpu.memory_space<vmem_shared>>) dst(%dma_wait3A_114 : memref<640xf32, #tpu.memory_space<vmem>>)
        tpu.yield
      }) : () -> ()
      %run_scoped3A_36 = arith.constant 15 : i32
      "tpu.region"() ({
        %run_scoped3A_102 = tpu.sem_alloc : memref<!tpu.dma_semaphore, #tpu.memory_space<semaphore_mem>>
        %dma_start3A = arith.constant 9600 : i32
        %dma_start3A_103 = tpu.memref_slice %run_scoped3A_7[%dma_start3A] : memref<10240xf32, #tpu.memory_space<vmem>> -> memref<640xf32, #tpu.memory_space<vmem>>
        %dma_start3A_104 = tpu.memref_slice %arg4[%run_scoped3A_36, %mul3A_2] : memref<16x10240xf32, #tpu.memory_space<vmem_shared>> -> memref<1x640xf32, #tpu.memory_space<vmem_shared>>
        %dma_start3A_105 = tpu.memref_squeeze %dma_start3A_104 : memref<1x640xf32, #tpu.memory_space<vmem_shared>> -> memref<640xf32, #tpu.memory_space<vmem_shared>>
        %dma_start3A_106 = arith.constant 9600 : i32
        %dma_start3A_107 = tpu.memref_slice %run_scoped3A_7[%dma_start3A_106] : memref<10240xf32, #tpu.memory_space<vmem>> -> memref<640xf32, #tpu.memory_space<vmem>>
        %dma_start3A_108 = tpu.memref_slice %arg4[%run_scoped3A_36, %mul3A_2] : memref<16x10240xf32, #tpu.memory_space<vmem_shared>> -> memref<1x640xf32, #tpu.memory_space<vmem_shared>>
        %dma_start3A_109 = tpu.memref_squeeze %dma_start3A_108 : memref<1x640xf32, #tpu.memory_space<vmem_shared>> -> memref<640xf32, #tpu.memory_space<vmem_shared>>
        tpu.enqueue_dma source(%dma_start3A_109 : memref<640xf32, #tpu.memory_space<vmem_shared>>) target(%dma_start3A_107 : memref<640xf32, #tpu.memory_space<vmem>>) target_semaphore(%run_scoped3A_102 : memref<!tpu.dma_semaphore, #tpu.memory_space<semaphore_mem>>)
        %dma_wait3A = arith.constant 9600 : i32
        %dma_wait3A_110 = tpu.memref_slice %run_scoped3A_7[%dma_wait3A] : memref<10240xf32, #tpu.memory_space<vmem>> -> memref<640xf32, #tpu.memory_space<vmem>>
        %dma_wait3A_111 = tpu.memref_slice %arg4[%run_scoped3A_36, %mul3A_2] : memref<16x10240xf32, #tpu.memory_space<vmem_shared>> -> memref<1x640xf32, #tpu.memory_space<vmem_shared>>
        %dma_wait3A_112 = tpu.memref_squeeze %dma_wait3A_111 : memref<1x640xf32, #tpu.memory_space<vmem_shared>> -> memref<640xf32, #tpu.memory_space<vmem_shared>>
        %dma_wait3A_113 = arith.constant 9600 : i32
        %dma_wait3A_114 = tpu.memref_slice %run_scoped3A_7[%dma_wait3A_113] : memref<10240xf32, #tpu.memory_space<vmem>> -> memref<640xf32, #tpu.memory_space<vmem>>
        %dma_wait3A_115 = tpu.memref_slice %arg4[%run_scoped3A_36, %mul3A_2] : memref<16x10240xf32, #tpu.memory_space<vmem_shared>> -> memref<1x640xf32, #tpu.memory_space<vmem_shared>>
        %dma_wait3A_116 = tpu.memref_squeeze %dma_wait3A_115 : memref<1x640xf32, #tpu.memory_space<vmem_shared>> -> memref<640xf32, #tpu.memory_space<vmem_shared>>
        tpu.wait_dma2 semaphore(%run_scoped3A_102 : memref<!tpu.dma_semaphore, #tpu.memory_space<semaphore_mem>>) src(%dma_wait3A_116 : memref<640xf32, #tpu.memory_space<vmem_shared>>) dst(%dma_wait3A_114 : memref<640xf32, #tpu.memory_space<vmem>>)
        tpu.yield
      }) : () -> ()
      %scan3A_37 = arith.constant 0 : i32
      %scan3A_38 = arith.constant 40 : i32
      %scan3A_39 = arith.addi %scan3A_37, %scan3A_38 : i32
      %scan3A_40 = arith.constant 1 : i32
      scf.for %scan3A_102 = %scan3A_37 to %scan3A_39 step %scan3A_40  : i32 {
        %mul3A_103 = arith.constant 1 : i32
        %mul3A_104 = arith.muli %scan3A_102, %mul3A_103 : i32
        %add3A_105 = arith.constant 0 : i32
        %add3A_106 = arith.addi %add3A_105, %mul3A_104 : i32
        %mul3A_107 = arith.constant 16 : i32
        %mul3A_108 = arith.muli %add3A_106, %mul3A_107 : i32
        %add3A_109 = arith.constant 0 : i32
        %add3A_110 = arith.addi %add3A_109, %mul3A_108 : i32
        %get3A = arith.index_cast %add3A_110 : i32 to index
        %get3A_111 = tpu.vector_load %run_scoped3A_7[%get3A] {strides = array<i32>} : memref<10240xf32, #tpu.memory_space<vmem>>, vector<16xf32>,
        %add3A_112 = arith.addf %broadcast_in_dim3A_5, %get3A_111 : vector<16xf32>
        %mul3A_113 = arith.constant 16 : i32
        %mul3A_114 = arith.muli %add3A_106, %mul3A_113 : i32
        %add3A_115 = arith.constant 640 : i32
        %add3A_116 = arith.addi %add3A_115, %mul3A_114 : i32
        %get3A_117 = arith.index_cast %add3A_116 : i32 to index
        %get3A_118 = tpu.vector_load %run_scoped3A_7[%get3A_117] {strides = array<i32>} : memref<10240xf32, #tpu.memory_space<vmem>>, vector<16xf32>,
        %add3A_119 = arith.addf %add3A_112, %get3A_118 : vector<16xf32>
        %mul3A_120 = arith.constant 16 : i32
        %mul3A_121 = arith.muli %add3A_106, %mul3A_120 : i32
        %add3A_122 = arith.constant 1280 : i32
        %add3A_123 = arith.addi %add3A_122, %mul3A_121 : i32
        %get3A_124 = arith.index_cast %add3A_123 : i32 to index
        %get3A_125 = tpu.vector_load %run_scoped3A_7[%get3A_124] {strides = array<i32>} : memref<10240xf32, #tpu.memory_space<vmem>>, vector<16xf32>,
        %add3A_126 = arith.addf %add3A_119, %get3A_125 : vector<16xf32>
        %mul3A_127 = arith.constant 16 : i32
        %mul3A_128 = arith.muli %add3A_106, %mul3A_127 : i32
        %add3A_129 = arith.constant 1920 : i32
        %add3A_130 = arith.addi %add3A_129, %mul3A_128 : i32
        %get3A_131 = arith.index_cast %add3A_130 : i32 to index
        %get3A_132 = tpu.vector_load %run_scoped3A_7[%get3A_131] {strides = array<i32>} : memref<10240xf32, #tpu.memory_space<vmem>>, vector<16xf32>,
        %add3A_133 = arith.addf %add3A_126, %get3A_132 : vector<16xf32>
        %mul3A_134 = arith.constant 16 : i32
        %mul3A_135 = arith.muli %add3A_106, %mul3A_134 : i32
        %add3A_136 = arith.constant 2560 : i32
        %add3A_137 = arith.addi %add3A_136, %mul3A_135 : i32
        %get3A_138 = arith.index_cast %add3A_137 : i32 to index
        %get3A_139 = tpu.vector_load %run_scoped3A_7[%get3A_138] {strides = array<i32>} : memref<10240xf32, #tpu.memory_space<vmem>>, vector<16xf32>,
        %add3A_140 = arith.addf %add3A_133, %get3A_139 : vector<16xf32>
        %mul3A_141 = arith.constant 16 : i32
        %mul3A_142 = arith.muli %add3A_106, %mul3A_141 : i32
        %add3A_143 = arith.constant 3200 : i32
        %add3A_144 = arith.addi %add3A_143, %mul3A_142 : i32
        %get3A_145 = arith.index_cast %add3A_144 : i32 to index
        %get3A_146 = tpu.vector_load %run_scoped3A_7[%get3A_145] {strides = array<i32>} : memref<10240xf32, #tpu.memory_space<vmem>>, vector<16xf32>,
        %add3A_147 = arith.addf %add3A_140, %get3A_146 : vector<16xf32>
        %mul3A_148 = arith.constant 16 : i32
        %mul3A_149 = arith.muli %add3A_106, %mul3A_148 : i32
        %add3A_150 = arith.constant 3840 : i32
        %add3A_151 = arith.addi %add3A_150, %mul3A_149 : i32
        %get3A_152 = arith.index_cast %add3A_151 : i32 to index
        %get3A_153 = tpu.vector_load %run_scoped3A_7[%get3A_152] {strides = array<i32>} : memref<10240xf32, #tpu.memory_space<vmem>>, vector<16xf32>,
        %add3A_154 = arith.addf %add3A_147, %get3A_153 : vector<16xf32>
        %mul3A_155 = arith.constant 16 : i32
        %mul3A_156 = arith.muli %add3A_106, %mul3A_155 : i32
        %add3A_157 = arith.constant 4480 : i32
        %add3A_158 = arith.addi %add3A_157, %mul3A_156 : i32
        %get3A_159 = arith.index_cast %add3A_158 : i32 to index
        %get3A_160 = tpu.vector_load %run_scoped3A_7[%get3A_159] {strides = array<i32>} : memref<10240xf32, #tpu.memory_space<vmem>>, vector<16xf32>,
        %add3A_161 = arith.addf %add3A_154, %get3A_160 : vector<16xf32>
        %mul3A_162 = arith.constant 16 : i32
        %mul3A_163 = arith.muli %add3A_106, %mul3A_162 : i32
        %add3A_164 = arith.constant 5120 : i32
        %add3A_165 = arith.addi %add3A_164, %mul3A_163 : i32
        %get3A_166 = arith.index_cast %add3A_165 : i32 to index
        %get3A_167 = tpu.vector_load %run_scoped3A_7[%get3A_166] {strides = array<i32>} : memref<10240xf32, #tpu.memory_space<vmem>>, vector<16xf32>,
        %add3A_168 = arith.addf %add3A_161, %get3A_167 : vector<16xf32>
        %mul3A_169 = arith.constant 16 : i32
        %mul3A_170 = arith.muli %add3A_106, %mul3A_169 : i32
        %add3A_171 = arith.constant 5760 : i32
        %add3A_172 = arith.addi %add3A_171, %mul3A_170 : i32
        %get3A_173 = arith.index_cast %add3A_172 : i32 to index
        %get3A_174 = tpu.vector_load %run_scoped3A_7[%get3A_173] {strides = array<i32>} : memref<10240xf32, #tpu.memory_space<vmem>>, vector<16xf32>,
        %add3A_175 = arith.addf %add3A_168, %get3A_174 : vector<16xf32>
        %mul3A_176 = arith.constant 16 : i32
        %mul3A_177 = arith.muli %add3A_106, %mul3A_176 : i32
        %add3A_178 = arith.constant 6400 : i32
        %add3A_179 = arith.addi %add3A_178, %mul3A_177 : i32
        %get3A_180 = arith.index_cast %add3A_179 : i32 to index
        %get3A_181 = tpu.vector_load %run_scoped3A_7[%get3A_180] {strides = array<i32>} : memref<10240xf32, #tpu.memory_space<vmem>>, vector<16xf32>,
        %add3A_182 = arith.addf %add3A_175, %get3A_181 : vector<16xf32>
        %mul3A_183 = arith.constant 16 : i32
        %mul3A_184 = arith.muli %add3A_106, %mul3A_183 : i32
        %add3A_185 = arith.constant 7040 : i32
        %add3A_186 = arith.addi %add3A_185, %mul3A_184 : i32
        %get3A_187 = arith.index_cast %add3A_186 : i32 to index
        %get3A_188 = tpu.vector_load %run_scoped3A_7[%get3A_187] {strides = array<i32>} : memref<10240xf32, #tpu.memory_space<vmem>>, vector<16xf32>,
        %add3A_189 = arith.addf %add3A_182, %get3A_188 : vector<16xf32>
        %mul3A_190 = arith.constant 16 : i32
        %mul3A_191 = arith.muli %add3A_106, %mul3A_190 : i32
        %add3A_192 = arith.constant 7680 : i32
        %add3A_193 = arith.addi %add3A_192, %mul3A_191 : i32
        %get3A_194 = arith.index_cast %add3A_193 : i32 to index
        %get3A_195 = tpu.vector_load %run_scoped3A_7[%get3A_194] {strides = array<i32>} : memref<10240xf32, #tpu.memory_space<vmem>>, vector<16xf32>,
        %add3A_196 = arith.addf %add3A_189, %get3A_195 : vector<16xf32>
        %mul3A_197 = arith.constant 16 : i32
        %mul3A_198 = arith.muli %add3A_106, %mul3A_197 : i32
        %add3A_199 = arith.constant 8320 : i32
        %add3A_200 = arith.addi %add3A_199, %mul3A_198 : i32
        %get3A_201 = arith.index_cast %add3A_200 : i32 to index
        %get3A_202 = tpu.vector_load %run_scoped3A_7[%get3A_201] {strides = array<i32>} : memref<10240xf32, #tpu.memory_space<vmem>>, vector<16xf32>,
        %add3A_203 = arith.addf %add3A_196, %get3A_202 : vector<16xf32>
        %mul3A_204 = arith.constant 16 : i32
        %mul3A_205 = arith.muli %add3A_106, %mul3A_204 : i32
        %add3A_206 = arith.constant 8960 : i32
        %add3A_207 = arith.addi %add3A_206, %mul3A_205 : i32
        %get3A_208 = arith.index_cast %add3A_207 : i32 to index
        %get3A_209 = tpu.vector_load %run_scoped3A_7[%get3A_208] {strides = array<i32>} : memref<10240xf32, #tpu.memory_space<vmem>>, vector<16xf32>,
        %add3A_210 = arith.addf %add3A_203, %get3A_209 : vector<16xf32>
        %mul3A_211 = arith.constant 16 : i32
        %mul3A_212 = arith.muli %add3A_106, %mul3A_211 : i32
        %add3A_213 = arith.constant 9600 : i32
        %add3A_214 = arith.addi %add3A_213, %mul3A_212 : i32
        %get3A_215 = arith.index_cast %add3A_214 : i32 to index
        %get3A_216 = tpu.vector_load %run_scoped3A_7[%get3A_215] {strides = array<i32>} : memref<10240xf32, #tpu.memory_space<vmem>>, vector<16xf32>,
        %add3A_217 = arith.addf %add3A_210, %get3A_216 : vector<16xf32>
        %mul3A_218 = arith.constant 16 : i32
        %mul3A_219 = arith.muli %add3A_106, %mul3A_218 : i32
        %swap3A = arith.index_cast %mul3A_219 : i32 to index
        %swap3A_220 = tpu.vector_load %run_scoped3A_8[%swap3A] {strides = array<i32>} : memref<640xf32, #tpu.memory_space<vmem>>, vector<16xf32>,
        tpu.vector_store %run_scoped3A_8[%swap3A], %add3A_217 {strides = array<i32>} : memref<640xf32, #tpu.memory_space<vmem>>, vector<16xf32>,
      }
      %scan3A_41 = arith.constant 40 : i32
      %scan3A_42 = arith.constant 0 : i32
      %scan3A_43 = arith.constant 128 : i32
      %scan3A_44 = arith.addi %scan3A_42, %scan3A_43 : i32
      %scan3A_45 = arith.constant 1 : i32
      scf.for %scan3A_102 = %scan3A_42 to %scan3A_44 step %scan3A_45  : i32 {
        %mul3A_103 = arith.constant 1 : i32
        %mul3A_104 = arith.muli %scan3A_102, %mul3A_103 : i32
        %add3A_105 = arith.constant 0 : i32
        %add3A_106 = arith.addi %add3A_105, %mul3A_104 : i32
        %add3A_107 = arith.constant 0 : i32
        %add3A_108 = arith.addi %add3A_107, %add3A_106 : i32
        %broadcast_in_dim3A_109 = vector.broadcast %add3A_108 : i32 to vector<16xi32>
        %gather3A = tpu.vector_load_idx %run_scoped3A_8[%broadcast_in_dim3A_109] : memref<640xf32, #tpu.memory_space<vmem>>[vector<16xi32>], vector<16xf32>,
        %mul3A_110 = arith.constant 128 : i32
        %mul3A_111 = arith.muli %add3A_106, %mul3A_110 : i32
        %add3A_112 = arith.constant 0 : i32
        %add3A_113 = arith.addi %mul3A_111, %add3A_112 : i32
        %swap3A = arith.index_cast %add3A_113 : i32 to index
        %swap3A_114 = tpu.vector_load %run_scoped3A_9[%swap3A] {strides = array<i32>} : memref<16384xf32, #tpu.memory_space<vmem>>, vector<16xf32>,
        tpu.vector_store %run_scoped3A_9[%swap3A], %gather3A {strides = array<i32>} : memref<16384xf32, #tpu.memory_space<vmem>>, vector<16xf32>,
        %mul3A_115 = arith.constant 128 : i32
        %mul3A_116 = arith.muli %add3A_106, %mul3A_115 : i32
        %add3A_117 = arith.constant 16 : i32
        %add3A_118 = arith.addi %mul3A_116, %add3A_117 : i32
        %swap3A_119 = arith.index_cast %add3A_118 : i32 to index
        %swap3A_120 = tpu.vector_load %run_scoped3A_9[%swap3A_119] {strides = array<i32>} : memref<16384xf32, #tpu.memory_space<vmem>>, vector<16xf32>,
        tpu.vector_store %run_scoped3A_9[%swap3A_119], %gather3A {strides = array<i32>} : memref<16384xf32, #tpu.memory_space<vmem>>, vector<16xf32>,
        %mul3A_121 = arith.constant 128 : i32
        %mul3A_122 = arith.muli %add3A_106, %mul3A_121 : i32
        %add3A_123 = arith.constant 32 : i32
        %add3A_124 = arith.addi %mul3A_122, %add3A_123 : i32
        %swap3A_125 = arith.index_cast %add3A_124 : i32 to index
        %swap3A_126 = tpu.vector_load %run_scoped3A_9[%swap3A_125] {strides = array<i32>} : memref<16384xf32, #tpu.memory_space<vmem>>, vector<16xf32>,
        tpu.vector_store %run_scoped3A_9[%swap3A_125], %gather3A {strides = array<i32>} : memref<16384xf32, #tpu.memory_space<vmem>>, vector<16xf32>,
        %mul3A_127 = arith.constant 128 : i32
        %mul3A_128 = arith.muli %add3A_106, %mul3A_127 : i32
        %add3A_129 = arith.constant 48 : i32
        %add3A_130 = arith.addi %mul3A_128, %add3A_129 : i32
        %swap3A_131 = arith.index_cast %add3A_130 : i32 to index
        %swap3A_132 = tpu.vector_load %run_scoped3A_9[%swap3A_131] {strides = array<i32>} : memref<16384xf32, #tpu.memory_space<vmem>>, vector<16xf32>,
        tpu.vector_store %run_scoped3A_9[%swap3A_131], %gather3A {strides = array<i32>} : memref<16384xf32, #tpu.memory_space<vmem>>, vector<16xf32>,
        %mul3A_133 = arith.constant 128 : i32
        %mul3A_134 = arith.muli %add3A_106, %mul3A_133 : i32
        %add3A_135 = arith.constant 64 : i32
        %add3A_136 = arith.addi %mul3A_134, %add3A_135 : i32
        %swap3A_137 = arith.index_cast %add3A_136 : i32 to index
        %swap3A_138 = tpu.vector_load %run_scoped3A_9[%swap3A_137] {strides = array<i32>} : memref<16384xf32, #tpu.memory_space<vmem>>, vector<16xf32>,
        tpu.vector_store %run_scoped3A_9[%swap3A_137], %gather3A {strides = array<i32>} : memref<16384xf32, #tpu.memory_space<vmem>>, vector<16xf32>,
        %mul3A_139 = arith.constant 128 : i32
        %mul3A_140 = arith.muli %add3A_106, %mul3A_139 : i32
        %add3A_141 = arith.constant 80 : i32
        %add3A_142 = arith.addi %mul3A_140, %add3A_141 : i32
        %swap3A_143 = arith.index_cast %add3A_142 : i32 to index
        %swap3A_144 = tpu.vector_load %run_scoped3A_9[%swap3A_143] {strides = array<i32>} : memref<16384xf32, #tpu.memory_space<vmem>>, vector<16xf32>,
        tpu.vector_store %run_scoped3A_9[%swap3A_143], %gather3A {strides = array<i32>} : memref<16384xf32, #tpu.memory_space<vmem>>, vector<16xf32>,
        %mul3A_145 = arith.constant 128 : i32
        %mul3A_146 = arith.muli %add3A_106, %mul3A_145 : i32
        %add3A_147 = arith.constant 96 : i32
        %add3A_148 = arith.addi %mul3A_146, %add3A_147 : i32
        %swap3A_149 = arith.index_cast %add3A_148 : i32 to index
        %swap3A_150 = tpu.vector_load %run_scoped3A_9[%swap3A_149] {strides = array<i32>} : memref<16384xf32, #tpu.memory_space<vmem>>, vector<16xf32>,
        tpu.vector_store %run_scoped3A_9[%swap3A_149], %gather3A {strides = array<i32>} : memref<16384xf32, #tpu.memory_space<vmem>>, vector<16xf32>,
        %mul3A_151 = arith.constant 128 : i32
        %mul3A_152 = arith.muli %add3A_106, %mul3A_151 : i32
        %add3A_153 = arith.constant 112 : i32
        %add3A_154 = arith.addi %mul3A_152, %add3A_153 : i32
        %swap3A_155 = arith.index_cast %add3A_154 : i32 to index
        %swap3A_156 = tpu.vector_load %run_scoped3A_9[%swap3A_155] {strides = array<i32>} : memref<16384xf32, #tpu.memory_space<vmem>>, vector<16xf32>,
        tpu.vector_store %run_scoped3A_9[%swap3A_155], %gather3A {strides = array<i32>} : memref<16384xf32, #tpu.memory_space<vmem>>, vector<16xf32>,
      }
      %scan3A_46 = arith.constant 128 : i32
      %mul3A_47 = arith.constant 10240 : i32
      %mul3A_48 = arith.muli %arg0, %mul3A_47 : i32
      %add3A_49 = arith.addi %mul3A_48, %mul3A_2 : i32
      %add3A_50 = arith.constant 0 : i32
      %add3A_51 = arith.addi %add3A_49, %add3A_50 : i32
      %mul3A_52 = arith.constant 128 : i32
      %mul3A_53 = arith.muli %add3A_51, %mul3A_52 : i32
      "tpu.region"() ({
        %run_scoped3A_102 = tpu.sem_alloc : memref<!tpu.dma_semaphore, #tpu.memory_space<semaphore_mem>>
        %dma_start3A = tpu.memref_slice %arg3[%mul3A_53] : memref<2621440xf32, #tpu.memory_space<hbm>> -> memref<16384xf32, #tpu.memory_space<hbm>>
        %dma_start3A_103 = tpu.memref_slice %arg3[%mul3A_53] : memref<2621440xf32, #tpu.memory_space<hbm>> -> memref<16384xf32, #tpu.memory_space<hbm>>
        tpu.enqueue_dma source(%run_scoped3A_9 : memref<16384xf32, #tpu.memory_space<vmem>>) target(%dma_start3A_103 : memref<16384xf32, #tpu.memory_space<hbm>>) target_semaphore(%run_scoped3A_102 : memref<!tpu.dma_semaphore, #tpu.memory_space<semaphore_mem>>)
        %dma_wait3A = tpu.memref_slice %arg3[%mul3A_53] : memref<2621440xf32, #tpu.memory_space<hbm>> -> memref<16384xf32, #tpu.memory_space<hbm>>
        %dma_wait3A_104 = tpu.memref_slice %arg3[%mul3A_53] : memref<2621440xf32, #tpu.memory_space<hbm>> -> memref<16384xf32, #tpu.memory_space<hbm>>
        tpu.wait_dma2 semaphore(%run_scoped3A_102 : memref<!tpu.dma_semaphore, #tpu.memory_space<semaphore_mem>>) src(%run_scoped3A_9 : memref<16384xf32, #tpu.memory_space<vmem>>) dst(%dma_wait3A_104 : memref<16384xf32, #tpu.memory_space<hbm>>)
        tpu.yield
      }) : () -> ()
      %scan3A_54 = arith.constant 0 : i32
      %scan3A_55 = arith.constant 128 : i32
      %scan3A_56 = arith.addi %scan3A_54, %scan3A_55 : i32
      %scan3A_57 = arith.constant 1 : i32
      scf.for %scan3A_102 = %scan3A_54 to %scan3A_56 step %scan3A_57  : i32 {
        %mul3A_103 = arith.constant 1 : i32
        %mul3A_104 = arith.muli %scan3A_102, %mul3A_103 : i32
        %add3A_105 = arith.constant 0 : i32
        %add3A_106 = arith.addi %add3A_105, %mul3A_104 : i32
        %add3A_107 = arith.constant 128 : i32
        %add3A_108 = arith.addi %add3A_107, %add3A_106 : i32
        %broadcast_in_dim3A_109 = vector.broadcast %add3A_108 : i32 to vector<16xi32>
        %gather3A = tpu.vector_load_idx %run_scoped3A_8[%broadcast_in_dim3A_109] : memref<640xf32, #tpu.memory_space<vmem>>[vector<16xi32>], vector<16xf32>,
        %mul3A_110 = arith.constant 128 : i32
        %mul3A_111 = arith.muli %add3A_106, %mul3A_110 : i32
        %add3A_112 = arith.constant 0 : i32
        %add3A_113 = arith.addi %mul3A_111, %add3A_112 : i32
        %swap3A = arith.index_cast %add3A_113 : i32 to index
        %swap3A_114 = tpu.vector_load %run_scoped3A_9[%swap3A] {strides = array<i32>} : memref<16384xf32, #tpu.memory_space<vmem>>, vector<16xf32>,
        tpu.vector_store %run_scoped3A_9[%swap3A], %gather3A {strides = array<i32>} : memref<16384xf32, #tpu.memory_space<vmem>>, vector<16xf32>,
        %mul3A_115 = arith.constant 128 : i32
        %mul3A_116 = arith.muli %add3A_106, %mul3A_115 : i32
        %add3A_117 = arith.constant 16 : i32
        %add3A_118 = arith.addi %mul3A_116, %add3A_117 : i32
        %swap3A_119 = arith.index_cast %add3A_118 : i32 to index
        %swap3A_120 = tpu.vector_load %run_scoped3A_9[%swap3A_119] {strides = array<i32>} : memref<16384xf32, #tpu.memory_space<vmem>>, vector<16xf32>,
        tpu.vector_store %run_scoped3A_9[%swap3A_119], %gather3A {strides = array<i32>} : memref<16384xf32, #tpu.memory_space<vmem>>, vector<16xf32>,
        %mul3A_121 = arith.constant 128 : i32
        %mul3A_122 = arith.muli %add3A_106, %mul3A_121 : i32
        %add3A_123 = arith.constant 32 : i32
        %add3A_124 = arith.addi %mul3A_122, %add3A_123 : i32
        %swap3A_125 = arith.index_cast %add3A_124 : i32 to index
        %swap3A_126 = tpu.vector_load %run_scoped3A_9[%swap3A_125] {strides = array<i32>} : memref<16384xf32, #tpu.memory_space<vmem>>, vector<16xf32>,
        tpu.vector_store %run_scoped3A_9[%swap3A_125], %gather3A {strides = array<i32>} : memref<16384xf32, #tpu.memory_space<vmem>>, vector<16xf32>,
        %mul3A_127 = arith.constant 128 : i32
        %mul3A_128 = arith.muli %add3A_106, %mul3A_127 : i32
        %add3A_129 = arith.constant 48 : i32
        %add3A_130 = arith.addi %mul3A_128, %add3A_129 : i32
        %swap3A_131 = arith.index_cast %add3A_130 : i32 to index
        %swap3A_132 = tpu.vector_load %run_scoped3A_9[%swap3A_131] {strides = array<i32>} : memref<16384xf32, #tpu.memory_space<vmem>>, vector<16xf32>,
        tpu.vector_store %run_scoped3A_9[%swap3A_131], %gather3A {strides = array<i32>} : memref<16384xf32, #tpu.memory_space<vmem>>, vector<16xf32>,
        %mul3A_133 = arith.constant 128 : i32
        %mul3A_134 = arith.muli %add3A_106, %mul3A_133 : i32
        %add3A_135 = arith.constant 64 : i32
        %add3A_136 = arith.addi %mul3A_134, %add3A_135 : i32
        %swap3A_137 = arith.index_cast %add3A_136 : i32 to index
        %swap3A_138 = tpu.vector_load %run_scoped3A_9[%swap3A_137] {strides = array<i32>} : memref<16384xf32, #tpu.memory_space<vmem>>, vector<16xf32>,
        tpu.vector_store %run_scoped3A_9[%swap3A_137], %gather3A {strides = array<i32>} : memref<16384xf32, #tpu.memory_space<vmem>>, vector<16xf32>,
        %mul3A_139 = arith.constant 128 : i32
        %mul3A_140 = arith.muli %add3A_106, %mul3A_139 : i32
        %add3A_141 = arith.constant 80 : i32
        %add3A_142 = arith.addi %mul3A_140, %add3A_141 : i32
        %swap3A_143 = arith.index_cast %add3A_142 : i32 to index
        %swap3A_144 = tpu.vector_load %run_scoped3A_9[%swap3A_143] {strides = array<i32>} : memref<16384xf32, #tpu.memory_space<vmem>>, vector<16xf32>,
        tpu.vector_store %run_scoped3A_9[%swap3A_143], %gather3A {strides = array<i32>} : memref<16384xf32, #tpu.memory_space<vmem>>, vector<16xf32>,
        %mul3A_145 = arith.constant 128 : i32
        %mul3A_146 = arith.muli %add3A_106, %mul3A_145 : i32
        %add3A_147 = arith.constant 96 : i32
        %add3A_148 = arith.addi %mul3A_146, %add3A_147 : i32
        %swap3A_149 = arith.index_cast %add3A_148 : i32 to index
        %swap3A_150 = tpu.vector_load %run_scoped3A_9[%swap3A_149] {strides = array<i32>} : memref<16384xf32, #tpu.memory_space<vmem>>, vector<16xf32>,
        tpu.vector_store %run_scoped3A_9[%swap3A_149], %gather3A {strides = array<i32>} : memref<16384xf32, #tpu.memory_space<vmem>>, vector<16xf32>,
        %mul3A_151 = arith.constant 128 : i32
        %mul3A_152 = arith.muli %add3A_106, %mul3A_151 : i32
        %add3A_153 = arith.constant 112 : i32
        %add3A_154 = arith.addi %mul3A_152, %add3A_153 : i32
        %swap3A_155 = arith.index_cast %add3A_154 : i32 to index
        %swap3A_156 = tpu.vector_load %run_scoped3A_9[%swap3A_155] {strides = array<i32>} : memref<16384xf32, #tpu.memory_space<vmem>>, vector<16xf32>,
        tpu.vector_store %run_scoped3A_9[%swap3A_155], %gather3A {strides = array<i32>} : memref<16384xf32, #tpu.memory_space<vmem>>, vector<16xf32>,
      }
      %scan3A_58 = arith.constant 128 : i32
      %mul3A_59 = arith.constant 10240 : i32
      %mul3A_60 = arith.muli %arg0, %mul3A_59 : i32
      %add3A_61 = arith.addi %mul3A_60, %mul3A_2 : i32
      %add3A_62 = arith.constant 128 : i32
      %add3A_63 = arith.addi %add3A_61, %add3A_62 : i32
      %mul3A_64 = arith.constant 128 : i32
      %mul3A_65 = arith.muli %add3A_63, %mul3A_64 : i32
      "tpu.region"() ({
        %run_scoped3A_102 = tpu.sem_alloc : memref<!tpu.dma_semaphore, #tpu.memory_space<semaphore_mem>>
        %dma_start3A = tpu.memref_slice %arg3[%mul3A_65] : memref<2621440xf32, #tpu.memory_space<hbm>> -> memref<16384xf32, #tpu.memory_space<hbm>>
        %dma_start3A_103 = tpu.memref_slice %arg3[%mul3A_65] : memref<2621440xf32, #tpu.memory_space<hbm>> -> memref<16384xf32, #tpu.memory_space<hbm>>
        tpu.enqueue_dma source(%run_scoped3A_9 : memref<16384xf32, #tpu.memory_space<vmem>>) target(%dma_start3A_103 : memref<16384xf32, #tpu.memory_space<hbm>>) target_semaphore(%run_scoped3A_102 : memref<!tpu.dma_semaphore, #tpu.memory_space<semaphore_mem>>)
        %dma_wait3A = tpu.memref_slice %arg3[%mul3A_65] : memref<2621440xf32, #tpu.memory_space<hbm>> -> memref<16384xf32, #tpu.memory_space<hbm>>
        %dma_wait3A_104 = tpu.memref_slice %arg3[%mul3A_65] : memref<2621440xf32, #tpu.memory_space<hbm>> -> memref<16384xf32, #tpu.memory_space<hbm>>
        tpu.wait_dma2 semaphore(%run_scoped3A_102 : memref<!tpu.dma_semaphore, #tpu.memory_space<semaphore_mem>>) src(%run_scoped3A_9 : memref<16384xf32, #tpu.memory_space<vmem>>) dst(%dma_wait3A_104 : memref<16384xf32, #tpu.memory_space<hbm>>)
        tpu.yield
      }) : () -> ()
      %scan3A_66 = arith.constant 0 : i32
      %scan3A_67 = arith.constant 128 : i32
      %scan3A_68 = arith.addi %scan3A_66, %scan3A_67 : i32
      %scan3A_69 = arith.constant 1 : i32
      scf.for %scan3A_102 = %scan3A_66 to %scan3A_68 step %scan3A_69  : i32 {
        %mul3A_103 = arith.constant 1 : i32
        %mul3A_104 = arith.muli %scan3A_102, %mul3A_103 : i32
        %add3A_105 = arith.constant 0 : i32
        %add3A_106 = arith.addi %add3A_105, %mul3A_104 : i32
        %add3A_107 = arith.constant 256 : i32
        %add3A_108 = arith.addi %add3A_107, %add3A_106 : i32
        %broadcast_in_dim3A_109 = vector.broadcast %add3A_108 : i32 to vector<16xi32>
        %gather3A = tpu.vector_load_idx %run_scoped3A_8[%broadcast_in_dim3A_109] : memref<640xf32, #tpu.memory_space<vmem>>[vector<16xi32>], vector<16xf32>,
        %mul3A_110 = arith.constant 128 : i32
        %mul3A_111 = arith.muli %add3A_106, %mul3A_110 : i32
        %add3A_112 = arith.constant 0 : i32
        %add3A_113 = arith.addi %mul3A_111, %add3A_112 : i32
        %swap3A = arith.index_cast %add3A_113 : i32 to index
        %swap3A_114 = tpu.vector_load %run_scoped3A_9[%swap3A] {strides = array<i32>} : memref<16384xf32, #tpu.memory_space<vmem>>, vector<16xf32>,
        tpu.vector_store %run_scoped3A_9[%swap3A], %gather3A {strides = array<i32>} : memref<16384xf32, #tpu.memory_space<vmem>>, vector<16xf32>,
        %mul3A_115 = arith.constant 128 : i32
        %mul3A_116 = arith.muli %add3A_106, %mul3A_115 : i32
        %add3A_117 = arith.constant 16 : i32
        %add3A_118 = arith.addi %mul3A_116, %add3A_117 : i32
        %swap3A_119 = arith.index_cast %add3A_118 : i32 to index
        %swap3A_120 = tpu.vector_load %run_scoped3A_9[%swap3A_119] {strides = array<i32>} : memref<16384xf32, #tpu.memory_space<vmem>>, vector<16xf32>,
        tpu.vector_store %run_scoped3A_9[%swap3A_119], %gather3A {strides = array<i32>} : memref<16384xf32, #tpu.memory_space<vmem>>, vector<16xf32>,
        %mul3A_121 = arith.constant 128 : i32
        %mul3A_122 = arith.muli %add3A_106, %mul3A_121 : i32
        %add3A_123 = arith.constant 32 : i32
        %add3A_124 = arith.addi %mul3A_122, %add3A_123 : i32
        %swap3A_125 = arith.index_cast %add3A_124 : i32 to index
        %swap3A_126 = tpu.vector_load %run_scoped3A_9[%swap3A_125] {strides = array<i32>} : memref<16384xf32, #tpu.memory_space<vmem>>, vector<16xf32>,
        tpu.vector_store %run_scoped3A_9[%swap3A_125], %gather3A {strides = array<i32>} : memref<16384xf32, #tpu.memory_space<vmem>>, vector<16xf32>,
        %mul3A_127 = arith.constant 128 : i32
        %mul3A_128 = arith.muli %add3A_106, %mul3A_127 : i32
        %add3A_129 = arith.constant 48 : i32
        %add3A_130 = arith.addi %mul3A_128, %add3A_129 : i32
        %swap3A_131 = arith.index_cast %add3A_130 : i32 to index
        %swap3A_132 = tpu.vector_load %run_scoped3A_9[%swap3A_131] {strides = array<i32>} : memref<16384xf32, #tpu.memory_space<vmem>>, vector<16xf32>,
        tpu.vector_store %run_scoped3A_9[%swap3A_131], %gather3A {strides = array<i32>} : memref<16384xf32, #tpu.memory_space<vmem>>, vector<16xf32>,
        %mul3A_133 = arith.constant 128 : i32
        %mul3A_134 = arith.muli %add3A_106, %mul3A_133 : i32
        %add3A_135 = arith.constant 64 : i32
        %add3A_136 = arith.addi %mul3A_134, %add3A_135 : i32
        %swap3A_137 = arith.index_cast %add3A_136 : i32 to index
        %swap3A_138 = tpu.vector_load %run_scoped3A_9[%swap3A_137] {strides = array<i32>} : memref<16384xf32, #tpu.memory_space<vmem>>, vector<16xf32>,
        tpu.vector_store %run_scoped3A_9[%swap3A_137], %gather3A {strides = array<i32>} : memref<16384xf32, #tpu.memory_space<vmem>>, vector<16xf32>,
        %mul3A_139 = arith.constant 128 : i32
        %mul3A_140 = arith.muli %add3A_106, %mul3A_139 : i32
        %add3A_141 = arith.constant 80 : i32
        %add3A_142 = arith.addi %mul3A_140, %add3A_141 : i32
        %swap3A_143 = arith.index_cast %add3A_142 : i32 to index
        %swap3A_144 = tpu.vector_load %run_scoped3A_9[%swap3A_143] {strides = array<i32>} : memref<16384xf32, #tpu.memory_space<vmem>>, vector<16xf32>,
        tpu.vector_store %run_scoped3A_9[%swap3A_143], %gather3A {strides = array<i32>} : memref<16384xf32, #tpu.memory_space<vmem>>, vector<16xf32>,
        %mul3A_145 = arith.constant 128 : i32
        %mul3A_146 = arith.muli %add3A_106, %mul3A_145 : i32
        %add3A_147 = arith.constant 96 : i32
        %add3A_148 = arith.addi %mul3A_146, %add3A_147 : i32
        %swap3A_149 = arith.index_cast %add3A_148 : i32 to index
        %swap3A_150 = tpu.vector_load %run_scoped3A_9[%swap3A_149] {strides = array<i32>} : memref<16384xf32, #tpu.memory_space<vmem>>, vector<16xf32>,
        tpu.vector_store %run_scoped3A_9[%swap3A_149], %gather3A {strides = array<i32>} : memref<16384xf32, #tpu.memory_space<vmem>>, vector<16xf32>,
        %mul3A_151 = arith.constant 128 : i32
        %mul3A_152 = arith.muli %add3A_106, %mul3A_151 : i32
        %add3A_153 = arith.constant 112 : i32
        %add3A_154 = arith.addi %mul3A_152, %add3A_153 : i32
        %swap3A_155 = arith.index_cast %add3A_154 : i32 to index
        %swap3A_156 = tpu.vector_load %run_scoped3A_9[%swap3A_155] {strides = array<i32>} : memref<16384xf32, #tpu.memory_space<vmem>>, vector<16xf32>,
        tpu.vector_store %run_scoped3A_9[%swap3A_155], %gather3A {strides = array<i32>} : memref<16384xf32, #tpu.memory_space<vmem>>, vector<16xf32>,
      }
      %scan3A_70 = arith.constant 128 : i32
      %mul3A_71 = arith.constant 10240 : i32
      %mul3A_72 = arith.muli %arg0, %mul3A_71 : i32
      %add3A_73 = arith.addi %mul3A_72, %mul3A_2 : i32
      %add3A_74 = arith.constant 256 : i32
      %add3A_75 = arith.addi %add3A_73, %add3A_74 : i32
      %mul3A_76 = arith.constant 128 : i32
      %mul3A_77 = arith.muli %add3A_75, %mul3A_76 : i32
      "tpu.region"() ({
        %run_scoped3A_102 = tpu.sem_alloc : memref<!tpu.dma_semaphore, #tpu.memory_space<semaphore_mem>>
        %dma_start3A = tpu.memref_slice %arg3[%mul3A_77] : memref<2621440xf32, #tpu.memory_space<hbm>> -> memref<16384xf32, #tpu.memory_space<hbm>>
        %dma_start3A_103 = tpu.memref_slice %arg3[%mul3A_77] : memref<2621440xf32, #tpu.memory_space<hbm>> -> memref<16384xf32, #tpu.memory_space<hbm>>
        tpu.enqueue_dma source(%run_scoped3A_9 : memref<16384xf32, #tpu.memory_space<vmem>>) target(%dma_start3A_103 : memref<16384xf32, #tpu.memory_space<hbm>>) target_semaphore(%run_scoped3A_102 : memref<!tpu.dma_semaphore, #tpu.memory_space<semaphore_mem>>)
        %dma_wait3A = tpu.memref_slice %arg3[%mul3A_77] : memref<2621440xf32, #tpu.memory_space<hbm>> -> memref<16384xf32, #tpu.memory_space<hbm>>
        %dma_wait3A_104 = tpu.memref_slice %arg3[%mul3A_77] : memref<2621440xf32, #tpu.memory_space<hbm>> -> memref<16384xf32, #tpu.memory_space<hbm>>
        tpu.wait_dma2 semaphore(%run_scoped3A_102 : memref<!tpu.dma_semaphore, #tpu.memory_space<semaphore_mem>>) src(%run_scoped3A_9 : memref<16384xf32, #tpu.memory_space<vmem>>) dst(%dma_wait3A_104 : memref<16384xf32, #tpu.memory_space<hbm>>)
        tpu.yield
      }) : () -> ()
      %scan3A_78 = arith.constant 0 : i32
      %scan3A_79 = arith.constant 128 : i32
      %scan3A_80 = arith.addi %scan3A_78, %scan3A_79 : i32
      %scan3A_81 = arith.constant 1 : i32
      scf.for %scan3A_102 = %scan3A_78 to %scan3A_80 step %scan3A_81  : i32 {
        %mul3A_103 = arith.constant 1 : i32
        %mul3A_104 = arith.muli %scan3A_102, %mul3A_103 : i32
        %add3A_105 = arith.constant 0 : i32
        %add3A_106 = arith.addi %add3A_105, %mul3A_104 : i32
        %add3A_107 = arith.constant 384 : i32
        %add3A_108 = arith.addi %add3A_107, %add3A_106 : i32
        %broadcast_in_dim3A_109 = vector.broadcast %add3A_108 : i32 to vector<16xi32>
        %gather3A = tpu.vector_load_idx %run_scoped3A_8[%broadcast_in_dim3A_109] : memref<640xf32, #tpu.memory_space<vmem>>[vector<16xi32>], vector<16xf32>,
        %mul3A_110 = arith.constant 128 : i32
        %mul3A_111 = arith.muli %add3A_106, %mul3A_110 : i32
        %add3A_112 = arith.constant 0 : i32
        %add3A_113 = arith.addi %mul3A_111, %add3A_112 : i32
        %swap3A = arith.index_cast %add3A_113 : i32 to index
        %swap3A_114 = tpu.vector_load %run_scoped3A_9[%swap3A] {strides = array<i32>} : memref<16384xf32, #tpu.memory_space<vmem>>, vector<16xf32>,
        tpu.vector_store %run_scoped3A_9[%swap3A], %gather3A {strides = array<i32>} : memref<16384xf32, #tpu.memory_space<vmem>>, vector<16xf32>,
        %mul3A_115 = arith.constant 128 : i32
        %mul3A_116 = arith.muli %add3A_106, %mul3A_115 : i32
        %add3A_117 = arith.constant 16 : i32
        %add3A_118 = arith.addi %mul3A_116, %add3A_117 : i32
        %swap3A_119 = arith.index_cast %add3A_118 : i32 to index
        %swap3A_120 = tpu.vector_load %run_scoped3A_9[%swap3A_119] {strides = array<i32>} : memref<16384xf32, #tpu.memory_space<vmem>>, vector<16xf32>,
        tpu.vector_store %run_scoped3A_9[%swap3A_119], %gather3A {strides = array<i32>} : memref<16384xf32, #tpu.memory_space<vmem>>, vector<16xf32>,
        %mul3A_121 = arith.constant 128 : i32
        %mul3A_122 = arith.muli %add3A_106, %mul3A_121 : i32
        %add3A_123 = arith.constant 32 : i32
        %add3A_124 = arith.addi %mul3A_122, %add3A_123 : i32
        %swap3A_125 = arith.index_cast %add3A_124 : i32 to index
        %swap3A_126 = tpu.vector_load %run_scoped3A_9[%swap3A_125] {strides = array<i32>} : memref<16384xf32, #tpu.memory_space<vmem>>, vector<16xf32>,
        tpu.vector_store %run_scoped3A_9[%swap3A_125], %gather3A {strides = array<i32>} : memref<16384xf32, #tpu.memory_space<vmem>>, vector<16xf32>,
        %mul3A_127 = arith.constant 128 : i32
        %mul3A_128 = arith.muli %add3A_106, %mul3A_127 : i32
        %add3A_129 = arith.constant 48 : i32
        %add3A_130 = arith.addi %mul3A_128, %add3A_129 : i32
        %swap3A_131 = arith.index_cast %add3A_130 : i32 to index
        %swap3A_132 = tpu.vector_load %run_scoped3A_9[%swap3A_131] {strides = array<i32>} : memref<16384xf32, #tpu.memory_space<vmem>>, vector<16xf32>,
        tpu.vector_store %run_scoped3A_9[%swap3A_131], %gather3A {strides = array<i32>} : memref<16384xf32, #tpu.memory_space<vmem>>, vector<16xf32>,
        %mul3A_133 = arith.constant 128 : i32
        %mul3A_134 = arith.muli %add3A_106, %mul3A_133 : i32
        %add3A_135 = arith.constant 64 : i32
        %add3A_136 = arith.addi %mul3A_134, %add3A_135 : i32
        %swap3A_137 = arith.index_cast %add3A_136 : i32 to index
        %swap3A_138 = tpu.vector_load %run_scoped3A_9[%swap3A_137] {strides = array<i32>} : memref<16384xf32, #tpu.memory_space<vmem>>, vector<16xf32>,
        tpu.vector_store %run_scoped3A_9[%swap3A_137], %gather3A {strides = array<i32>} : memref<16384xf32, #tpu.memory_space<vmem>>, vector<16xf32>,
        %mul3A_139 = arith.constant 128 : i32
        %mul3A_140 = arith.muli %add3A_106, %mul3A_139 : i32
        %add3A_141 = arith.constant 80 : i32
        %add3A_142 = arith.addi %mul3A_140, %add3A_141 : i32
        %swap3A_143 = arith.index_cast %add3A_142 : i32 to index
        %swap3A_144 = tpu.vector_load %run_scoped3A_9[%swap3A_143] {strides = array<i32>} : memref<16384xf32, #tpu.memory_space<vmem>>, vector<16xf32>,
        tpu.vector_store %run_scoped3A_9[%swap3A_143], %gather3A {strides = array<i32>} : memref<16384xf32, #tpu.memory_space<vmem>>, vector<16xf32>,
        %mul3A_145 = arith.constant 128 : i32
        %mul3A_146 = arith.muli %add3A_106, %mul3A_145 : i32
        %add3A_147 = arith.constant 96 : i32
        %add3A_148 = arith.addi %mul3A_146, %add3A_147 : i32
        %swap3A_149 = arith.index_cast %add3A_148 : i32 to index
        %swap3A_150 = tpu.vector_load %run_scoped3A_9[%swap3A_149] {strides = array<i32>} : memref<16384xf32, #tpu.memory_space<vmem>>, vector<16xf32>,
        tpu.vector_store %run_scoped3A_9[%swap3A_149], %gather3A {strides = array<i32>} : memref<16384xf32, #tpu.memory_space<vmem>>, vector<16xf32>,
        %mul3A_151 = arith.constant 128 : i32
        %mul3A_152 = arith.muli %add3A_106, %mul3A_151 : i32
        %add3A_153 = arith.constant 112 : i32
        %add3A_154 = arith.addi %mul3A_152, %add3A_153 : i32
        %swap3A_155 = arith.index_cast %add3A_154 : i32 to index
        %swap3A_156 = tpu.vector_load %run_scoped3A_9[%swap3A_155] {strides = array<i32>} : memref<16384xf32, #tpu.memory_space<vmem>>, vector<16xf32>,
        tpu.vector_store %run_scoped3A_9[%swap3A_155], %gather3A {strides = array<i32>} : memref<16384xf32, #tpu.memory_space<vmem>>, vector<16xf32>,
      }
      %scan3A_82 = arith.constant 128 : i32
      %mul3A_83 = arith.constant 10240 : i32
      %mul3A_84 = arith.muli %arg0, %mul3A_83 : i32
      %add3A_85 = arith.addi %mul3A_84, %mul3A_2 : i32
      %add3A_86 = arith.constant 384 : i32
      %add3A_87 = arith.addi %add3A_85, %add3A_86 : i32
      %mul3A_88 = arith.constant 128 : i32
      %mul3A_89 = arith.muli %add3A_87, %mul3A_88 : i32
      "tpu.region"() ({
        %run_scoped3A_102 = tpu.sem_alloc : memref<!tpu.dma_semaphore, #tpu.memory_space<semaphore_mem>>
        %dma_start3A = tpu.memref_slice %arg3[%mul3A_89] : memref<2621440xf32, #tpu.memory_space<hbm>> -> memref<16384xf32, #tpu.memory_space<hbm>>
        %dma_start3A_103 = tpu.memref_slice %arg3[%mul3A_89] : memref<2621440xf32, #tpu.memory_space<hbm>> -> memref<16384xf32, #tpu.memory_space<hbm>>
        tpu.enqueue_dma source(%run_scoped3A_9 : memref<16384xf32, #tpu.memory_space<vmem>>) target(%dma_start3A_103 : memref<16384xf32, #tpu.memory_space<hbm>>) target_semaphore(%run_scoped3A_102 : memref<!tpu.dma_semaphore, #tpu.memory_space<semaphore_mem>>)
        %dma_wait3A = tpu.memref_slice %arg3[%mul3A_89] : memref<2621440xf32, #tpu.memory_space<hbm>> -> memref<16384xf32, #tpu.memory_space<hbm>>
        %dma_wait3A_104 = tpu.memref_slice %arg3[%mul3A_89] : memref<2621440xf32, #tpu.memory_space<hbm>> -> memref<16384xf32, #tpu.memory_space<hbm>>
        tpu.wait_dma2 semaphore(%run_scoped3A_102 : memref<!tpu.dma_semaphore, #tpu.memory_space<semaphore_mem>>) src(%run_scoped3A_9 : memref<16384xf32, #tpu.memory_space<vmem>>) dst(%dma_wait3A_104 : memref<16384xf32, #tpu.memory_space<hbm>>)
        tpu.yield
      }) : () -> ()
      %scan3A_90 = arith.constant 0 : i32
      %scan3A_91 = arith.constant 128 : i32
      %scan3A_92 = arith.addi %scan3A_90, %scan3A_91 : i32
      %scan3A_93 = arith.constant 1 : i32
      scf.for %scan3A_102 = %scan3A_90 to %scan3A_92 step %scan3A_93  : i32 {
        %mul3A_103 = arith.constant 1 : i32
        %mul3A_104 = arith.muli %scan3A_102, %mul3A_103 : i32
        %add3A_105 = arith.constant 0 : i32
        %add3A_106 = arith.addi %add3A_105, %mul3A_104 : i32
        %add3A_107 = arith.constant 512 : i32
        %add3A_108 = arith.addi %add3A_107, %add3A_106 : i32
        %broadcast_in_dim3A_109 = vector.broadcast %add3A_108 : i32 to vector<16xi32>
        %gather3A = tpu.vector_load_idx %run_scoped3A_8[%broadcast_in_dim3A_109] : memref<640xf32, #tpu.memory_space<vmem>>[vector<16xi32>], vector<16xf32>,
        %mul3A_110 = arith.constant 128 : i32
        %mul3A_111 = arith.muli %add3A_106, %mul3A_110 : i32
        %add3A_112 = arith.constant 0 : i32
        %add3A_113 = arith.addi %mul3A_111, %add3A_112 : i32
        %swap3A = arith.index_cast %add3A_113 : i32 to index
        %swap3A_114 = tpu.vector_load %run_scoped3A_9[%swap3A] {strides = array<i32>} : memref<16384xf32, #tpu.memory_space<vmem>>, vector<16xf32>,
        tpu.vector_store %run_scoped3A_9[%swap3A], %gather3A {strides = array<i32>} : memref<16384xf32, #tpu.memory_space<vmem>>, vector<16xf32>,
        %mul3A_115 = arith.constant 128 : i32
        %mul3A_116 = arith.muli %add3A_106, %mul3A_115 : i32
        %add3A_117 = arith.constant 16 : i32
        %add3A_118 = arith.addi %mul3A_116, %add3A_117 : i32
        %swap3A_119 = arith.index_cast %add3A_118 : i32 to index
        %swap3A_120 = tpu.vector_load %run_scoped3A_9[%swap3A_119] {strides = array<i32>} : memref<16384xf32, #tpu.memory_space<vmem>>, vector<16xf32>,
        tpu.vector_store %run_scoped3A_9[%swap3A_119], %gather3A {strides = array<i32>} : memref<16384xf32, #tpu.memory_space<vmem>>, vector<16xf32>,
        %mul3A_121 = arith.constant 128 : i32
        %mul3A_122 = arith.muli %add3A_106, %mul3A_121 : i32
        %add3A_123 = arith.constant 32 : i32
        %add3A_124 = arith.addi %mul3A_122, %add3A_123 : i32
        %swap3A_125 = arith.index_cast %add3A_124 : i32 to index
        %swap3A_126 = tpu.vector_load %run_scoped3A_9[%swap3A_125] {strides = array<i32>} : memref<16384xf32, #tpu.memory_space<vmem>>, vector<16xf32>,
        tpu.vector_store %run_scoped3A_9[%swap3A_125], %gather3A {strides = array<i32>} : memref<16384xf32, #tpu.memory_space<vmem>>, vector<16xf32>,
        %mul3A_127 = arith.constant 128 : i32
        %mul3A_128 = arith.muli %add3A_106, %mul3A_127 : i32
        %add3A_129 = arith.constant 48 : i32
        %add3A_130 = arith.addi %mul3A_128, %add3A_129 : i32
        %swap3A_131 = arith.index_cast %add3A_130 : i32 to index
        %swap3A_132 = tpu.vector_load %run_scoped3A_9[%swap3A_131] {strides = array<i32>} : memref<16384xf32, #tpu.memory_space<vmem>>, vector<16xf32>,
        tpu.vector_store %run_scoped3A_9[%swap3A_131], %gather3A {strides = array<i32>} : memref<16384xf32, #tpu.memory_space<vmem>>, vector<16xf32>,
        %mul3A_133 = arith.constant 128 : i32
        %mul3A_134 = arith.muli %add3A_106, %mul3A_133 : i32
        %add3A_135 = arith.constant 64 : i32
        %add3A_136 = arith.addi %mul3A_134, %add3A_135 : i32
        %swap3A_137 = arith.index_cast %add3A_136 : i32 to index
        %swap3A_138 = tpu.vector_load %run_scoped3A_9[%swap3A_137] {strides = array<i32>} : memref<16384xf32, #tpu.memory_space<vmem>>, vector<16xf32>,
        tpu.vector_store %run_scoped3A_9[%swap3A_137], %gather3A {strides = array<i32>} : memref<16384xf32, #tpu.memory_space<vmem>>, vector<16xf32>,
        %mul3A_139 = arith.constant 128 : i32
        %mul3A_140 = arith.muli %add3A_106, %mul3A_139 : i32
        %add3A_141 = arith.constant 80 : i32
        %add3A_142 = arith.addi %mul3A_140, %add3A_141 : i32
        %swap3A_143 = arith.index_cast %add3A_142 : i32 to index
        %swap3A_144 = tpu.vector_load %run_scoped3A_9[%swap3A_143] {strides = array<i32>} : memref<16384xf32, #tpu.memory_space<vmem>>, vector<16xf32>,
        tpu.vector_store %run_scoped3A_9[%swap3A_143], %gather3A {strides = array<i32>} : memref<16384xf32, #tpu.memory_space<vmem>>, vector<16xf32>,
        %mul3A_145 = arith.constant 128 : i32
        %mul3A_146 = arith.muli %add3A_106, %mul3A_145 : i32
        %add3A_147 = arith.constant 96 : i32
        %add3A_148 = arith.addi %mul3A_146, %add3A_147 : i32
        %swap3A_149 = arith.index_cast %add3A_148 : i32 to index
        %swap3A_150 = tpu.vector_load %run_scoped3A_9[%swap3A_149] {strides = array<i32>} : memref<16384xf32, #tpu.memory_space<vmem>>, vector<16xf32>,
        tpu.vector_store %run_scoped3A_9[%swap3A_149], %gather3A {strides = array<i32>} : memref<16384xf32, #tpu.memory_space<vmem>>, vector<16xf32>,
        %mul3A_151 = arith.constant 128 : i32
        %mul3A_152 = arith.muli %add3A_106, %mul3A_151 : i32
        %add3A_153 = arith.constant 112 : i32
        %add3A_154 = arith.addi %mul3A_152, %add3A_153 : i32
        %swap3A_155 = arith.index_cast %add3A_154 : i32 to index
        %swap3A_156 = tpu.vector_load %run_scoped3A_9[%swap3A_155] {strides = array<i32>} : memref<16384xf32, #tpu.memory_space<vmem>>, vector<16xf32>,
        tpu.vector_store %run_scoped3A_9[%swap3A_155], %gather3A {strides = array<i32>} : memref<16384xf32, #tpu.memory_space<vmem>>, vector<16xf32>,
      }
      %scan3A_94 = arith.constant 128 : i32
      %mul3A_95 = arith.constant 10240 : i32
      %mul3A_96 = arith.muli %arg0, %mul3A_95 : i32
      %add3A_97 = arith.addi %mul3A_96, %mul3A_2 : i32
      %add3A_98 = arith.constant 512 : i32
      %add3A_99 = arith.addi %add3A_97, %add3A_98 : i32
      %mul3A_100 = arith.constant 128 : i32
      %mul3A_101 = arith.muli %add3A_99, %mul3A_100 : i32
      "tpu.region"() ({
        %run_scoped3A_102 = tpu.sem_alloc : memref<!tpu.dma_semaphore, #tpu.memory_space<semaphore_mem>>
        %dma_start3A = tpu.memref_slice %arg3[%mul3A_101] : memref<2621440xf32, #tpu.memory_space<hbm>> -> memref<16384xf32, #tpu.memory_space<hbm>>
        %dma_start3A_103 = tpu.memref_slice %arg3[%mul3A_101] : memref<2621440xf32, #tpu.memory_space<hbm>> -> memref<16384xf32, #tpu.memory_space<hbm>>
        tpu.enqueue_dma source(%run_scoped3A_9 : memref<16384xf32, #tpu.memory_space<vmem>>) target(%dma_start3A_103 : memref<16384xf32, #tpu.memory_space<hbm>>) target_semaphore(%run_scoped3A_102 : memref<!tpu.dma_semaphore, #tpu.memory_space<semaphore_mem>>)
        %dma_wait3A = tpu.memref_slice %arg3[%mul3A_101] : memref<2621440xf32, #tpu.memory_space<hbm>> -> memref<16384xf32, #tpu.memory_space<hbm>>
        %dma_wait3A_104 = tpu.memref_slice %arg3[%mul3A_101] : memref<2621440xf32, #tpu.memory_space<hbm>> -> memref<16384xf32, #tpu.memory_space<hbm>>
        tpu.wait_dma2 semaphore(%run_scoped3A_102 : memref<!tpu.dma_semaphore, #tpu.memory_space<semaphore_mem>>) src(%run_scoped3A_9 : memref<16384xf32, #tpu.memory_space<vmem>>) dst(%dma_wait3A_104 : memref<16384xf32, #tpu.memory_space<hbm>>)
        tpu.yield
      }) : () -> ()
      tpu.yield
    }) : () -> ()
    return
  }
}

#map = affine_map<(d0, d1) -> (0, 0)>
module attributes {stable_mosaic.version = 14 : i64} {
  func.func @agg(%arg0: i32, %arg1: i32, %arg2: memref<2560x128xi32, #tpu.memory_space<hbm>>, %arg3: memref<2560x128xi32, #tpu.memory_space<hbm>>, %arg4: memref<10000x128xf32, #tpu.memory_space<hbm>>, %arg5: memref<20224x128xf32, #tpu.memory_space<hbm>>, %arg6: memref<10112x128xf32, #tpu.memory_space<vmem_shared>>, %arg7: memref<!tpu.dma_semaphore, #tpu.memory_space<semaphore_mem>>, %arg8: memref<!tpu.dma_semaphore, #tpu.memory_space<semaphore_mem>>) attributes {dimension_semantics = [#tpu.dimension_semantics<core_parallel>, #tpu.dimension_semantics<subcore_parallel>], iteration_bounds = array<i64: 2, 16>, scalar_prefetch = 0 : i64, scratch_operands = 3 : i64, tpu.core_type = #tpu.core_type<sc_vector_subcore>, window_params = [{transform_indices = #map}, {transform_indices = #map}, {transform_indices = #map}, {transform_indices = #map}]} {
    %mul3A = arith.constant 2 : i32
    %mul3A_0 = arith.muli %arg1, %mul3A : i32
    %add3A = arith.addi %mul3A_0, %arg0 : i32
    %mul3A_1 = arith.constant 632 : i32
    %mul3A_2 = arith.muli %arg1, %mul3A_1 : i32
    "tpu.region"() ({
      %run_scoped3A = memref.alloca() : memref<40x128xi32, #tpu.memory_space<vmem>>
      %run_scoped3A_3 = memref.alloca() : memref<40x128xi32, #tpu.memory_space<vmem>>
      %run_scoped3A_4 = memref.alloca() : memref<128x128xf32, #tpu.memory_space<vmem>>
      %run_scoped3A_5 = memref.alloca() : memref<128x128xf32, #tpu.memory_space<vmem>>
      %broadcast_in_dim3A = arith.constant 0.000000e+00 : f32
      %broadcast_in_dim3A_6 = vector.broadcast %broadcast_in_dim3A : f32 to vector<16xf32>
      %scan3A = arith.constant 0 : i32
      %scan3A_7 = arith.constant 128 : i32
      %scan3A_8 = arith.addi %scan3A, %scan3A_7 : i32
      %scan3A_9 = arith.constant 1 : i32
      scf.for %scan3A_102 = %scan3A to %scan3A_8 step %scan3A_9  : i32 {
        %mul3A_103 = arith.constant 1 : i32
        %mul3A_104 = arith.muli %scan3A_102, %mul3A_103 : i32
        %add3A_105 = arith.constant 0 : i32
        %add3A_106 = arith.addi %add3A_105, %mul3A_104 : i32
        %swap3A = arith.index_cast %add3A_106 : i32 to index
        %swap3A_107 = arith.constant 0 : index
        %swap3A_108 = tpu.vector_load %run_scoped3A_4[%swap3A, %swap3A_107] {strides = array<i32>} : memref<128x128xf32, #tpu.memory_space<vmem>>, vector<1x16xf32>,
        %swap3A_109 = vector.shape_cast %swap3A_108 : vector<1x16xf32> to vector<16xf32>
        %swap3A_110 = vector.shape_cast %broadcast_in_dim3A_6 : vector<16xf32> to vector<1x16xf32>
        tpu.vector_store %run_scoped3A_4[%swap3A, %swap3A_107], %swap3A_110 {strides = array<i32>} : memref<128x128xf32, #tpu.memory_space<vmem>>, vector<1x16xf32>,
        %swap3A_111 = arith.index_cast %add3A_106 : i32 to index
        %swap3A_112 = arith.constant 16 : index
        %swap3A_113 = tpu.vector_load %run_scoped3A_4[%swap3A_111, %swap3A_112] {strides = array<i32>} : memref<128x128xf32, #tpu.memory_space<vmem>>, vector<1x16xf32>,
        %swap3A_114 = vector.shape_cast %swap3A_113 : vector<1x16xf32> to vector<16xf32>
        %swap3A_115 = vector.shape_cast %broadcast_in_dim3A_6 : vector<16xf32> to vector<1x16xf32>
        tpu.vector_store %run_scoped3A_4[%swap3A_111, %swap3A_112], %swap3A_115 {strides = array<i32>} : memref<128x128xf32, #tpu.memory_space<vmem>>, vector<1x16xf32>,
        %swap3A_116 = arith.index_cast %add3A_106 : i32 to index
        %swap3A_117 = arith.constant 32 : index
        %swap3A_118 = tpu.vector_load %run_scoped3A_4[%swap3A_116, %swap3A_117] {strides = array<i32>} : memref<128x128xf32, #tpu.memory_space<vmem>>, vector<1x16xf32>,
        %swap3A_119 = vector.shape_cast %swap3A_118 : vector<1x16xf32> to vector<16xf32>
        %swap3A_120 = vector.shape_cast %broadcast_in_dim3A_6 : vector<16xf32> to vector<1x16xf32>
        tpu.vector_store %run_scoped3A_4[%swap3A_116, %swap3A_117], %swap3A_120 {strides = array<i32>} : memref<128x128xf32, #tpu.memory_space<vmem>>, vector<1x16xf32>,
        %swap3A_121 = arith.index_cast %add3A_106 : i32 to index
        %swap3A_122 = arith.constant 48 : index
        %swap3A_123 = tpu.vector_load %run_scoped3A_4[%swap3A_121, %swap3A_122] {strides = array<i32>} : memref<128x128xf32, #tpu.memory_space<vmem>>, vector<1x16xf32>,
        %swap3A_124 = vector.shape_cast %swap3A_123 : vector<1x16xf32> to vector<16xf32>
        %swap3A_125 = vector.shape_cast %broadcast_in_dim3A_6 : vector<16xf32> to vector<1x16xf32>
        tpu.vector_store %run_scoped3A_4[%swap3A_121, %swap3A_122], %swap3A_125 {strides = array<i32>} : memref<128x128xf32, #tpu.memory_space<vmem>>, vector<1x16xf32>,
        %swap3A_126 = arith.index_cast %add3A_106 : i32 to index
        %swap3A_127 = arith.constant 64 : index
        %swap3A_128 = tpu.vector_load %run_scoped3A_4[%swap3A_126, %swap3A_127] {strides = array<i32>} : memref<128x128xf32, #tpu.memory_space<vmem>>, vector<1x16xf32>,
        %swap3A_129 = vector.shape_cast %swap3A_128 : vector<1x16xf32> to vector<16xf32>
        %swap3A_130 = vector.shape_cast %broadcast_in_dim3A_6 : vector<16xf32> to vector<1x16xf32>
        tpu.vector_store %run_scoped3A_4[%swap3A_126, %swap3A_127], %swap3A_130 {strides = array<i32>} : memref<128x128xf32, #tpu.memory_space<vmem>>, vector<1x16xf32>,
        %swap3A_131 = arith.index_cast %add3A_106 : i32 to index
        %swap3A_132 = arith.constant 80 : index
        %swap3A_133 = tpu.vector_load %run_scoped3A_4[%swap3A_131, %swap3A_132] {strides = array<i32>} : memref<128x128xf32, #tpu.memory_space<vmem>>, vector<1x16xf32>,
        %swap3A_134 = vector.shape_cast %swap3A_133 : vector<1x16xf32> to vector<16xf32>
        %swap3A_135 = vector.shape_cast %broadcast_in_dim3A_6 : vector<16xf32> to vector<1x16xf32>
        tpu.vector_store %run_scoped3A_4[%swap3A_131, %swap3A_132], %swap3A_135 {strides = array<i32>} : memref<128x128xf32, #tpu.memory_space<vmem>>, vector<1x16xf32>,
        %swap3A_136 = arith.index_cast %add3A_106 : i32 to index
        %swap3A_137 = arith.constant 96 : index
        %swap3A_138 = tpu.vector_load %run_scoped3A_4[%swap3A_136, %swap3A_137] {strides = array<i32>} : memref<128x128xf32, #tpu.memory_space<vmem>>, vector<1x16xf32>,
        %swap3A_139 = vector.shape_cast %swap3A_138 : vector<1x16xf32> to vector<16xf32>
        %swap3A_140 = vector.shape_cast %broadcast_in_dim3A_6 : vector<16xf32> to vector<1x16xf32>
        tpu.vector_store %run_scoped3A_4[%swap3A_136, %swap3A_137], %swap3A_140 {strides = array<i32>} : memref<128x128xf32, #tpu.memory_space<vmem>>, vector<1x16xf32>,
        %swap3A_141 = arith.index_cast %add3A_106 : i32 to index
        %swap3A_142 = arith.constant 112 : index
        %swap3A_143 = tpu.vector_load %run_scoped3A_4[%swap3A_141, %swap3A_142] {strides = array<i32>} : memref<128x128xf32, #tpu.memory_space<vmem>>, vector<1x16xf32>,
        %swap3A_144 = vector.shape_cast %swap3A_143 : vector<1x16xf32> to vector<16xf32>
        %swap3A_145 = vector.shape_cast %broadcast_in_dim3A_6 : vector<16xf32> to vector<1x16xf32>
        tpu.vector_store %run_scoped3A_4[%swap3A_141, %swap3A_142], %swap3A_145 {strides = array<i32>} : memref<128x128xf32, #tpu.memory_space<vmem>>, vector<1x16xf32>,
      }
      %scan3A_10 = arith.constant 128 : i32
      %add3A_11 = arith.constant 0 : i32
      %add3A_12 = arith.addi %mul3A_2, %add3A_11 : i32
      "tpu.region"() ({
        %run_scoped3A_102 = tpu.sem_alloc : memref<!tpu.dma_semaphore, #tpu.memory_space<semaphore_mem>>
        %dma_start3A_103 = arith.constant 0 : i32
        %dma_start3A_104 = arith.constant 0 : i32
        %dma_start3A_105 = tpu.memref_slice %run_scoped3A_4[%dma_start3A_103, %dma_start3A_104] : memref<128x128xf32, #tpu.memory_space<vmem>> -> memref<128x128xf32, #tpu.memory_space<vmem>>
        %dma_start3A_106 = arith.constant 0 : i32
        %dma_start3A_107 = tpu.memref_slice %arg6[%add3A_12, %dma_start3A_106] : memref<10112x128xf32, #tpu.memory_space<vmem_shared>> -> memref<128x128xf32, #tpu.memory_space<vmem_shared>>
        %dma_start3A_108 = arith.constant 0 : i32
        %dma_start3A_109 = tpu.memref_slice %arg6[%add3A_12, %dma_start3A_108] : memref<10112x128xf32, #tpu.memory_space<vmem_shared>> -> memref<128x128xf32, #tpu.memory_space<vmem_shared>>
        %dma_start3A_110 = arith.constant 0 : i32
        %dma_start3A_111 = arith.constant 0 : i32
        %dma_start3A_112 = tpu.memref_slice %run_scoped3A_4[%dma_start3A_110, %dma_start3A_111] : memref<128x128xf32, #tpu.memory_space<vmem>> -> memref<128x128xf32, #tpu.memory_space<vmem>>
        tpu.enqueue_dma source(%dma_start3A_112 : memref<128x128xf32, #tpu.memory_space<vmem>>) target(%dma_start3A_109 : memref<128x128xf32, #tpu.memory_space<vmem_shared>>) target_semaphore(%run_scoped3A_102 : memref<!tpu.dma_semaphore, #tpu.memory_space<semaphore_mem>>)
        %dma_wait3A = arith.constant 0 : i32
        %dma_wait3A_113 = arith.constant 0 : i32
        %dma_wait3A_114 = tpu.memref_slice %run_scoped3A_4[%dma_wait3A, %dma_wait3A_113] : memref<128x128xf32, #tpu.memory_space<vmem>> -> memref<128x128xf32, #tpu.memory_space<vmem>>
        %dma_wait3A_115 = arith.constant 0 : i32
        %dma_wait3A_116 = tpu.memref_slice %arg6[%add3A_12, %dma_wait3A_115] : memref<10112x128xf32, #tpu.memory_space<vmem_shared>> -> memref<128x128xf32, #tpu.memory_space<vmem_shared>>
        %dma_wait3A_117 = arith.constant 0 : i32
        %dma_wait3A_118 = tpu.memref_slice %arg6[%add3A_12, %dma_wait3A_117] : memref<10112x128xf32, #tpu.memory_space<vmem_shared>> -> memref<128x128xf32, #tpu.memory_space<vmem_shared>>
        %dma_wait3A_119 = arith.constant 0 : i32
        %dma_wait3A_120 = arith.constant 0 : i32
        %dma_wait3A_121 = tpu.memref_slice %run_scoped3A_4[%dma_wait3A_119, %dma_wait3A_120] : memref<128x128xf32, #tpu.memory_space<vmem>> -> memref<128x128xf32, #tpu.memory_space<vmem>>
        tpu.wait_dma2 semaphore(%run_scoped3A_102 : memref<!tpu.dma_semaphore, #tpu.memory_space<semaphore_mem>>) src(%dma_wait3A_121 : memref<128x128xf32, #tpu.memory_space<vmem>>) dst(%dma_wait3A_118 : memref<128x128xf32, #tpu.memory_space<vmem_shared>>)
        tpu.yield
      }) : () -> ()
      %add3A_13 = arith.constant 128 : i32
      %add3A_14 = arith.addi %mul3A_2, %add3A_13 : i32
      "tpu.region"() ({
        %run_scoped3A_102 = tpu.sem_alloc : memref<!tpu.dma_semaphore, #tpu.memory_space<semaphore_mem>>
        %dma_start3A_103 = arith.constant 0 : i32
        %dma_start3A_104 = arith.constant 0 : i32
        %dma_start3A_105 = tpu.memref_slice %run_scoped3A_4[%dma_start3A_103, %dma_start3A_104] : memref<128x128xf32, #tpu.memory_space<vmem>> -> memref<128x128xf32, #tpu.memory_space<vmem>>
        %dma_start3A_106 = arith.constant 0 : i32
        %dma_start3A_107 = tpu.memref_slice %arg6[%add3A_14, %dma_start3A_106] : memref<10112x128xf32, #tpu.memory_space<vmem_shared>> -> memref<128x128xf32, #tpu.memory_space<vmem_shared>>
        %dma_start3A_108 = arith.constant 0 : i32
        %dma_start3A_109 = tpu.memref_slice %arg6[%add3A_14, %dma_start3A_108] : memref<10112x128xf32, #tpu.memory_space<vmem_shared>> -> memref<128x128xf32, #tpu.memory_space<vmem_shared>>
        %dma_start3A_110 = arith.constant 0 : i32
        %dma_start3A_111 = arith.constant 0 : i32
        %dma_start3A_112 = tpu.memref_slice %run_scoped3A_4[%dma_start3A_110, %dma_start3A_111] : memref<128x128xf32, #tpu.memory_space<vmem>> -> memref<128x128xf32, #tpu.memory_space<vmem>>
        tpu.enqueue_dma source(%dma_start3A_112 : memref<128x128xf32, #tpu.memory_space<vmem>>) target(%dma_start3A_109 : memref<128x128xf32, #tpu.memory_space<vmem_shared>>) target_semaphore(%run_scoped3A_102 : memref<!tpu.dma_semaphore, #tpu.memory_space<semaphore_mem>>)
        %dma_wait3A = arith.constant 0 : i32
        %dma_wait3A_113 = arith.constant 0 : i32
        %dma_wait3A_114 = tpu.memref_slice %run_scoped3A_4[%dma_wait3A, %dma_wait3A_113] : memref<128x128xf32, #tpu.memory_space<vmem>> -> memref<128x128xf32, #tpu.memory_space<vmem>>
        %dma_wait3A_115 = arith.constant 0 : i32
        %dma_wait3A_116 = tpu.memref_slice %arg6[%add3A_14, %dma_wait3A_115] : memref<10112x128xf32, #tpu.memory_space<vmem_shared>> -> memref<128x128xf32, #tpu.memory_space<vmem_shared>>
        %dma_wait3A_117 = arith.constant 0 : i32
        %dma_wait3A_118 = tpu.memref_slice %arg6[%add3A_14, %dma_wait3A_117] : memref<10112x128xf32, #tpu.memory_space<vmem_shared>> -> memref<128x128xf32, #tpu.memory_space<vmem_shared>>
        %dma_wait3A_119 = arith.constant 0 : i32
        %dma_wait3A_120 = arith.constant 0 : i32
        %dma_wait3A_121 = tpu.memref_slice %run_scoped3A_4[%dma_wait3A_119, %dma_wait3A_120] : memref<128x128xf32, #tpu.memory_space<vmem>> -> memref<128x128xf32, #tpu.memory_space<vmem>>
        tpu.wait_dma2 semaphore(%run_scoped3A_102 : memref<!tpu.dma_semaphore, #tpu.memory_space<semaphore_mem>>) src(%dma_wait3A_121 : memref<128x128xf32, #tpu.memory_space<vmem>>) dst(%dma_wait3A_118 : memref<128x128xf32, #tpu.memory_space<vmem_shared>>)
        tpu.yield
      }) : () -> ()
      %add3A_15 = arith.constant 256 : i32
      %add3A_16 = arith.addi %mul3A_2, %add3A_15 : i32
      "tpu.region"() ({
        %run_scoped3A_102 = tpu.sem_alloc : memref<!tpu.dma_semaphore, #tpu.memory_space<semaphore_mem>>
        %dma_start3A_103 = arith.constant 0 : i32
        %dma_start3A_104 = arith.constant 0 : i32
        %dma_start3A_105 = tpu.memref_slice %run_scoped3A_4[%dma_start3A_103, %dma_start3A_104] : memref<128x128xf32, #tpu.memory_space<vmem>> -> memref<128x128xf32, #tpu.memory_space<vmem>>
        %dma_start3A_106 = arith.constant 0 : i32
        %dma_start3A_107 = tpu.memref_slice %arg6[%add3A_16, %dma_start3A_106] : memref<10112x128xf32, #tpu.memory_space<vmem_shared>> -> memref<128x128xf32, #tpu.memory_space<vmem_shared>>
        %dma_start3A_108 = arith.constant 0 : i32
        %dma_start3A_109 = tpu.memref_slice %arg6[%add3A_16, %dma_start3A_108] : memref<10112x128xf32, #tpu.memory_space<vmem_shared>> -> memref<128x128xf32, #tpu.memory_space<vmem_shared>>
        %dma_start3A_110 = arith.constant 0 : i32
        %dma_start3A_111 = arith.constant 0 : i32
        %dma_start3A_112 = tpu.memref_slice %run_scoped3A_4[%dma_start3A_110, %dma_start3A_111] : memref<128x128xf32, #tpu.memory_space<vmem>> -> memref<128x128xf32, #tpu.memory_space<vmem>>
        tpu.enqueue_dma source(%dma_start3A_112 : memref<128x128xf32, #tpu.memory_space<vmem>>) target(%dma_start3A_109 : memref<128x128xf32, #tpu.memory_space<vmem_shared>>) target_semaphore(%run_scoped3A_102 : memref<!tpu.dma_semaphore, #tpu.memory_space<semaphore_mem>>)
        %dma_wait3A = arith.constant 0 : i32
        %dma_wait3A_113 = arith.constant 0 : i32
        %dma_wait3A_114 = tpu.memref_slice %run_scoped3A_4[%dma_wait3A, %dma_wait3A_113] : memref<128x128xf32, #tpu.memory_space<vmem>> -> memref<128x128xf32, #tpu.memory_space<vmem>>
        %dma_wait3A_115 = arith.constant 0 : i32
        %dma_wait3A_116 = tpu.memref_slice %arg6[%add3A_16, %dma_wait3A_115] : memref<10112x128xf32, #tpu.memory_space<vmem_shared>> -> memref<128x128xf32, #tpu.memory_space<vmem_shared>>
        %dma_wait3A_117 = arith.constant 0 : i32
        %dma_wait3A_118 = tpu.memref_slice %arg6[%add3A_16, %dma_wait3A_117] : memref<10112x128xf32, #tpu.memory_space<vmem_shared>> -> memref<128x128xf32, #tpu.memory_space<vmem_shared>>
        %dma_wait3A_119 = arith.constant 0 : i32
        %dma_wait3A_120 = arith.constant 0 : i32
        %dma_wait3A_121 = tpu.memref_slice %run_scoped3A_4[%dma_wait3A_119, %dma_wait3A_120] : memref<128x128xf32, #tpu.memory_space<vmem>> -> memref<128x128xf32, #tpu.memory_space<vmem>>
        tpu.wait_dma2 semaphore(%run_scoped3A_102 : memref<!tpu.dma_semaphore, #tpu.memory_space<semaphore_mem>>) src(%dma_wait3A_121 : memref<128x128xf32, #tpu.memory_space<vmem>>) dst(%dma_wait3A_118 : memref<128x128xf32, #tpu.memory_space<vmem_shared>>)
        tpu.yield
      }) : () -> ()
      %add3A_17 = arith.constant 384 : i32
      %add3A_18 = arith.addi %mul3A_2, %add3A_17 : i32
      "tpu.region"() ({
        %run_scoped3A_102 = tpu.sem_alloc : memref<!tpu.dma_semaphore, #tpu.memory_space<semaphore_mem>>
        %dma_start3A_103 = arith.constant 0 : i32
        %dma_start3A_104 = arith.constant 0 : i32
        %dma_start3A_105 = tpu.memref_slice %run_scoped3A_4[%dma_start3A_103, %dma_start3A_104] : memref<128x128xf32, #tpu.memory_space<vmem>> -> memref<128x128xf32, #tpu.memory_space<vmem>>
        %dma_start3A_106 = arith.constant 0 : i32
        %dma_start3A_107 = tpu.memref_slice %arg6[%add3A_18, %dma_start3A_106] : memref<10112x128xf32, #tpu.memory_space<vmem_shared>> -> memref<128x128xf32, #tpu.memory_space<vmem_shared>>
        %dma_start3A_108 = arith.constant 0 : i32
        %dma_start3A_109 = tpu.memref_slice %arg6[%add3A_18, %dma_start3A_108] : memref<10112x128xf32, #tpu.memory_space<vmem_shared>> -> memref<128x128xf32, #tpu.memory_space<vmem_shared>>
        %dma_start3A_110 = arith.constant 0 : i32
        %dma_start3A_111 = arith.constant 0 : i32
        %dma_start3A_112 = tpu.memref_slice %run_scoped3A_4[%dma_start3A_110, %dma_start3A_111] : memref<128x128xf32, #tpu.memory_space<vmem>> -> memref<128x128xf32, #tpu.memory_space<vmem>>
        tpu.enqueue_dma source(%dma_start3A_112 : memref<128x128xf32, #tpu.memory_space<vmem>>) target(%dma_start3A_109 : memref<128x128xf32, #tpu.memory_space<vmem_shared>>) target_semaphore(%run_scoped3A_102 : memref<!tpu.dma_semaphore, #tpu.memory_space<semaphore_mem>>)
        %dma_wait3A = arith.constant 0 : i32
        %dma_wait3A_113 = arith.constant 0 : i32
        %dma_wait3A_114 = tpu.memref_slice %run_scoped3A_4[%dma_wait3A, %dma_wait3A_113] : memref<128x128xf32, #tpu.memory_space<vmem>> -> memref<128x128xf32, #tpu.memory_space<vmem>>
        %dma_wait3A_115 = arith.constant 0 : i32
        %dma_wait3A_116 = tpu.memref_slice %arg6[%add3A_18, %dma_wait3A_115] : memref<10112x128xf32, #tpu.memory_space<vmem_shared>> -> memref<128x128xf32, #tpu.memory_space<vmem_shared>>
        %dma_wait3A_117 = arith.constant 0 : i32
        %dma_wait3A_118 = tpu.memref_slice %arg6[%add3A_18, %dma_wait3A_117] : memref<10112x128xf32, #tpu.memory_space<vmem_shared>> -> memref<128x128xf32, #tpu.memory_space<vmem_shared>>
        %dma_wait3A_119 = arith.constant 0 : i32
        %dma_wait3A_120 = arith.constant 0 : i32
        %dma_wait3A_121 = tpu.memref_slice %run_scoped3A_4[%dma_wait3A_119, %dma_wait3A_120] : memref<128x128xf32, #tpu.memory_space<vmem>> -> memref<128x128xf32, #tpu.memory_space<vmem>>
        tpu.wait_dma2 semaphore(%run_scoped3A_102 : memref<!tpu.dma_semaphore, #tpu.memory_space<semaphore_mem>>) src(%dma_wait3A_121 : memref<128x128xf32, #tpu.memory_space<vmem>>) dst(%dma_wait3A_118 : memref<128x128xf32, #tpu.memory_space<vmem_shared>>)
        tpu.yield
      }) : () -> ()
      %add3A_19 = arith.constant 512 : i32
      %add3A_20 = arith.addi %mul3A_2, %add3A_19 : i32
      "tpu.region"() ({
        %run_scoped3A_102 = tpu.sem_alloc : memref<!tpu.dma_semaphore, #tpu.memory_space<semaphore_mem>>
        %dma_start3A_103 = arith.constant 0 : i32
        %dma_start3A_104 = arith.constant 0 : i32
        %dma_start3A_105 = tpu.memref_slice %run_scoped3A_4[%dma_start3A_103, %dma_start3A_104] : memref<128x128xf32, #tpu.memory_space<vmem>> -> memref<120x128xf32, #tpu.memory_space<vmem>>
        %dma_start3A_106 = arith.constant 0 : i32
        %dma_start3A_107 = tpu.memref_slice %arg6[%add3A_20, %dma_start3A_106] : memref<10112x128xf32, #tpu.memory_space<vmem_shared>> -> memref<120x128xf32, #tpu.memory_space<vmem_shared>>
        %dma_start3A_108 = arith.constant 0 : i32
        %dma_start3A_109 = tpu.memref_slice %arg6[%add3A_20, %dma_start3A_108] : memref<10112x128xf32, #tpu.memory_space<vmem_shared>> -> memref<120x128xf32, #tpu.memory_space<vmem_shared>>
        %dma_start3A_110 = arith.constant 0 : i32
        %dma_start3A_111 = arith.constant 0 : i32
        %dma_start3A_112 = tpu.memref_slice %run_scoped3A_4[%dma_start3A_110, %dma_start3A_111] : memref<128x128xf32, #tpu.memory_space<vmem>> -> memref<120x128xf32, #tpu.memory_space<vmem>>
        tpu.enqueue_dma source(%dma_start3A_112 : memref<120x128xf32, #tpu.memory_space<vmem>>) target(%dma_start3A_109 : memref<120x128xf32, #tpu.memory_space<vmem_shared>>) target_semaphore(%run_scoped3A_102 : memref<!tpu.dma_semaphore, #tpu.memory_space<semaphore_mem>>)
        %dma_wait3A = arith.constant 0 : i32
        %dma_wait3A_113 = arith.constant 0 : i32
        %dma_wait3A_114 = tpu.memref_slice %run_scoped3A_4[%dma_wait3A, %dma_wait3A_113] : memref<128x128xf32, #tpu.memory_space<vmem>> -> memref<120x128xf32, #tpu.memory_space<vmem>>
        %dma_wait3A_115 = arith.constant 0 : i32
        %dma_wait3A_116 = tpu.memref_slice %arg6[%add3A_20, %dma_wait3A_115] : memref<10112x128xf32, #tpu.memory_space<vmem_shared>> -> memref<120x128xf32, #tpu.memory_space<vmem_shared>>
        %dma_wait3A_117 = arith.constant 0 : i32
        %dma_wait3A_118 = tpu.memref_slice %arg6[%add3A_20, %dma_wait3A_117] : memref<10112x128xf32, #tpu.memory_space<vmem_shared>> -> memref<120x128xf32, #tpu.memory_space<vmem_shared>>
        %dma_wait3A_119 = arith.constant 0 : i32
        %dma_wait3A_120 = arith.constant 0 : i32
        %dma_wait3A_121 = tpu.memref_slice %run_scoped3A_4[%dma_wait3A_119, %dma_wait3A_120] : memref<128x128xf32, #tpu.memory_space<vmem>> -> memref<120x128xf32, #tpu.memory_space<vmem>>
        tpu.wait_dma2 semaphore(%run_scoped3A_102 : memref<!tpu.dma_semaphore, #tpu.memory_space<semaphore_mem>>) src(%dma_wait3A_121 : memref<120x128xf32, #tpu.memory_space<vmem>>) dst(%dma_wait3A_118 : memref<120x128xf32, #tpu.memory_space<vmem_shared>>)
        tpu.yield
      }) : () -> ()
      %barrier3A = arith.constant 0 : index
      tpu.barrier barrier_id(%barrier3A)
      %mul3A_21 = arith.constant 80 : i32
      %mul3A_22 = arith.muli %add3A, %mul3A_21 : i32
      %add3A_23 = arith.constant 0 : i32
      %add3A_24 = arith.addi %mul3A_22, %add3A_23 : i32
      "tpu.region"() ({
        %run_scoped3A_102 = tpu.sem_alloc : memref<!tpu.dma_semaphore, #tpu.memory_space<semaphore_mem>>
        %dma_start3A_103 = arith.constant 0 : i32
        %dma_start3A_104 = tpu.memref_slice %arg2[%add3A_24, %dma_start3A_103] : memref<2560x128xi32, #tpu.memory_space<hbm>> -> memref<40x128xi32, #tpu.memory_space<hbm>>
        %dma_start3A_105 = arith.constant 0 : i32
        %dma_start3A_106 = tpu.memref_slice %arg2[%add3A_24, %dma_start3A_105] : memref<2560x128xi32, #tpu.memory_space<hbm>> -> memref<40x128xi32, #tpu.memory_space<hbm>>
        tpu.enqueue_dma source(%dma_start3A_106 : memref<40x128xi32, #tpu.memory_space<hbm>>) target(%run_scoped3A : memref<40x128xi32, #tpu.memory_space<vmem>>) target_semaphore(%run_scoped3A_102 : memref<!tpu.dma_semaphore, #tpu.memory_space<semaphore_mem>>)
        %dma_wait3A = arith.constant 0 : i32
        %dma_wait3A_107 = tpu.memref_slice %arg2[%add3A_24, %dma_wait3A] : memref<2560x128xi32, #tpu.memory_space<hbm>> -> memref<40x128xi32, #tpu.memory_space<hbm>>
        %dma_wait3A_108 = arith.constant 0 : i32
        %dma_wait3A_109 = tpu.memref_slice %arg2[%add3A_24, %dma_wait3A_108] : memref<2560x128xi32, #tpu.memory_space<hbm>> -> memref<40x128xi32, #tpu.memory_space<hbm>>
        tpu.wait_dma2 semaphore(%run_scoped3A_102 : memref<!tpu.dma_semaphore, #tpu.memory_space<semaphore_mem>>) src(%dma_wait3A_109 : memref<40x128xi32, #tpu.memory_space<hbm>>) dst(%run_scoped3A : memref<40x128xi32, #tpu.memory_space<vmem>>)
        tpu.yield
      }) : () -> ()
      "tpu.region"() ({
        %run_scoped3A_102 = tpu.sem_alloc : memref<!tpu.dma_semaphore, #tpu.memory_space<semaphore_mem>>
        %dma_start3A_103 = arith.constant 0 : i32
        %dma_start3A_104 = tpu.memref_slice %arg3[%add3A_24, %dma_start3A_103] : memref<2560x128xi32, #tpu.memory_space<hbm>> -> memref<40x128xi32, #tpu.memory_space<hbm>>
        %dma_start3A_105 = arith.constant 0 : i32
        %dma_start3A_106 = tpu.memref_slice %arg3[%add3A_24, %dma_start3A_105] : memref<2560x128xi32, #tpu.memory_space<hbm>> -> memref<40x128xi32, #tpu.memory_space<hbm>>
        tpu.enqueue_dma source(%dma_start3A_106 : memref<40x128xi32, #tpu.memory_space<hbm>>) target(%run_scoped3A_3 : memref<40x128xi32, #tpu.memory_space<vmem>>) target_semaphore(%run_scoped3A_102 : memref<!tpu.dma_semaphore, #tpu.memory_space<semaphore_mem>>)
        %dma_wait3A = arith.constant 0 : i32
        %dma_wait3A_107 = tpu.memref_slice %arg3[%add3A_24, %dma_wait3A] : memref<2560x128xi32, #tpu.memory_space<hbm>> -> memref<40x128xi32, #tpu.memory_space<hbm>>
        %dma_wait3A_108 = arith.constant 0 : i32
        %dma_wait3A_109 = tpu.memref_slice %arg3[%add3A_24, %dma_wait3A_108] : memref<2560x128xi32, #tpu.memory_space<hbm>> -> memref<40x128xi32, #tpu.memory_space<hbm>>
        tpu.wait_dma2 semaphore(%run_scoped3A_102 : memref<!tpu.dma_semaphore, #tpu.memory_space<semaphore_mem>>) src(%dma_wait3A_109 : memref<40x128xi32, #tpu.memory_space<hbm>>) dst(%run_scoped3A_3 : memref<40x128xi32, #tpu.memory_space<vmem>>)
        tpu.yield
      }) : () -> ()
      %dma_start3A = arith.constant 0 : i32
      %dma_start3A_25 = arith.constant 0 : i32
      %dma_start3A_26 = tpu.memref_slice %run_scoped3A[%dma_start3A, %dma_start3A_25] : memref<40x128xi32, #tpu.memory_space<vmem>> -> memref<1x128xi32, #tpu.memory_space<vmem>>
      %dma_start3A_27 = tpu.memref_squeeze %dma_start3A_26 : memref<1x128xi32, #tpu.memory_space<vmem>> -> memref<128xi32, #tpu.memory_space<vmem>>
      %dma_start3A_28 = arith.constant 0 : i32
      %dma_start3A_29 = arith.constant 0 : i32
      %dma_start3A_30 = tpu.memref_slice %arg4[%dma_start3A_28, %dma_start3A_29] : memref<10000x128xf32, #tpu.memory_space<hbm>> -> memref<10000x128xf32, #tpu.memory_space<hbm>>
      tpu.enqueue_indirect_dma source(%dma_start3A_30 : memref<10000x128xf32, #tpu.memory_space<hbm>>) target(%run_scoped3A_4 : memref<128x128xf32, #tpu.memory_space<vmem>>) offsets(%dma_start3A_27 : memref<128xi32, #tpu.memory_space<vmem>>) semaphore(%arg7 : memref<!tpu.dma_semaphore, #tpu.memory_space<semaphore_mem>>)
      %dma_start3A_31 = arith.constant 1 : i32
      %dma_start3A_32 = arith.constant 0 : i32
      %dma_start3A_33 = tpu.memref_slice %run_scoped3A[%dma_start3A_31, %dma_start3A_32] : memref<40x128xi32, #tpu.memory_space<vmem>> -> memref<1x128xi32, #tpu.memory_space<vmem>>
      %dma_start3A_34 = tpu.memref_squeeze %dma_start3A_33 : memref<1x128xi32, #tpu.memory_space<vmem>> -> memref<128xi32, #tpu.memory_space<vmem>>
      %dma_start3A_35 = arith.constant 0 : i32
      %dma_start3A_36 = arith.constant 0 : i32
      %dma_start3A_37 = tpu.memref_slice %arg4[%dma_start3A_35, %dma_start3A_36] : memref<10000x128xf32, #tpu.memory_space<hbm>> -> memref<10000x128xf32, #tpu.memory_space<hbm>>
      tpu.enqueue_indirect_dma source(%dma_start3A_37 : memref<10000x128xf32, #tpu.memory_space<hbm>>) target(%run_scoped3A_5 : memref<128x128xf32, #tpu.memory_space<vmem>>) offsets(%dma_start3A_34 : memref<128xi32, #tpu.memory_space<vmem>>) semaphore(%arg8 : memref<!tpu.dma_semaphore, #tpu.memory_space<semaphore_mem>>)
      %scan3A_38 = arith.constant 0 : i32
      %scan3A_39 = arith.constant 20 : i32
      %scan3A_40 = arith.addi %scan3A_38, %scan3A_39 : i32
      %scan3A_41 = arith.constant 1 : i32
      scf.for %scan3A_102 = %scan3A_38 to %scan3A_40 step %scan3A_41  : i32 {
        %mul3A_103 = arith.constant 2 : i32
        %mul3A_104 = arith.muli %scan3A_102, %mul3A_103 : i32
        %add3A_105 = arith.constant 0 : i32
        %add3A_106 = arith.addi %add3A_105, %mul3A_104 : i32
        %add3A_107 = arith.constant 0 : i32
        %add3A_108 = arith.addi %add3A_106, %add3A_107 : i32
        %dma_wait3A = arith.constant 0 : i32
        %dma_wait3A_109 = tpu.memref_slice %run_scoped3A[%add3A_108, %dma_wait3A] : memref<40x128xi32, #tpu.memory_space<vmem>> -> memref<1x128xi32, #tpu.memory_space<vmem>>
        %dma_wait3A_110 = tpu.memref_squeeze %dma_wait3A_109 : memref<1x128xi32, #tpu.memory_space<vmem>> -> memref<128xi32, #tpu.memory_space<vmem>>
        %dma_wait3A_111 = arith.constant 0 : i32
        %dma_wait3A_112 = arith.constant 0 : i32
        %dma_wait3A_113 = tpu.memref_slice %arg4[%dma_wait3A_111, %dma_wait3A_112] : memref<10000x128xf32, #tpu.memory_space<hbm>> -> memref<10000x128xf32, #tpu.memory_space<hbm>>
        tpu.wait_indirect_dma semaphore(%arg7 : memref<!tpu.dma_semaphore, #tpu.memory_space<semaphore_mem>>) src(%dma_wait3A_113 : memref<10000x128xf32, #tpu.memory_space<hbm>>) dst(%run_scoped3A_4 : memref<128x128xf32, #tpu.memory_space<vmem>>)
        "tpu.region"() ({
          %run_scoped3A_133 = tpu.sem_alloc : memref<!tpu.dma_semaphore, #tpu.memory_space<semaphore_mem>>
          %dma_start3A_134 = arith.constant 0 : i32
          %dma_start3A_135 = tpu.memref_slice %run_scoped3A_3[%add3A_108, %dma_start3A_134] : memref<40x128xi32, #tpu.memory_space<vmem>> -> memref<1x128xi32, #tpu.memory_space<vmem>>
          %dma_start3A_136 = tpu.memref_squeeze %dma_start3A_135 : memref<1x128xi32, #tpu.memory_space<vmem>> -> memref<128xi32, #tpu.memory_space<vmem>>
          %dma_start3A_137 = arith.constant 0 : i32
          %dma_start3A_138 = arith.constant 0 : i32
          %dma_start3A_139 = tpu.memref_slice %arg6[%dma_start3A_137, %dma_start3A_138] : memref<10112x128xf32, #tpu.memory_space<vmem_shared>> -> memref<10112x128xf32, #tpu.memory_space<vmem_shared>>
          tpu.enqueue_indirect_dma source(%run_scoped3A_4 : memref<128x128xf32, #tpu.memory_space<vmem>>) target(%dma_start3A_139 : memref<10112x128xf32, #tpu.memory_space<vmem_shared>>) offsets(%dma_start3A_136 : memref<128xi32, #tpu.memory_space<vmem>>) semaphore(%run_scoped3A_133 : memref<!tpu.dma_semaphore, #tpu.memory_space<semaphore_mem>>) {add = true}
          %dma_wait3A_140 = arith.constant 0 : i32
          %dma_wait3A_141 = tpu.memref_slice %run_scoped3A_3[%add3A_108, %dma_wait3A_140] : memref<40x128xi32, #tpu.memory_space<vmem>> -> memref<1x128xi32, #tpu.memory_space<vmem>>
          %dma_wait3A_142 = tpu.memref_squeeze %dma_wait3A_141 : memref<1x128xi32, #tpu.memory_space<vmem>> -> memref<128xi32, #tpu.memory_space<vmem>>
          %dma_wait3A_143 = arith.constant 0 : i32
          %dma_wait3A_144 = arith.constant 0 : i32
          %dma_wait3A_145 = tpu.memref_slice %arg6[%dma_wait3A_143, %dma_wait3A_144] : memref<10112x128xf32, #tpu.memory_space<vmem_shared>> -> memref<10112x128xf32, #tpu.memory_space<vmem_shared>>
          tpu.wait_indirect_dma semaphore(%run_scoped3A_133 : memref<!tpu.dma_semaphore, #tpu.memory_space<semaphore_mem>>) src(%run_scoped3A_4 : memref<128x128xf32, #tpu.memory_space<vmem>>) dst(%dma_wait3A_145 : memref<10112x128xf32, #tpu.memory_space<vmem_shared>>)
          tpu.yield
        }) : () -> ()
        %add3A_114 = arith.constant 2 : i32
        %add3A_115 = arith.addi %add3A_108, %add3A_114 : i32
        %lt3A = arith.constant 40 : i32
        %lt3A_116 = arith.cmpi slt, %add3A_115, %lt3A : i32
        %convert_element_type3A = arith.extui %lt3A_116 : i1 to i32
        %cond3A = arith.constant 0 : i32
        %cond3A_117 = arith.cmpi ne, %convert_element_type3A, %cond3A : i32
        scf.if %cond3A_117 {
          %add3A_133 = arith.constant 2 : i32
          %add3A_134 = arith.addi %add3A_108, %add3A_133 : i32
          %dma_start3A_135 = arith.constant 0 : i32
          %dma_start3A_136 = tpu.memref_slice %run_scoped3A[%add3A_134, %dma_start3A_135] : memref<40x128xi32, #tpu.memory_space<vmem>> -> memref<1x128xi32, #tpu.memory_space<vmem>>
          %dma_start3A_137 = tpu.memref_squeeze %dma_start3A_136 : memref<1x128xi32, #tpu.memory_space<vmem>> -> memref<128xi32, #tpu.memory_space<vmem>>
          %dma_start3A_138 = arith.constant 0 : i32
          %dma_start3A_139 = arith.constant 0 : i32
          %dma_start3A_140 = tpu.memref_slice %arg4[%dma_start3A_138, %dma_start3A_139] : memref<10000x128xf32, #tpu.memory_space<hbm>> -> memref<10000x128xf32, #tpu.memory_space<hbm>>
          tpu.enqueue_indirect_dma source(%dma_start3A_140 : memref<10000x128xf32, #tpu.memory_space<hbm>>) target(%run_scoped3A_4 : memref<128x128xf32, #tpu.memory_space<vmem>>) offsets(%dma_start3A_137 : memref<128xi32, #tpu.memory_space<vmem>>) semaphore(%arg7 : memref<!tpu.dma_semaphore, #tpu.memory_space<semaphore_mem>>)
        } else {
        }
        %add3A_118 = arith.constant 1 : i32
        %add3A_119 = arith.addi %add3A_106, %add3A_118 : i32
        %dma_wait3A_120 = arith.constant 0 : i32
        %dma_wait3A_121 = tpu.memref_slice %run_scoped3A[%add3A_119, %dma_wait3A_120] : memref<40x128xi32, #tpu.memory_space<vmem>> -> memref<1x128xi32, #tpu.memory_space<vmem>>
        %dma_wait3A_122 = tpu.memref_squeeze %dma_wait3A_121 : memref<1x128xi32, #tpu.memory_space<vmem>> -> memref<128xi32, #tpu.memory_space<vmem>>
        %dma_wait3A_123 = arith.constant 0 : i32
        %dma_wait3A_124 = arith.constant 0 : i32
        %dma_wait3A_125 = tpu.memref_slice %arg4[%dma_wait3A_123, %dma_wait3A_124] : memref<10000x128xf32, #tpu.memory_space<hbm>> -> memref<10000x128xf32, #tpu.memory_space<hbm>>
        tpu.wait_indirect_dma semaphore(%arg8 : memref<!tpu.dma_semaphore, #tpu.memory_space<semaphore_mem>>) src(%dma_wait3A_125 : memref<10000x128xf32, #tpu.memory_space<hbm>>) dst(%run_scoped3A_5 : memref<128x128xf32, #tpu.memory_space<vmem>>)
        "tpu.region"() ({
          %run_scoped3A_133 = tpu.sem_alloc : memref<!tpu.dma_semaphore, #tpu.memory_space<semaphore_mem>>
          %dma_start3A_134 = arith.constant 0 : i32
          %dma_start3A_135 = tpu.memref_slice %run_scoped3A_3[%add3A_119, %dma_start3A_134] : memref<40x128xi32, #tpu.memory_space<vmem>> -> memref<1x128xi32, #tpu.memory_space<vmem>>
          %dma_start3A_136 = tpu.memref_squeeze %dma_start3A_135 : memref<1x128xi32, #tpu.memory_space<vmem>> -> memref<128xi32, #tpu.memory_space<vmem>>
          %dma_start3A_137 = arith.constant 0 : i32
          %dma_start3A_138 = arith.constant 0 : i32
          %dma_start3A_139 = tpu.memref_slice %arg6[%dma_start3A_137, %dma_start3A_138] : memref<10112x128xf32, #tpu.memory_space<vmem_shared>> -> memref<10112x128xf32, #tpu.memory_space<vmem_shared>>
          tpu.enqueue_indirect_dma source(%run_scoped3A_5 : memref<128x128xf32, #tpu.memory_space<vmem>>) target(%dma_start3A_139 : memref<10112x128xf32, #tpu.memory_space<vmem_shared>>) offsets(%dma_start3A_136 : memref<128xi32, #tpu.memory_space<vmem>>) semaphore(%run_scoped3A_133 : memref<!tpu.dma_semaphore, #tpu.memory_space<semaphore_mem>>) {add = true}
          %dma_wait3A_140 = arith.constant 0 : i32
          %dma_wait3A_141 = tpu.memref_slice %run_scoped3A_3[%add3A_119, %dma_wait3A_140] : memref<40x128xi32, #tpu.memory_space<vmem>> -> memref<1x128xi32, #tpu.memory_space<vmem>>
          %dma_wait3A_142 = tpu.memref_squeeze %dma_wait3A_141 : memref<1x128xi32, #tpu.memory_space<vmem>> -> memref<128xi32, #tpu.memory_space<vmem>>
          %dma_wait3A_143 = arith.constant 0 : i32
          %dma_wait3A_144 = arith.constant 0 : i32
          %dma_wait3A_145 = tpu.memref_slice %arg6[%dma_wait3A_143, %dma_wait3A_144] : memref<10112x128xf32, #tpu.memory_space<vmem_shared>> -> memref<10112x128xf32, #tpu.memory_space<vmem_shared>>
          tpu.wait_indirect_dma semaphore(%run_scoped3A_133 : memref<!tpu.dma_semaphore, #tpu.memory_space<semaphore_mem>>) src(%run_scoped3A_5 : memref<128x128xf32, #tpu.memory_space<vmem>>) dst(%dma_wait3A_145 : memref<10112x128xf32, #tpu.memory_space<vmem_shared>>)
          tpu.yield
        }) : () -> ()
        %add3A_126 = arith.constant 2 : i32
        %add3A_127 = arith.addi %add3A_119, %add3A_126 : i32
        %lt3A_128 = arith.constant 40 : i32
        %lt3A_129 = arith.cmpi slt, %add3A_127, %lt3A_128 : i32
        %convert_element_type3A_130 = arith.extui %lt3A_129 : i1 to i32
        %cond3A_131 = arith.constant 0 : i32
        %cond3A_132 = arith.cmpi ne, %convert_element_type3A_130, %cond3A_131 : i32
        scf.if %cond3A_132 {
          %add3A_133 = arith.constant 2 : i32
          %add3A_134 = arith.addi %add3A_119, %add3A_133 : i32
          %dma_start3A_135 = arith.constant 0 : i32
          %dma_start3A_136 = tpu.memref_slice %run_scoped3A[%add3A_134, %dma_start3A_135] : memref<40x128xi32, #tpu.memory_space<vmem>> -> memref<1x128xi32, #tpu.memory_space<vmem>>
          %dma_start3A_137 = tpu.memref_squeeze %dma_start3A_136 : memref<1x128xi32, #tpu.memory_space<vmem>> -> memref<128xi32, #tpu.memory_space<vmem>>
          %dma_start3A_138 = arith.constant 0 : i32
          %dma_start3A_139 = arith.constant 0 : i32
          %dma_start3A_140 = tpu.memref_slice %arg4[%dma_start3A_138, %dma_start3A_139] : memref<10000x128xf32, #tpu.memory_space<hbm>> -> memref<10000x128xf32, #tpu.memory_space<hbm>>
          tpu.enqueue_indirect_dma source(%dma_start3A_140 : memref<10000x128xf32, #tpu.memory_space<hbm>>) target(%run_scoped3A_5 : memref<128x128xf32, #tpu.memory_space<vmem>>) offsets(%dma_start3A_137 : memref<128xi32, #tpu.memory_space<vmem>>) semaphore(%arg8 : memref<!tpu.dma_semaphore, #tpu.memory_space<semaphore_mem>>)
        } else {
        }
      }
      %scan3A_42 = arith.constant 20 : i32
      %mul3A_43 = arith.constant 80 : i32
      %mul3A_44 = arith.muli %add3A, %mul3A_43 : i32
      %add3A_45 = arith.constant 40 : i32
      %add3A_46 = arith.addi %mul3A_44, %add3A_45 : i32
      "tpu.region"() ({
        %run_scoped3A_102 = tpu.sem_alloc : memref<!tpu.dma_semaphore, #tpu.memory_space<semaphore_mem>>
        %dma_start3A_103 = arith.constant 0 : i32
        %dma_start3A_104 = tpu.memref_slice %arg2[%add3A_46, %dma_start3A_103] : memref<2560x128xi32, #tpu.memory_space<hbm>> -> memref<40x128xi32, #tpu.memory_space<hbm>>
        %dma_start3A_105 = arith.constant 0 : i32
        %dma_start3A_106 = tpu.memref_slice %arg2[%add3A_46, %dma_start3A_105] : memref<2560x128xi32, #tpu.memory_space<hbm>> -> memref<40x128xi32, #tpu.memory_space<hbm>>
        tpu.enqueue_dma source(%dma_start3A_106 : memref<40x128xi32, #tpu.memory_space<hbm>>) target(%run_scoped3A : memref<40x128xi32, #tpu.memory_space<vmem>>) target_semaphore(%run_scoped3A_102 : memref<!tpu.dma_semaphore, #tpu.memory_space<semaphore_mem>>)
        %dma_wait3A = arith.constant 0 : i32
        %dma_wait3A_107 = tpu.memref_slice %arg2[%add3A_46, %dma_wait3A] : memref<2560x128xi32, #tpu.memory_space<hbm>> -> memref<40x128xi32, #tpu.memory_space<hbm>>
        %dma_wait3A_108 = arith.constant 0 : i32
        %dma_wait3A_109 = tpu.memref_slice %arg2[%add3A_46, %dma_wait3A_108] : memref<2560x128xi32, #tpu.memory_space<hbm>> -> memref<40x128xi32, #tpu.memory_space<hbm>>
        tpu.wait_dma2 semaphore(%run_scoped3A_102 : memref<!tpu.dma_semaphore, #tpu.memory_space<semaphore_mem>>) src(%dma_wait3A_109 : memref<40x128xi32, #tpu.memory_space<hbm>>) dst(%run_scoped3A : memref<40x128xi32, #tpu.memory_space<vmem>>)
        tpu.yield
      }) : () -> ()
      "tpu.region"() ({
        %run_scoped3A_102 = tpu.sem_alloc : memref<!tpu.dma_semaphore, #tpu.memory_space<semaphore_mem>>
        %dma_start3A_103 = arith.constant 0 : i32
        %dma_start3A_104 = tpu.memref_slice %arg3[%add3A_46, %dma_start3A_103] : memref<2560x128xi32, #tpu.memory_space<hbm>> -> memref<40x128xi32, #tpu.memory_space<hbm>>
        %dma_start3A_105 = arith.constant 0 : i32
        %dma_start3A_106 = tpu.memref_slice %arg3[%add3A_46, %dma_start3A_105] : memref<2560x128xi32, #tpu.memory_space<hbm>> -> memref<40x128xi32, #tpu.memory_space<hbm>>
        tpu.enqueue_dma source(%dma_start3A_106 : memref<40x128xi32, #tpu.memory_space<hbm>>) target(%run_scoped3A_3 : memref<40x128xi32, #tpu.memory_space<vmem>>) target_semaphore(%run_scoped3A_102 : memref<!tpu.dma_semaphore, #tpu.memory_space<semaphore_mem>>)
        %dma_wait3A = arith.constant 0 : i32
        %dma_wait3A_107 = tpu.memref_slice %arg3[%add3A_46, %dma_wait3A] : memref<2560x128xi32, #tpu.memory_space<hbm>> -> memref<40x128xi32, #tpu.memory_space<hbm>>
        %dma_wait3A_108 = arith.constant 0 : i32
        %dma_wait3A_109 = tpu.memref_slice %arg3[%add3A_46, %dma_wait3A_108] : memref<2560x128xi32, #tpu.memory_space<hbm>> -> memref<40x128xi32, #tpu.memory_space<hbm>>
        tpu.wait_dma2 semaphore(%run_scoped3A_102 : memref<!tpu.dma_semaphore, #tpu.memory_space<semaphore_mem>>) src(%dma_wait3A_109 : memref<40x128xi32, #tpu.memory_space<hbm>>) dst(%run_scoped3A_3 : memref<40x128xi32, #tpu.memory_space<vmem>>)
        tpu.yield
      }) : () -> ()
      %dma_start3A_47 = arith.constant 0 : i32
      %dma_start3A_48 = arith.constant 0 : i32
      %dma_start3A_49 = tpu.memref_slice %run_scoped3A[%dma_start3A_47, %dma_start3A_48] : memref<40x128xi32, #tpu.memory_space<vmem>> -> memref<1x128xi32, #tpu.memory_space<vmem>>
      %dma_start3A_50 = tpu.memref_squeeze %dma_start3A_49 : memref<1x128xi32, #tpu.memory_space<vmem>> -> memref<128xi32, #tpu.memory_space<vmem>>
      %dma_start3A_51 = arith.constant 0 : i32
      %dma_start3A_52 = arith.constant 0 : i32
      %dma_start3A_53 = tpu.memref_slice %arg4[%dma_start3A_51, %dma_start3A_52] : memref<10000x128xf32, #tpu.memory_space<hbm>> -> memref<10000x128xf32, #tpu.memory_space<hbm>>
      tpu.enqueue_indirect_dma source(%dma_start3A_53 : memref<10000x128xf32, #tpu.memory_space<hbm>>) target(%run_scoped3A_4 : memref<128x128xf32, #tpu.memory_space<vmem>>) offsets(%dma_start3A_50 : memref<128xi32, #tpu.memory_space<vmem>>) semaphore(%arg7 : memref<!tpu.dma_semaphore, #tpu.memory_space<semaphore_mem>>)
      %dma_start3A_54 = arith.constant 1 : i32
      %dma_start3A_55 = arith.constant 0 : i32
      %dma_start3A_56 = tpu.memref_slice %run_scoped3A[%dma_start3A_54, %dma_start3A_55] : memref<40x128xi32, #tpu.memory_space<vmem>> -> memref<1x128xi32, #tpu.memory_space<vmem>>
      %dma_start3A_57 = tpu.memref_squeeze %dma_start3A_56 : memref<1x128xi32, #tpu.memory_space<vmem>> -> memref<128xi32, #tpu.memory_space<vmem>>
      %dma_start3A_58 = arith.constant 0 : i32
      %dma_start3A_59 = arith.constant 0 : i32
      %dma_start3A_60 = tpu.memref_slice %arg4[%dma_start3A_58, %dma_start3A_59] : memref<10000x128xf32, #tpu.memory_space<hbm>> -> memref<10000x128xf32, #tpu.memory_space<hbm>>
      tpu.enqueue_indirect_dma source(%dma_start3A_60 : memref<10000x128xf32, #tpu.memory_space<hbm>>) target(%run_scoped3A_5 : memref<128x128xf32, #tpu.memory_space<vmem>>) offsets(%dma_start3A_57 : memref<128xi32, #tpu.memory_space<vmem>>) semaphore(%arg8 : memref<!tpu.dma_semaphore, #tpu.memory_space<semaphore_mem>>)
      %scan3A_61 = arith.constant 0 : i32
      %scan3A_62 = arith.constant 20 : i32
      %scan3A_63 = arith.addi %scan3A_61, %scan3A_62 : i32
      %scan3A_64 = arith.constant 1 : i32
      scf.for %scan3A_102 = %scan3A_61 to %scan3A_63 step %scan3A_64  : i32 {
        %mul3A_103 = arith.constant 2 : i32
        %mul3A_104 = arith.muli %scan3A_102, %mul3A_103 : i32
        %add3A_105 = arith.constant 0 : i32
        %add3A_106 = arith.addi %add3A_105, %mul3A_104 : i32
        %add3A_107 = arith.constant 0 : i32
        %add3A_108 = arith.addi %add3A_106, %add3A_107 : i32
        %dma_wait3A = arith.constant 0 : i32
        %dma_wait3A_109 = tpu.memref_slice %run_scoped3A[%add3A_108, %dma_wait3A] : memref<40x128xi32, #tpu.memory_space<vmem>> -> memref<1x128xi32, #tpu.memory_space<vmem>>
        %dma_wait3A_110 = tpu.memref_squeeze %dma_wait3A_109 : memref<1x128xi32, #tpu.memory_space<vmem>> -> memref<128xi32, #tpu.memory_space<vmem>>
        %dma_wait3A_111 = arith.constant 0 : i32
        %dma_wait3A_112 = arith.constant 0 : i32
        %dma_wait3A_113 = tpu.memref_slice %arg4[%dma_wait3A_111, %dma_wait3A_112] : memref<10000x128xf32, #tpu.memory_space<hbm>> -> memref<10000x128xf32, #tpu.memory_space<hbm>>
        tpu.wait_indirect_dma semaphore(%arg7 : memref<!tpu.dma_semaphore, #tpu.memory_space<semaphore_mem>>) src(%dma_wait3A_113 : memref<10000x128xf32, #tpu.memory_space<hbm>>) dst(%run_scoped3A_4 : memref<128x128xf32, #tpu.memory_space<vmem>>)
        "tpu.region"() ({
          %run_scoped3A_133 = tpu.sem_alloc : memref<!tpu.dma_semaphore, #tpu.memory_space<semaphore_mem>>
          %dma_start3A_134 = arith.constant 0 : i32
          %dma_start3A_135 = tpu.memref_slice %run_scoped3A_3[%add3A_108, %dma_start3A_134] : memref<40x128xi32, #tpu.memory_space<vmem>> -> memref<1x128xi32, #tpu.memory_space<vmem>>
          %dma_start3A_136 = tpu.memref_squeeze %dma_start3A_135 : memref<1x128xi32, #tpu.memory_space<vmem>> -> memref<128xi32, #tpu.memory_space<vmem>>
          %dma_start3A_137 = arith.constant 0 : i32
          %dma_start3A_138 = arith.constant 0 : i32
          %dma_start3A_139 = tpu.memref_slice %arg6[%dma_start3A_137, %dma_start3A_138] : memref<10112x128xf32, #tpu.memory_space<vmem_shared>> -> memref<10112x128xf32, #tpu.memory_space<vmem_shared>>
          tpu.enqueue_indirect_dma source(%run_scoped3A_4 : memref<128x128xf32, #tpu.memory_space<vmem>>) target(%dma_start3A_139 : memref<10112x128xf32, #tpu.memory_space<vmem_shared>>) offsets(%dma_start3A_136 : memref<128xi32, #tpu.memory_space<vmem>>) semaphore(%run_scoped3A_133 : memref<!tpu.dma_semaphore, #tpu.memory_space<semaphore_mem>>) {add = true}
          %dma_wait3A_140 = arith.constant 0 : i32
          %dma_wait3A_141 = tpu.memref_slice %run_scoped3A_3[%add3A_108, %dma_wait3A_140] : memref<40x128xi32, #tpu.memory_space<vmem>> -> memref<1x128xi32, #tpu.memory_space<vmem>>
          %dma_wait3A_142 = tpu.memref_squeeze %dma_wait3A_141 : memref<1x128xi32, #tpu.memory_space<vmem>> -> memref<128xi32, #tpu.memory_space<vmem>>
          %dma_wait3A_143 = arith.constant 0 : i32
          %dma_wait3A_144 = arith.constant 0 : i32
          %dma_wait3A_145 = tpu.memref_slice %arg6[%dma_wait3A_143, %dma_wait3A_144] : memref<10112x128xf32, #tpu.memory_space<vmem_shared>> -> memref<10112x128xf32, #tpu.memory_space<vmem_shared>>
          tpu.wait_indirect_dma semaphore(%run_scoped3A_133 : memref<!tpu.dma_semaphore, #tpu.memory_space<semaphore_mem>>) src(%run_scoped3A_4 : memref<128x128xf32, #tpu.memory_space<vmem>>) dst(%dma_wait3A_145 : memref<10112x128xf32, #tpu.memory_space<vmem_shared>>)
          tpu.yield
        }) : () -> ()
        %add3A_114 = arith.constant 2 : i32
        %add3A_115 = arith.addi %add3A_108, %add3A_114 : i32
        %lt3A = arith.constant 40 : i32
        %lt3A_116 = arith.cmpi slt, %add3A_115, %lt3A : i32
        %convert_element_type3A = arith.extui %lt3A_116 : i1 to i32
        %cond3A = arith.constant 0 : i32
        %cond3A_117 = arith.cmpi ne, %convert_element_type3A, %cond3A : i32
        scf.if %cond3A_117 {
          %add3A_133 = arith.constant 2 : i32
          %add3A_134 = arith.addi %add3A_108, %add3A_133 : i32
          %dma_start3A_135 = arith.constant 0 : i32
          %dma_start3A_136 = tpu.memref_slice %run_scoped3A[%add3A_134, %dma_start3A_135] : memref<40x128xi32, #tpu.memory_space<vmem>> -> memref<1x128xi32, #tpu.memory_space<vmem>>
          %dma_start3A_137 = tpu.memref_squeeze %dma_start3A_136 : memref<1x128xi32, #tpu.memory_space<vmem>> -> memref<128xi32, #tpu.memory_space<vmem>>
          %dma_start3A_138 = arith.constant 0 : i32
          %dma_start3A_139 = arith.constant 0 : i32
          %dma_start3A_140 = tpu.memref_slice %arg4[%dma_start3A_138, %dma_start3A_139] : memref<10000x128xf32, #tpu.memory_space<hbm>> -> memref<10000x128xf32, #tpu.memory_space<hbm>>
          tpu.enqueue_indirect_dma source(%dma_start3A_140 : memref<10000x128xf32, #tpu.memory_space<hbm>>) target(%run_scoped3A_4 : memref<128x128xf32, #tpu.memory_space<vmem>>) offsets(%dma_start3A_137 : memref<128xi32, #tpu.memory_space<vmem>>) semaphore(%arg7 : memref<!tpu.dma_semaphore, #tpu.memory_space<semaphore_mem>>)
        } else {
        }
        %add3A_118 = arith.constant 1 : i32
        %add3A_119 = arith.addi %add3A_106, %add3A_118 : i32
        %dma_wait3A_120 = arith.constant 0 : i32
        %dma_wait3A_121 = tpu.memref_slice %run_scoped3A[%add3A_119, %dma_wait3A_120] : memref<40x128xi32, #tpu.memory_space<vmem>> -> memref<1x128xi32, #tpu.memory_space<vmem>>
        %dma_wait3A_122 = tpu.memref_squeeze %dma_wait3A_121 : memref<1x128xi32, #tpu.memory_space<vmem>> -> memref<128xi32, #tpu.memory_space<vmem>>
        %dma_wait3A_123 = arith.constant 0 : i32
        %dma_wait3A_124 = arith.constant 0 : i32
        %dma_wait3A_125 = tpu.memref_slice %arg4[%dma_wait3A_123, %dma_wait3A_124] : memref<10000x128xf32, #tpu.memory_space<hbm>> -> memref<10000x128xf32, #tpu.memory_space<hbm>>
        tpu.wait_indirect_dma semaphore(%arg8 : memref<!tpu.dma_semaphore, #tpu.memory_space<semaphore_mem>>) src(%dma_wait3A_125 : memref<10000x128xf32, #tpu.memory_space<hbm>>) dst(%run_scoped3A_5 : memref<128x128xf32, #tpu.memory_space<vmem>>)
        "tpu.region"() ({
          %run_scoped3A_133 = tpu.sem_alloc : memref<!tpu.dma_semaphore, #tpu.memory_space<semaphore_mem>>
          %dma_start3A_134 = arith.constant 0 : i32
          %dma_start3A_135 = tpu.memref_slice %run_scoped3A_3[%add3A_119, %dma_start3A_134] : memref<40x128xi32, #tpu.memory_space<vmem>> -> memref<1x128xi32, #tpu.memory_space<vmem>>
          %dma_start3A_136 = tpu.memref_squeeze %dma_start3A_135 : memref<1x128xi32, #tpu.memory_space<vmem>> -> memref<128xi32, #tpu.memory_space<vmem>>
          %dma_start3A_137 = arith.constant 0 : i32
          %dma_start3A_138 = arith.constant 0 : i32
          %dma_start3A_139 = tpu.memref_slice %arg6[%dma_start3A_137, %dma_start3A_138] : memref<10112x128xf32, #tpu.memory_space<vmem_shared>> -> memref<10112x128xf32, #tpu.memory_space<vmem_shared>>
          tpu.enqueue_indirect_dma source(%run_scoped3A_5 : memref<128x128xf32, #tpu.memory_space<vmem>>) target(%dma_start3A_139 : memref<10112x128xf32, #tpu.memory_space<vmem_shared>>) offsets(%dma_start3A_136 : memref<128xi32, #tpu.memory_space<vmem>>) semaphore(%run_scoped3A_133 : memref<!tpu.dma_semaphore, #tpu.memory_space<semaphore_mem>>) {add = true}
          %dma_wait3A_140 = arith.constant 0 : i32
          %dma_wait3A_141 = tpu.memref_slice %run_scoped3A_3[%add3A_119, %dma_wait3A_140] : memref<40x128xi32, #tpu.memory_space<vmem>> -> memref<1x128xi32, #tpu.memory_space<vmem>>
          %dma_wait3A_142 = tpu.memref_squeeze %dma_wait3A_141 : memref<1x128xi32, #tpu.memory_space<vmem>> -> memref<128xi32, #tpu.memory_space<vmem>>
          %dma_wait3A_143 = arith.constant 0 : i32
          %dma_wait3A_144 = arith.constant 0 : i32
          %dma_wait3A_145 = tpu.memref_slice %arg6[%dma_wait3A_143, %dma_wait3A_144] : memref<10112x128xf32, #tpu.memory_space<vmem_shared>> -> memref<10112x128xf32, #tpu.memory_space<vmem_shared>>
          tpu.wait_indirect_dma semaphore(%run_scoped3A_133 : memref<!tpu.dma_semaphore, #tpu.memory_space<semaphore_mem>>) src(%run_scoped3A_5 : memref<128x128xf32, #tpu.memory_space<vmem>>) dst(%dma_wait3A_145 : memref<10112x128xf32, #tpu.memory_space<vmem_shared>>)
          tpu.yield
        }) : () -> ()
        %add3A_126 = arith.constant 2 : i32
        %add3A_127 = arith.addi %add3A_119, %add3A_126 : i32
        %lt3A_128 = arith.constant 40 : i32
        %lt3A_129 = arith.cmpi slt, %add3A_127, %lt3A_128 : i32
        %convert_element_type3A_130 = arith.extui %lt3A_129 : i1 to i32
        %cond3A_131 = arith.constant 0 : i32
        %cond3A_132 = arith.cmpi ne, %convert_element_type3A_130, %cond3A_131 : i32
        scf.if %cond3A_132 {
          %add3A_133 = arith.constant 2 : i32
          %add3A_134 = arith.addi %add3A_119, %add3A_133 : i32
          %dma_start3A_135 = arith.constant 0 : i32
          %dma_start3A_136 = tpu.memref_slice %run_scoped3A[%add3A_134, %dma_start3A_135] : memref<40x128xi32, #tpu.memory_space<vmem>> -> memref<1x128xi32, #tpu.memory_space<vmem>>
          %dma_start3A_137 = tpu.memref_squeeze %dma_start3A_136 : memref<1x128xi32, #tpu.memory_space<vmem>> -> memref<128xi32, #tpu.memory_space<vmem>>
          %dma_start3A_138 = arith.constant 0 : i32
          %dma_start3A_139 = arith.constant 0 : i32
          %dma_start3A_140 = tpu.memref_slice %arg4[%dma_start3A_138, %dma_start3A_139] : memref<10000x128xf32, #tpu.memory_space<hbm>> -> memref<10000x128xf32, #tpu.memory_space<hbm>>
          tpu.enqueue_indirect_dma source(%dma_start3A_140 : memref<10000x128xf32, #tpu.memory_space<hbm>>) target(%run_scoped3A_5 : memref<128x128xf32, #tpu.memory_space<vmem>>) offsets(%dma_start3A_137 : memref<128xi32, #tpu.memory_space<vmem>>) semaphore(%arg8 : memref<!tpu.dma_semaphore, #tpu.memory_space<semaphore_mem>>)
        } else {
        }
      }
      %scan3A_65 = arith.constant 20 : i32
      %barrier3A_66 = arith.constant 0 : index
      tpu.barrier barrier_id(%barrier3A_66)
      %add3A_67 = arith.constant 0 : i32
      %add3A_68 = arith.addi %mul3A_2, %add3A_67 : i32
      %mul3A_69 = arith.constant 10112 : i32
      %mul3A_70 = arith.muli %arg0, %mul3A_69 : i32
      %add3A_71 = arith.addi %mul3A_70, %mul3A_2 : i32
      %add3A_72 = arith.constant 0 : i32
      %add3A_73 = arith.addi %add3A_71, %add3A_72 : i32
      "tpu.region"() ({
        %run_scoped3A_102 = tpu.sem_alloc : memref<!tpu.dma_semaphore, #tpu.memory_space<semaphore_mem>>
        %dma_start3A_103 = arith.constant 0 : i32
        %dma_start3A_104 = tpu.memref_slice %arg5[%add3A_73, %dma_start3A_103] : memref<20224x128xf32, #tpu.memory_space<hbm>> -> memref<128x128xf32, #tpu.memory_space<hbm>>
        %dma_start3A_105 = arith.constant 0 : i32
        %dma_start3A_106 = tpu.memref_slice %arg6[%add3A_68, %dma_start3A_105] : memref<10112x128xf32, #tpu.memory_space<vmem_shared>> -> memref<128x128xf32, #tpu.memory_space<vmem_shared>>
        tpu.enqueue_dma source(%dma_start3A_106 : memref<128x128xf32, #tpu.memory_space<vmem_shared>>) target(%dma_start3A_104 : memref<128x128xf32, #tpu.memory_space<hbm>>) target_semaphore(%run_scoped3A_102 : memref<!tpu.dma_semaphore, #tpu.memory_space<semaphore_mem>>)
        %dma_wait3A = arith.constant 0 : i32
        %dma_wait3A_107 = tpu.memref_slice %arg5[%add3A_73, %dma_wait3A] : memref<20224x128xf32, #tpu.memory_space<hbm>> -> memref<128x128xf32, #tpu.memory_space<hbm>>
        %dma_wait3A_108 = arith.constant 0 : i32
        %dma_wait3A_109 = tpu.memref_slice %arg6[%add3A_68, %dma_wait3A_108] : memref<10112x128xf32, #tpu.memory_space<vmem_shared>> -> memref<128x128xf32, #tpu.memory_space<vmem_shared>>
        tpu.wait_dma2 semaphore(%run_scoped3A_102 : memref<!tpu.dma_semaphore, #tpu.memory_space<semaphore_mem>>) src(%dma_wait3A_109 : memref<128x128xf32, #tpu.memory_space<vmem_shared>>) dst(%dma_wait3A_107 : memref<128x128xf32, #tpu.memory_space<hbm>>)
        tpu.yield
      }) : () -> ()
      %add3A_74 = arith.constant 128 : i32
      %add3A_75 = arith.addi %mul3A_2, %add3A_74 : i32
      %mul3A_76 = arith.constant 10112 : i32
      %mul3A_77 = arith.muli %arg0, %mul3A_76 : i32
      %add3A_78 = arith.addi %mul3A_77, %mul3A_2 : i32
      %add3A_79 = arith.constant 128 : i32
      %add3A_80 = arith.addi %add3A_78, %add3A_79 : i32
      "tpu.region"() ({
        %run_scoped3A_102 = tpu.sem_alloc : memref<!tpu.dma_semaphore, #tpu.memory_space<semaphore_mem>>
        %dma_start3A_103 = arith.constant 0 : i32
        %dma_start3A_104 = tpu.memref_slice %arg5[%add3A_80, %dma_start3A_103] : memref<20224x128xf32, #tpu.memory_space<hbm>> -> memref<128x128xf32, #tpu.memory_space<hbm>>
        %dma_start3A_105 = arith.constant 0 : i32
        %dma_start3A_106 = tpu.memref_slice %arg6[%add3A_75, %dma_start3A_105] : memref<10112x128xf32, #tpu.memory_space<vmem_shared>> -> memref<128x128xf32, #tpu.memory_space<vmem_shared>>
        tpu.enqueue_dma source(%dma_start3A_106 : memref<128x128xf32, #tpu.memory_space<vmem_shared>>) target(%dma_start3A_104 : memref<128x128xf32, #tpu.memory_space<hbm>>) target_semaphore(%run_scoped3A_102 : memref<!tpu.dma_semaphore, #tpu.memory_space<semaphore_mem>>)
        %dma_wait3A = arith.constant 0 : i32
        %dma_wait3A_107 = tpu.memref_slice %arg5[%add3A_80, %dma_wait3A] : memref<20224x128xf32, #tpu.memory_space<hbm>> -> memref<128x128xf32, #tpu.memory_space<hbm>>
        %dma_wait3A_108 = arith.constant 0 : i32
        %dma_wait3A_109 = tpu.memref_slice %arg6[%add3A_75, %dma_wait3A_108] : memref<10112x128xf32, #tpu.memory_space<vmem_shared>> -> memref<128x128xf32, #tpu.memory_space<vmem_shared>>
        tpu.wait_dma2 semaphore(%run_scoped3A_102 : memref<!tpu.dma_semaphore, #tpu.memory_space<semaphore_mem>>) src(%dma_wait3A_109 : memref<128x128xf32, #tpu.memory_space<vmem_shared>>) dst(%dma_wait3A_107 : memref<128x128xf32, #tpu.memory_space<hbm>>)
        tpu.yield
      }) : () -> ()
      %add3A_81 = arith.constant 256 : i32
      %add3A_82 = arith.addi %mul3A_2, %add3A_81 : i32
      %mul3A_83 = arith.constant 10112 : i32
      %mul3A_84 = arith.muli %arg0, %mul3A_83 : i32
      %add3A_85 = arith.addi %mul3A_84, %mul3A_2 : i32
      %add3A_86 = arith.constant 256 : i32
      %add3A_87 = arith.addi %add3A_85, %add3A_86 : i32
      "tpu.region"() ({
        %run_scoped3A_102 = tpu.sem_alloc : memref<!tpu.dma_semaphore, #tpu.memory_space<semaphore_mem>>
        %dma_start3A_103 = arith.constant 0 : i32
        %dma_start3A_104 = tpu.memref_slice %arg5[%add3A_87, %dma_start3A_103] : memref<20224x128xf32, #tpu.memory_space<hbm>> -> memref<128x128xf32, #tpu.memory_space<hbm>>
        %dma_start3A_105 = arith.constant 0 : i32
        %dma_start3A_106 = tpu.memref_slice %arg6[%add3A_82, %dma_start3A_105] : memref<10112x128xf32, #tpu.memory_space<vmem_shared>> -> memref<128x128xf32, #tpu.memory_space<vmem_shared>>
        tpu.enqueue_dma source(%dma_start3A_106 : memref<128x128xf32, #tpu.memory_space<vmem_shared>>) target(%dma_start3A_104 : memref<128x128xf32, #tpu.memory_space<hbm>>) target_semaphore(%run_scoped3A_102 : memref<!tpu.dma_semaphore, #tpu.memory_space<semaphore_mem>>)
        %dma_wait3A = arith.constant 0 : i32
        %dma_wait3A_107 = tpu.memref_slice %arg5[%add3A_87, %dma_wait3A] : memref<20224x128xf32, #tpu.memory_space<hbm>> -> memref<128x128xf32, #tpu.memory_space<hbm>>
        %dma_wait3A_108 = arith.constant 0 : i32
        %dma_wait3A_109 = tpu.memref_slice %arg6[%add3A_82, %dma_wait3A_108] : memref<10112x128xf32, #tpu.memory_space<vmem_shared>> -> memref<128x128xf32, #tpu.memory_space<vmem_shared>>
        tpu.wait_dma2 semaphore(%run_scoped3A_102 : memref<!tpu.dma_semaphore, #tpu.memory_space<semaphore_mem>>) src(%dma_wait3A_109 : memref<128x128xf32, #tpu.memory_space<vmem_shared>>) dst(%dma_wait3A_107 : memref<128x128xf32, #tpu.memory_space<hbm>>)
        tpu.yield
      }) : () -> ()
      %add3A_88 = arith.constant 384 : i32
      %add3A_89 = arith.addi %mul3A_2, %add3A_88 : i32
      %mul3A_90 = arith.constant 10112 : i32
      %mul3A_91 = arith.muli %arg0, %mul3A_90 : i32
      %add3A_92 = arith.addi %mul3A_91, %mul3A_2 : i32
      %add3A_93 = arith.constant 384 : i32
      %add3A_94 = arith.addi %add3A_92, %add3A_93 : i32
      "tpu.region"() ({
        %run_scoped3A_102 = tpu.sem_alloc : memref<!tpu.dma_semaphore, #tpu.memory_space<semaphore_mem>>
        %dma_start3A_103 = arith.constant 0 : i32
        %dma_start3A_104 = tpu.memref_slice %arg5[%add3A_94, %dma_start3A_103] : memref<20224x128xf32, #tpu.memory_space<hbm>> -> memref<128x128xf32, #tpu.memory_space<hbm>>
        %dma_start3A_105 = arith.constant 0 : i32
        %dma_start3A_106 = tpu.memref_slice %arg6[%add3A_89, %dma_start3A_105] : memref<10112x128xf32, #tpu.memory_space<vmem_shared>> -> memref<128x128xf32, #tpu.memory_space<vmem_shared>>
        tpu.enqueue_dma source(%dma_start3A_106 : memref<128x128xf32, #tpu.memory_space<vmem_shared>>) target(%dma_start3A_104 : memref<128x128xf32, #tpu.memory_space<hbm>>) target_semaphore(%run_scoped3A_102 : memref<!tpu.dma_semaphore, #tpu.memory_space<semaphore_mem>>)
        %dma_wait3A = arith.constant 0 : i32
        %dma_wait3A_107 = tpu.memref_slice %arg5[%add3A_94, %dma_wait3A] : memref<20224x128xf32, #tpu.memory_space<hbm>> -> memref<128x128xf32, #tpu.memory_space<hbm>>
        %dma_wait3A_108 = arith.constant 0 : i32
        %dma_wait3A_109 = tpu.memref_slice %arg6[%add3A_89, %dma_wait3A_108] : memref<10112x128xf32, #tpu.memory_space<vmem_shared>> -> memref<128x128xf32, #tpu.memory_space<vmem_shared>>
        tpu.wait_dma2 semaphore(%run_scoped3A_102 : memref<!tpu.dma_semaphore, #tpu.memory_space<semaphore_mem>>) src(%dma_wait3A_109 : memref<128x128xf32, #tpu.memory_space<vmem_shared>>) dst(%dma_wait3A_107 : memref<128x128xf32, #tpu.memory_space<hbm>>)
        tpu.yield
      }) : () -> ()
      %add3A_95 = arith.constant 512 : i32
      %add3A_96 = arith.addi %mul3A_2, %add3A_95 : i32
      %mul3A_97 = arith.constant 10112 : i32
      %mul3A_98 = arith.muli %arg0, %mul3A_97 : i32
      %add3A_99 = arith.addi %mul3A_98, %mul3A_2 : i32
      %add3A_100 = arith.constant 512 : i32
      %add3A_101 = arith.addi %add3A_99, %add3A_100 : i32
      "tpu.region"() ({
        %run_scoped3A_102 = tpu.sem_alloc : memref<!tpu.dma_semaphore, #tpu.memory_space<semaphore_mem>>
        %dma_start3A_103 = arith.constant 0 : i32
        %dma_start3A_104 = tpu.memref_slice %arg5[%add3A_101, %dma_start3A_103] : memref<20224x128xf32, #tpu.memory_space<hbm>> -> memref<120x128xf32, #tpu.memory_space<hbm>>
        %dma_start3A_105 = arith.constant 0 : i32
        %dma_start3A_106 = tpu.memref_slice %arg6[%add3A_96, %dma_start3A_105] : memref<10112x128xf32, #tpu.memory_space<vmem_shared>> -> memref<120x128xf32, #tpu.memory_space<vmem_shared>>
        tpu.enqueue_dma source(%dma_start3A_106 : memref<120x128xf32, #tpu.memory_space<vmem_shared>>) target(%dma_start3A_104 : memref<120x128xf32, #tpu.memory_space<hbm>>) target_semaphore(%run_scoped3A_102 : memref<!tpu.dma_semaphore, #tpu.memory_space<semaphore_mem>>)
        %dma_wait3A = arith.constant 0 : i32
        %dma_wait3A_107 = tpu.memref_slice %arg5[%add3A_101, %dma_wait3A] : memref<20224x128xf32, #tpu.memory_space<hbm>> -> memref<120x128xf32, #tpu.memory_space<hbm>>
        %dma_wait3A_108 = arith.constant 0 : i32
        %dma_wait3A_109 = tpu.memref_slice %arg6[%add3A_96, %dma_wait3A_108] : memref<10112x128xf32, #tpu.memory_space<vmem_shared>> -> memref<120x128xf32, #tpu.memory_space<vmem_shared>>
        tpu.wait_dma2 semaphore(%run_scoped3A_102 : memref<!tpu.dma_semaphore, #tpu.memory_space<semaphore_mem>>) src(%dma_wait3A_109 : memref<120x128xf32, #tpu.memory_space<vmem_shared>>) dst(%dma_wait3A_107 : memref<120x128xf32, #tpu.memory_space<hbm>>)
        tpu.yield
      }) : () -> ()
      tpu.yield
    }) : () -> ()
    return
  }
}

module attributes {stable_mosaic.version = 14 : i64} {
  func.func @_scale_body(%arg0: i32, %arg1: memref<1000x128xf32, #tpu.memory_space<vmem>>, %arg2: memref<2x1000x128xf32, #tpu.memory_space<vmem>>, %arg3: memref<1000x128xf32, #tpu.memory_space<vmem>>) attributes {dimension_semantics = [#tpu.dimension_semantics<arbitrary>], iteration_bounds = array<i64: 10>, scalar_prefetch = 0 : i64, scratch_operands = 0 : i64, tpu.core_type = #tpu.core_type<tc>, window_params = [{transform_indices = @transform_0, window_bounds = array<i64: 1000, 128>}, {transform_indices = @transform_1, window_bounds = array<i64: 2, 1000, 128>}, {transform_indices = @transform_2, window_bounds = array<i64: 1000, 128>}]} {
    %get3A = arith.constant 0 : index
    %get3A_0 = arith.constant 0 : index
    %get3A_1 = arith.constant 0 : index
    %get3A_2 = vector.load %arg2[%get3A, %get3A_0, %get3A_1] : memref<2x1000x128xf32, #tpu.memory_space<vmem>>, vector<1x1000x1xf32>
    %get3A_3 = vector.shape_cast %get3A_2 : vector<1x1000x1xf32> to vector<1000xf32>
    %get3A_4 = arith.constant 1 : index
    %get3A_5 = arith.constant 0 : index
    %get3A_6 = arith.constant 0 : index
    %get3A_7 = vector.load %arg2[%get3A_4, %get3A_5, %get3A_6] : memref<2x1000x128xf32, #tpu.memory_space<vmem>>, vector<1x1000x1xf32>
    %get3A_8 = vector.shape_cast %get3A_7 : vector<1x1000x1xf32> to vector<1000xf32>
    %add3A = arith.addf %get3A_3, %get3A_8 : vector<1000xf32>
    %add3A_9 = arith.constant 1.000000e+00 : f32
    %add3A_10 = vector.broadcast %add3A_9 : f32 to vector<1000xf32>
    %add3A_11 = arith.addf %add3A, %add3A_10 : vector<1000xf32>
    %get3A_12 = arith.constant 0 : index
    %get3A_13 = arith.constant 0 : index
    %get3A_14 = vector.load %arg1[%get3A_12, %get3A_13] : memref<1000x128xf32, #tpu.memory_space<vmem>>, vector<1000x128xf32>
    %rsqrt3A = math.rsqrt %add3A_11 : vector<1000xf32>
    %broadcast_in_dim3A = vector.shape_cast %rsqrt3A : vector<1000xf32> to vector<1000x1xf32>
    %mul3A = vector.broadcast %broadcast_in_dim3A : vector<1000x1xf32> to vector<1000x128xf32>
    %mul3A_15 = arith.mulf %get3A_14, %mul3A : vector<1000x128xf32>
    %swap3A = arith.constant 0 : index
    %swap3A_16 = arith.constant 0 : index
    %swap3A_17 = vector.load %arg3[%swap3A, %swap3A_16] : memref<1000x128xf32, #tpu.memory_space<vmem>>, vector<1000x128xf32>
    tpu.vector_store %arg3[%swap3A, %swap3A_16], %mul3A_15 {strides = array<i32>} : memref<1000x128xf32, #tpu.memory_space<vmem>>, vector<1000x128xf32>,
    return
  }
  func.func @transform_0(%arg0: i32) -> (i32, i32) {
    %c0_i32 = arith.constant 0 : i32
    %c0_i32_0 = arith.constant 0 : i32
    return %arg0, %c0_i32 : i32, i32
  }
  func.func @transform_1(%arg0: i32) -> (i32, i32, i32) {
    %c0_i32 = arith.constant 0 : i32
    %c0_i32_0 = arith.constant 0 : i32
    %c0_i32_1 = arith.constant 0 : i32
    return %c0_i32, %arg0, %c0_i32_0 : i32, i32, i32
  }
  func.func @transform_2(%arg0: i32) -> (i32, i32) {
    %c0_i32 = arith.constant 0 : i32
    %c0_i32_0 = arith.constant 0 : i32
    return %arg0, %c0_i32 : i32, i32
  }
}

module attributes {stable_mosaic.version = 14 : i64} {
  func.func @_mix_body(%arg0: i32, %arg1: memref<1000x128xf32, #tpu.memory_space<vmem>>, %arg2: memref<2x1000x128xf32, #tpu.memory_space<vmem>>, %arg3: memref<2x1000x128xf32, #tpu.memory_space<vmem>>, %arg4: memref<128x128xf32, #tpu.memory_space<vmem>>, %arg5: memref<128x128xf32, #tpu.memory_space<vmem>>, %arg6: memref<128x128xf32, #tpu.memory_space<vmem>>, %arg7: memref<1x128xf32, #tpu.memory_space<vmem>>, %arg8: memref<1x128xf32, #tpu.memory_space<vmem>>, %arg9: memref<1x128xf32, #tpu.memory_space<vmem>>, %arg10: memref<1x128xf32, #tpu.memory_space<vmem>>, %arg11: memref<1x128xf32, #tpu.memory_space<vmem>>, %arg12: memref<1x128xf32, #tpu.memory_space<vmem>>, %arg13: memref<1x1xf32, #tpu.memory_space<vmem>>, %arg14: memref<1x1xf32, #tpu.memory_space<vmem>>, %arg15: memref<1x1xf32, #tpu.memory_space<vmem>>, %arg16: memref<1000x128xf32, #tpu.memory_space<vmem>>) attributes {dimension_semantics = [#tpu.dimension_semantics<arbitrary>], iteration_bounds = array<i64: 10>, scalar_prefetch = 0 : i64, scratch_operands = 0 : i64, tpu.core_type = #tpu.core_type<tc>, window_params = [{transform_indices = @transform_0, window_bounds = array<i64: 1000, 128>}, {transform_indices = @transform_1, window_bounds = array<i64: 2, 1000, 128>}, {transform_indices = @transform_2, window_bounds = array<i64: 2, 1000, 128>}, {pipeline_mode = #tpu.pipeline_mode<synchronous>, transform_indices = @transform_3, window_bounds = array<i64: 128, 128>}, {pipeline_mode = #tpu.pipeline_mode<synchronous>, transform_indices = @transform_4, window_bounds = array<i64: 128, 128>}, {pipeline_mode = #tpu.pipeline_mode<synchronous>, transform_indices = @transform_5, window_bounds = array<i64: 128, 128>}, {pipeline_mode = #tpu.pipeline_mode<synchronous>, transform_indices = @transform_6, window_bounds = array<i64: 1, 128>}, {pipeline_mode = #tpu.pipeline_mode<synchronous>, transform_indices = @transform_7, window_bounds = array<i64: 1, 128>}, {pipeline_mode = #tpu.pipeline_mode<synchronous>, transform_indices = @transform_8, window_bounds = array<i64: 1, 128>}, {pipeline_mode = #tpu.pipeline_mode<synchronous>, transform_indices = @transform_9, window_bounds = array<i64: 1, 128>}, {pipeline_mode = #tpu.pipeline_mode<synchronous>, transform_indices = @transform_10, window_bounds = array<i64: 1, 128>}, {pipeline_mode = #tpu.pipeline_mode<synchronous>, transform_indices = @transform_11, window_bounds = array<i64: 1, 128>}, {pipeline_mode = #tpu.pipeline_mode<synchronous>, transform_indices = @transform_12, window_bounds = array<i64: 1, 1>}, {pipeline_mode = #tpu.pipeline_mode<synchronous>, transform_indices = @transform_13, window_bounds = array<i64: 1, 1>}, {pipeline_mode = #tpu.pipeline_mode<synchronous>, transform_indices = @transform_14, window_bounds = array<i64: 1, 1>}, {transform_indices = @transform_15, window_bounds = array<i64: 1000, 128>}]} {
    %get3A = arith.constant 0 : index
    %get3A_0 = arith.constant 0 : index
    %get3A_1 = arith.constant 0 : index
    %get3A_2 = vector.load %arg3[%get3A, %get3A_0, %get3A_1] : memref<2x1000x128xf32, #tpu.memory_space<vmem>>, vector<1x1000x1xf32>
    %get3A_3 = vector.shape_cast %get3A_2 : vector<1x1000x1xf32> to vector<1000xf32>
    %get3A_4 = arith.constant 1 : index
    %get3A_5 = arith.constant 0 : index
    %get3A_6 = arith.constant 0 : index
    %get3A_7 = vector.load %arg3[%get3A_4, %get3A_5, %get3A_6] : memref<2x1000x128xf32, #tpu.memory_space<vmem>>, vector<1x1000x1xf32>
    %get3A_8 = vector.shape_cast %get3A_7 : vector<1x1000x1xf32> to vector<1000xf32>
    %add3A = arith.addf %get3A_3, %get3A_8 : vector<1000xf32>
    %add3A_9 = arith.constant 1.000000e+00 : f32
    %add3A_10 = vector.broadcast %add3A_9 : f32 to vector<1000xf32>
    %add3A_11 = arith.addf %add3A, %add3A_10 : vector<1000xf32>
    %rsqrt3A = math.rsqrt %add3A_11 : vector<1000xf32>
    %get3A_12 = arith.constant 0 : index
    %get3A_13 = arith.constant 0 : index
    %get3A_14 = vector.load %arg1[%get3A_12, %get3A_13] : memref<1000x128xf32, #tpu.memory_space<vmem>>, vector<1000x128xf32>
    %get3A_15 = arith.constant 0 : index
    %get3A_16 = arith.constant 0 : index
    %get3A_17 = arith.constant 0 : index
    %get3A_18 = vector.load %arg2[%get3A_15, %get3A_16, %get3A_17] : memref<2x1000x128xf32, #tpu.memory_space<vmem>>, vector<1x1000x128xf32>
    %get3A_19 = vector.shape_cast %get3A_18 : vector<1x1000x128xf32> to vector<1000x128xf32>
    %get3A_20 = arith.constant 1 : index
    %get3A_21 = arith.constant 0 : index
    %get3A_22 = arith.constant 0 : index
    %get3A_23 = vector.load %arg2[%get3A_20, %get3A_21, %get3A_22] : memref<2x1000x128xf32, #tpu.memory_space<vmem>>, vector<1x1000x128xf32>
    %get3A_24 = vector.shape_cast %get3A_23 : vector<1x1000x128xf32> to vector<1000x128xf32>
    %add3A_25 = arith.addf %get3A_19, %get3A_24 : vector<1000x128xf32>
    %broadcast_in_dim3A = vector.shape_cast %rsqrt3A : vector<1000xf32> to vector<1000x1xf32>
    %mul3A = vector.broadcast %broadcast_in_dim3A : vector<1000x1xf32> to vector<1000x128xf32>
    %mul3A_26 = arith.mulf %mul3A, %add3A_25 : vector<1000x128xf32>
    %div3A = arith.constant 1.000000e+00 : f32
    %div3A_27 = vector.broadcast %div3A : f32 to vector<1000xf32>
    %div3A_28 = arith.divf %div3A_27, %add3A_11 : vector<1000xf32>
    %broadcast_in_dim3A_29 = vector.shape_cast %div3A_28 : vector<1000xf32> to vector<1000x1xf32>
    %mul3A_30 = vector.broadcast %broadcast_in_dim3A_29 : vector<1000x1xf32> to vector<1000x128xf32>
    %mul3A_31 = arith.mulf %mul3A_30, %get3A_14 : vector<1000x128xf32>
    %add3A_32 = arith.addf %mul3A_26, %mul3A_31 : vector<1000x128xf32>
    %get3A_33 = arith.constant 0 : index
    %get3A_34 = arith.constant 0 : index
    %get3A_35 = vector.load %arg4[%get3A_33, %get3A_34] : memref<128x128xf32, #tpu.memory_space<vmem>>, vector<128x128xf32>
    %dot_general3A = arith.constant dense<0.000000e+00> : vector<1000x128xf32>
    %dot_general3A_36 = tpu.matmul %add3A_32, %get3A_35, %dot_general3A {dimension_numbers = #tpu.dot_dimension_numbers<[1], [0], [0], [1], [0, 0, 1, 1], [], []>, transpose_lhs_hint = false} : vector<1000x128xf32>, vector<128x128xf32>, vector<1000x128xf32> -> vector<1000x128xf32>
    %get3A_37 = arith.constant 0 : index
    %get3A_38 = arith.constant 0 : index
    %get3A_39 = vector.load %arg7[%get3A_37, %get3A_38] : memref<1x128xf32, #tpu.memory_space<vmem>>, vector<1x128xf32>
    %add3A_40 = vector.broadcast %get3A_39 : vector<1x128xf32> to vector<1000x128xf32>
    %add3A_41 = arith.addf %dot_general3A_36, %add3A_40 : vector<1000x128xf32>
    %max3A = arith.constant 0.000000e+00 : f32
    %max3A_42 = vector.broadcast %max3A : f32 to vector<1000x128xf32>
    %max3A_43 = arith.maximumf %add3A_41, %max3A_42 : vector<1000x128xf32>
    %sub3A = arith.subf %get3A_14, %add3A_32 : vector<1000x128xf32>
    %get3A_44 = arith.constant 0 : index
    %get3A_45 = arith.constant 0 : index
    %get3A_46 = vector.load %arg5[%get3A_44, %get3A_45] : memref<128x128xf32, #tpu.memory_space<vmem>>, vector<128x128xf32>
    %dot_general3A_47 = arith.constant dense<0.000000e+00> : vector<1000x128xf32>
    %dot_general3A_48 = tpu.matmul %sub3A, %get3A_46, %dot_general3A_47 {dimension_numbers = #tpu.dot_dimension_numbers<[1], [0], [0], [1], [0, 0, 1, 1], [], []>, transpose_lhs_hint = false} : vector<1000x128xf32>, vector<128x128xf32>, vector<1000x128xf32> -> vector<1000x128xf32>
    %get3A_49 = arith.constant 0 : index
    %get3A_50 = arith.constant 0 : index
    %get3A_51 = vector.load %arg8[%get3A_49, %get3A_50] : memref<1x128xf32, #tpu.memory_space<vmem>>, vector<1x128xf32>
    %add3A_52 = vector.broadcast %get3A_51 : vector<1x128xf32> to vector<1000x128xf32>
    %add3A_53 = arith.addf %dot_general3A_48, %add3A_52 : vector<1000x128xf32>
    %max3A_54 = arith.constant 0.000000e+00 : f32
    %max3A_55 = vector.broadcast %max3A_54 : f32 to vector<1000x128xf32>
    %max3A_56 = arith.maximumf %add3A_53, %max3A_55 : vector<1000x128xf32>
    %get3A_57 = arith.constant 0 : index
    %get3A_58 = arith.constant 0 : index
    %get3A_59 = vector.load %arg6[%get3A_57, %get3A_58] : memref<128x128xf32, #tpu.memory_space<vmem>>, vector<128x128xf32>
    %dot_general3A_60 = arith.constant dense<0.000000e+00> : vector<1000x128xf32>
    %dot_general3A_61 = tpu.matmul %get3A_14, %get3A_59, %dot_general3A_60 {dimension_numbers = #tpu.dot_dimension_numbers<[1], [0], [0], [1], [0, 0, 1, 1], [], []>, transpose_lhs_hint = false} : vector<1000x128xf32>, vector<128x128xf32>, vector<1000x128xf32> -> vector<1000x128xf32>
    %get3A_62 = arith.constant 0 : index
    %get3A_63 = arith.constant 0 : index
    %get3A_64 = vector.load %arg9[%get3A_62, %get3A_63] : memref<1x128xf32, #tpu.memory_space<vmem>>, vector<1x128xf32>
    %add3A_65 = vector.broadcast %get3A_64 : vector<1x128xf32> to vector<1000x128xf32>
    %add3A_66 = arith.addf %dot_general3A_61, %add3A_65 : vector<1000x128xf32>
    %max3A_67 = arith.constant 0.000000e+00 : f32
    %max3A_68 = vector.broadcast %max3A_67 : f32 to vector<1000x128xf32>
    %max3A_69 = arith.maximumf %add3A_66, %max3A_68 : vector<1000x128xf32>
    %get3A_70 = arith.constant 0 : index
    %get3A_71 = arith.constant 0 : index
    %get3A_72 = vector.load %arg10[%get3A_70, %get3A_71] : memref<1x128xf32, #tpu.memory_space<vmem>>, vector<1x128xf32>
    %mul3A_73 = vector.broadcast %get3A_72 : vector<1x128xf32> to vector<1000x128xf32>
    %mul3A_74 = arith.mulf %max3A_43, %mul3A_73 : vector<1000x128xf32>
    %reduce_sum3A = arith.constant dense<0.000000e+00> : vector<1000xf32>
    %reduce_sum3A_75 = vector.multi_reduction <add>, %mul3A_74, %reduce_sum3A [1] : vector<1000x128xf32> to vector<1000xf32>
    %get3A_76 = arith.constant 0 : index
    %get3A_77 = arith.constant 0 : index
    %get3A_78 = vector.load %arg13[%get3A_76, %get3A_77] : memref<1x1xf32, #tpu.memory_space<vmem>>, vector<1x1xf32>
    %get3A_79 = vector.extract %get3A_78[0, 0] : f32 from vector<1x1xf32>
    %add3A_80 = vector.broadcast %get3A_79 : f32 to vector<1000xf32>
    %add3A_81 = arith.addf %reduce_sum3A_75, %add3A_80 : vector<1000xf32>
    %logistic3A = arith.negf %add3A_81 : vector<1000xf32>
    %logistic3A_82 = math.exp %logistic3A : vector<1000xf32>
    %logistic3A_83 = arith.constant 1.000000e+00 : f32
    %logistic3A_84 = vector.broadcast %logistic3A_83 : f32 to vector<1000xf32>
    %logistic3A_85 = arith.addf %logistic3A_84, %logistic3A_82 : vector<1000xf32>
    %logistic3A_86 = arith.divf %logistic3A_84, %logistic3A_85 : vector<1000xf32>
    %div3A_87 = arith.constant 3.000000e+00 : f32
    %div3A_88 = vector.broadcast %div3A_87 : f32 to vector<1000xf32>
    %div3A_89 = arith.divf %logistic3A_86, %div3A_88 : vector<1000xf32>
    %get3A_90 = arith.constant 0 : index
    %get3A_91 = arith.constant 0 : index
    %get3A_92 = vector.load %arg11[%get3A_90, %get3A_91] : memref<1x128xf32, #tpu.memory_space<vmem>>, vector<1x128xf32>
    %mul3A_93 = vector.broadcast %get3A_92 : vector<1x128xf32> to vector<1000x128xf32>
    %mul3A_94 = arith.mulf %max3A_56, %mul3A_93 : vector<1000x128xf32>
    %reduce_sum3A_95 = arith.constant dense<0.000000e+00> : vector<1000xf32>
    %reduce_sum3A_96 = vector.multi_reduction <add>, %mul3A_94, %reduce_sum3A_95 [1] : vector<1000x128xf32> to vector<1000xf32>
    %get3A_97 = arith.constant 0 : index
    %get3A_98 = arith.constant 0 : index
    %get3A_99 = vector.load %arg14[%get3A_97, %get3A_98] : memref<1x1xf32, #tpu.memory_space<vmem>>, vector<1x1xf32>
    %get3A_100 = vector.extract %get3A_99[0, 0] : f32 from vector<1x1xf32>
    %add3A_101 = vector.broadcast %get3A_100 : f32 to vector<1000xf32>
    %add3A_102 = arith.addf %reduce_sum3A_96, %add3A_101 : vector<1000xf32>
    %logistic3A_103 = arith.negf %add3A_102 : vector<1000xf32>
    %logistic3A_104 = math.exp %logistic3A_103 : vector<1000xf32>
    %logistic3A_105 = arith.constant 1.000000e+00 : f32
    %logistic3A_106 = vector.broadcast %logistic3A_105 : f32 to vector<1000xf32>
    %logistic3A_107 = arith.addf %logistic3A_106, %logistic3A_104 : vector<1000xf32>
    %logistic3A_108 = arith.divf %logistic3A_106, %logistic3A_107 : vector<1000xf32>
    %div3A_109 = arith.constant 3.000000e+00 : f32
    %div3A_110 = vector.broadcast %div3A_109 : f32 to vector<1000xf32>
    %div3A_111 = arith.divf %logistic3A_108, %div3A_110 : vector<1000xf32>
    %get3A_112 = arith.constant 0 : index
    %get3A_113 = arith.constant 0 : index
    %get3A_114 = vector.load %arg12[%get3A_112, %get3A_113] : memref<1x128xf32, #tpu.memory_space<vmem>>, vector<1x128xf32>
    %mul3A_115 = vector.broadcast %get3A_114 : vector<1x128xf32> to vector<1000x128xf32>
    %mul3A_116 = arith.mulf %max3A_69, %mul3A_115 : vector<1000x128xf32>
    %reduce_sum3A_117 = arith.constant dense<0.000000e+00> : vector<1000xf32>
    %reduce_sum3A_118 = vector.multi_reduction <add>, %mul3A_116, %reduce_sum3A_117 [1] : vector<1000x128xf32> to vector<1000xf32>
    %get3A_119 = arith.constant 0 : index
    %get3A_120 = arith.constant 0 : index
    %get3A_121 = vector.load %arg15[%get3A_119, %get3A_120] : memref<1x1xf32, #tpu.memory_space<vmem>>, vector<1x1xf32>
    %get3A_122 = vector.extract %get3A_121[0, 0] : f32 from vector<1x1xf32>
    %add3A_123 = vector.broadcast %get3A_122 : f32 to vector<1000xf32>
    %add3A_124 = arith.addf %reduce_sum3A_118, %add3A_123 : vector<1000xf32>
    %logistic3A_125 = arith.negf %add3A_124 : vector<1000xf32>
    %logistic3A_126 = math.exp %logistic3A_125 : vector<1000xf32>
    %logistic3A_127 = arith.constant 1.000000e+00 : f32
    %logistic3A_128 = vector.broadcast %logistic3A_127 : f32 to vector<1000xf32>
    %logistic3A_129 = arith.addf %logistic3A_128, %logistic3A_126 : vector<1000xf32>
    %logistic3A_130 = arith.divf %logistic3A_128, %logistic3A_129 : vector<1000xf32>
    %div3A_131 = arith.constant 3.000000e+00 : f32
    %div3A_132 = vector.broadcast %div3A_131 : f32 to vector<1000xf32>
    %div3A_133 = arith.divf %logistic3A_130, %div3A_132 : vector<1000xf32>
    %max3A_134 = arith.maximumf %div3A_89, %div3A_111 : vector<1000xf32>
    %max3A_135 = arith.maximumf %max3A_134, %div3A_133 : vector<1000xf32>
    %sub3A_136 = arith.subf %div3A_89, %max3A_135 : vector<1000xf32>
    %exp3A = math.exp %sub3A_136 : vector<1000xf32>
    %sub3A_137 = arith.subf %div3A_111, %max3A_135 : vector<1000xf32>
    %exp3A_138 = math.exp %sub3A_137 : vector<1000xf32>
    %sub3A_139 = arith.subf %div3A_133, %max3A_135 : vector<1000xf32>
    %exp3A_140 = math.exp %sub3A_139 : vector<1000xf32>
    %add3A_141 = arith.addf %exp3A, %exp3A_138 : vector<1000xf32>
    %add3A_142 = arith.addf %add3A_141, %exp3A_140 : vector<1000xf32>
    %div3A_143 = arith.constant 1.000000e+00 : f32
    %div3A_144 = vector.broadcast %div3A_143 : f32 to vector<1000xf32>
    %div3A_145 = arith.divf %div3A_144, %add3A_142 : vector<1000xf32>
    %mul3A_146 = arith.mulf %exp3A, %div3A_145 : vector<1000xf32>
    %broadcast_in_dim3A_147 = vector.shape_cast %mul3A_146 : vector<1000xf32> to vector<1000x1xf32>
    %mul3A_148 = vector.broadcast %broadcast_in_dim3A_147 : vector<1000x1xf32> to vector<1000x128xf32>
    %mul3A_149 = arith.mulf %mul3A_148, %max3A_43 : vector<1000x128xf32>
    %mul3A_150 = arith.mulf %exp3A_138, %div3A_145 : vector<1000xf32>
    %broadcast_in_dim3A_151 = vector.shape_cast %mul3A_150 : vector<1000xf32> to vector<1000x1xf32>
    %mul3A_152 = vector.broadcast %broadcast_in_dim3A_151 : vector<1000x1xf32> to vector<1000x128xf32>
    %mul3A_153 = arith.mulf %mul3A_152, %max3A_56 : vector<1000x128xf32>
    %add3A_154 = arith.addf %mul3A_149, %mul3A_153 : vector<1000x128xf32>
    %mul3A_155 = arith.mulf %exp3A_140, %div3A_145 : vector<1000xf32>
    %broadcast_in_dim3A_156 = vector.shape_cast %mul3A_155 : vector<1000xf32> to vector<1000x1xf32>
    %mul3A_157 = vector.broadcast %broadcast_in_dim3A_156 : vector<1000x1xf32> to vector<1000x128xf32>
    %mul3A_158 = arith.mulf %mul3A_157, %max3A_69 : vector<1000x128xf32>
    %add3A_159 = arith.addf %add3A_154, %mul3A_158 : vector<1000x128xf32>
    %reduce_max3A = arith.constant dense<0xFF800000> : vector<1000xf32>
    %reduce_max3A_160 = vector.multi_reduction <maximumf>, %add3A_159, %reduce_max3A [1] : vector<1000x128xf32> to vector<1000xf32>
    %broadcast_in_dim3A_161 = vector.shape_cast %reduce_max3A_160 : vector<1000xf32> to vector<1000x1xf32>
    %sub3A_162 = vector.broadcast %broadcast_in_dim3A_161 : vector<1000x1xf32> to vector<1000x128xf32>
    %sub3A_163 = arith.subf %add3A_159, %sub3A_162 : vector<1000x128xf32>
    %exp3A_164 = math.exp %sub3A_163 : vector<1000x128xf32>
    %reduce_sum3A_165 = arith.constant dense<0.000000e+00> : vector<1000xf32>
    %reduce_sum3A_166 = vector.multi_reduction <add>, %exp3A_164, %reduce_sum3A_165 [1] : vector<1000x128xf32> to vector<1000xf32>
    %broadcast_in_dim3A_167 = vector.shape_cast %reduce_sum3A_166 : vector<1000xf32> to vector<1000x1xf32>
    %log3A = math.log %broadcast_in_dim3A_167 : vector<1000x1xf32>
    %sub3A_168 = vector.broadcast %log3A : vector<1000x1xf32> to vector<1000x128xf32>
    %sub3A_169 = arith.subf %sub3A_163, %sub3A_168 : vector<1000x128xf32>
    %swap3A = arith.constant 0 : index
    %swap3A_170 = arith.constant 0 : index
    %swap3A_171 = vector.load %arg16[%swap3A, %swap3A_170] : memref<1000x128xf32, #tpu.memory_space<vmem>>, vector<1000x128xf32>
    tpu.vector_store %arg16[%swap3A, %swap3A_170], %sub3A_169 {strides = array<i32>} : memref<1000x128xf32, #tpu.memory_space<vmem>>, vector<1000x128xf32>,
    return
  }
  func.func @transform_0(%arg0: i32) -> (i32, i32) {
    %c0_i32 = arith.constant 0 : i32
    %c0_i32_0 = arith.constant 0 : i32
    return %arg0, %c0_i32 : i32, i32
  }
  func.func @transform_1(%arg0: i32) -> (i32, i32, i32) {
    %c0_i32 = arith.constant 0 : i32
    %c0_i32_0 = arith.constant 0 : i32
    %c0_i32_1 = arith.constant 0 : i32
    return %c0_i32, %arg0, %c0_i32_0 : i32, i32, i32
  }
  func.func @transform_2(%arg0: i32) -> (i32, i32, i32) {
    %c0_i32 = arith.constant 0 : i32
    %c0_i32_0 = arith.constant 0 : i32
    %c0_i32_1 = arith.constant 0 : i32
    return %c0_i32, %arg0, %c0_i32_0 : i32, i32, i32
  }
  func.func @transform_3(%arg0: i32) -> (i32, i32) {
    %c0_i32 = arith.constant 0 : i32
    %c0_i32_0 = arith.constant 0 : i32
    %c0_i32_1 = arith.constant 0 : i32
    return %c0_i32, %c0_i32_0 : i32, i32
  }
  func.func @transform_4(%arg0: i32) -> (i32, i32) {
    %c0_i32 = arith.constant 0 : i32
    %c0_i32_0 = arith.constant 0 : i32
    %c0_i32_1 = arith.constant 0 : i32
    return %c0_i32, %c0_i32_0 : i32, i32
  }
  func.func @transform_5(%arg0: i32) -> (i32, i32) {
    %c0_i32 = arith.constant 0 : i32
    %c0_i32_0 = arith.constant 0 : i32
    %c0_i32_1 = arith.constant 0 : i32
    return %c0_i32, %c0_i32_0 : i32, i32
  }
  func.func @transform_6(%arg0: i32) -> (i32, i32) {
    %c0_i32 = arith.constant 0 : i32
    %c0_i32_0 = arith.constant 0 : i32
    %c0_i32_1 = arith.constant 0 : i32
    return %c0_i32, %c0_i32_0 : i32, i32
  }
  func.func @transform_7(%arg0: i32) -> (i32, i32) {
    %c0_i32 = arith.constant 0 : i32
    %c0_i32_0 = arith.constant 0 : i32
    %c0_i32_1 = arith.constant 0 : i32
    return %c0_i32, %c0_i32_0 : i32, i32
  }
  func.func @transform_8(%arg0: i32) -> (i32, i32) {
    %c0_i32 = arith.constant 0 : i32
    %c0_i32_0 = arith.constant 0 : i32
    %c0_i32_1 = arith.constant 0 : i32
    return %c0_i32, %c0_i32_0 : i32, i32
  }
  func.func @transform_9(%arg0: i32) -> (i32, i32) {
    %c0_i32 = arith.constant 0 : i32
    %c0_i32_0 = arith.constant 0 : i32
    %c0_i32_1 = arith.constant 0 : i32
    return %c0_i32, %c0_i32_0 : i32, i32
  }
  func.func @transform_10(%arg0: i32) -> (i32, i32) {
    %c0_i32 = arith.constant 0 : i32
    %c0_i32_0 = arith.constant 0 : i32
    %c0_i32_1 = arith.constant 0 : i32
    return %c0_i32, %c0_i32_0 : i32, i32
  }
  func.func @transform_11(%arg0: i32) -> (i32, i32) {
    %c0_i32 = arith.constant 0 : i32
    %c0_i32_0 = arith.constant 0 : i32
    %c0_i32_1 = arith.constant 0 : i32
    return %c0_i32, %c0_i32_0 : i32, i32
  }
  func.func @transform_12(%arg0: i32) -> (i32, i32) {
    %c0_i32 = arith.constant 0 : i32
    %c0_i32_0 = arith.constant 0 : i32
    %c0_i32_1 = arith.constant 0 : i32
    return %c0_i32, %c0_i32_0 : i32, i32
  }
  func.func @transform_13(%arg0: i32) -> (i32, i32) {
    %c0_i32 = arith.constant 0 : i32
    %c0_i32_0 = arith.constant 0 : i32
    %c0_i32_1 = arith.constant 0 : i32
    return %c0_i32, %c0_i32_0 : i32, i32
  }
  func.func @transform_14(%arg0: i32) -> (i32, i32) {
    %c0_i32 = arith.constant 0 : i32
    %c0_i32_0 = arith.constant 0 : i32
    %c0_i32_1 = arith.constant 0 : i32
    return %c0_i32, %c0_i32_0 : i32, i32
  }
  func.func @transform_15(%arg0: i32) -> (i32, i32) {
    %c0_i32 = arith.constant 0 : i32
    %c0_i32_0 = arith.constant 0 : i32
    return %arg0, %c0_i32 : i32, i32
  }
}

</mosaic_0001>

<sc_bundles>
// kernel: kernel.6.cloned.1.call-start
scs
__scs_entry_jumppad:
0x0: {  	(pc) =	sbr.rel $0x88, $3  }
0x1: {  	(tag) =	ssettag $0x0;
	lr =	simm.s32 $0x1  }
0x2: {  	[smem:$0x3F93] =	sst lr;
	_ =	strace $0xD0000000  }
0x3: {  	_ = 	snop  }
0x4: {  	_ = 	snop  }
0x5: {  	_ = 	snop  }
0x6: {  	_ = 	snop  }
0x7: {  	_ = 	snop  }
__scs_overlays_trampoline_lowered:
0x8: {  	[smem:$0x3FA2] =	sst s0  }
0x9: {  	[smem:$0x3FA3] =	sst s1  }
0xa: {  	[smem:$0x3FA4] =	sst s2  }
0xb: {  	[smem:$0x3FA5] =	sst s3  }
0xc: {  	[smem:$0x3FA6] =	sst s4  }
0xd: {  	[smem:$0x3FA7] =	sst s5  }
0xe: {  	[smem:$0x3FA8] =	sst s6  }
0xf: {  	[smem:$0x3FA9] =	sst s7  }
0x10: {  	[smem:$0x3FAA] =	sst s8  }
0x11: {  	[smem:$0x3FAB] =	sst s9;
	s0 =	simm.s32 @!p0 $0x0  }
0x12: {  	s1 =	sld [smem:$0x3F91];
	s0 =	simm.s32 @p0 $0x1  }
0x13: {  	[smem:$0x3FAC] =	sst s0;
	s0 =	simm.s32 @!p1 $0x0  }
0x14: {  	s2 =	sld [smem:$0x3F90];
	s0 =	simm.s32 @p1 $0x1  }
0x15: {  	[smem:$0x3FAD] =	sst s0;
	s0 =	simm.s32 @!p2 $0x0  }
0x16: {  	s3 =	sld [smem:$0x3FDB];
	s0 =	simm.s32 @p2 $0x1  }
0x17: {  	s4 =	simm.s32 $0x1BF5;
	[smem:$0x3FAF] =	sst s0  }
0x18: {  	s0 =	sld [smem:$0x3F92];
	_ =	swait.ge [sflag:s4], $0x0  }
0x19: {  	s7 =	sld [smem:$0x3F93]  }
0x1a: {  	s8 =	sadd.s32 $0xFFFFE003, lr  }
0x1b: {  	s9 =	sadd.s32 $0xFFFFFEF7, lr;
	s5 =	simm.s32 $0xFFFFFFFF;
	p2 =	slt.u32 s8, $0xFFFFF086  }
0x1c: {  	p1 =	slt.u32 s9, $0xF7A;
	s5 =	simm.s32 @!p2 $0x0  }
0x1d: {  	s5 =	simm.s32 @p1 $0x1;
	p0 =	seq.s32 s7, s2  }
0x1e: {  	s7 =	smul.u32 @!p0 $0xF7A, s2;
	p2 =	seq.s32 @!p0 s5, $0x0  }
0x1f: {  	s9 =	smul.u32 $0xF7A, s1;
	s8 =	simm.s32 @!p0 $0x1BF5;
	p2 =	por !p2, p0  }
0x20: {  	[sflag:s8] =	ssyncset.s32 @!p0 $0xFFFFF086;
	s6 =	sadd.s32 @!p0 s3, s7;
	s7 =	simm.s32 @!p0 $0x108  }
0x21: {  	s3 =	sadd.s32 s3, s9;
	s6 =	sadd.s32 @!p0 $0x88, s6;
	s7 =	simm.s32 @p2 $0x1082  }
0x22: {  	[simem:s7], [sflag:s8] =	dma.local @!p0 [hbm:s6], $0xF7A  }
0x23: {  	s9 =	sor.u32 $0xD0000000, s2;
	s6 =	simm.s32 $0x108;
	_ =	swait.ge @!p0 [sflag:s8], $0x0  }
0x24: {  	s3 =	sadd.s32 $0x88, s3;
	s6 =	simm.s32 @!p1 $0x1082;
	[sflag:s4] =	ssyncset.s32 $0xFFFFF086  }
0x25: {  	[simem:s6], [sflag:s4] =	dma.local [hbm:s3], $0xF7A  }
0x26: {  	[smem:$0x3F93] =	sst s1;
	(tag) =	ssettag s2;
	_ =	strace s9  }
0x27: {  	s1 =	sld [smem:$0x3FA3]  }
0x28: {  	s2 =	sld [smem:$0x3FA4]  }
0x29: {  	s4 =	sld [smem:$0x3FA6]  }
0x2a: {  	p0 =	seq.s32 s5, $0x0;
	s5 =	sld [smem:$0x3FA7]  }
0x2b: {  	s6 =	sld [smem:$0x3FA8]  }
0x2c: {  	s7 =	sld [smem:$0x3FA9]  }
0x2d: {  	s3 =	simm.s32 $0x108;
	s8 =	sld [smem:$0x3FAA]  }
0x2e: {  	s3 =	simm.s32 @!p0 $0x1082;
	s9 =	sld [smem:$0x3FAB]  }
0x2f: {  	lr =	sadd.s32 s0, s3;
	s0 =	sld [smem:$0x3FA2]  }
0x30: {  	s3 =	sld [smem:$0x3FA5]  }
0x31: {  	[smem:$0x3FAE] =	sst s10  }
0x32: {  	s10 =	sld [smem:$0x3FAC];
	_ =	sdelay $0x3  }
0x33: {  	p0 =	seq.s32 s10, $0x1;
	s10 =	sld [smem:$0x3FAE];
	_ =	sdelay $0x3  }
0x34: {  	[smem:$0x3FAE] =	sst s10  }
0x35: {  	s10 =	sld [smem:$0x3FAD];
	_ =	sdelay $0x3  }
0x36: {  	p1 =	seq.s32 s10, $0x1;
	s10 =	sld [smem:$0x3FAE];
	_ =	sdelay $0x3  }
0x37: {  	[smem:$0x3FAE] =	sst s10  }
0x38: {  	s10 =	sld [smem:$0x3FAF]  }
0x39: {  	_ = 	snop;
	(pc) =	sbr.ind lr, $3  }
0x3a: {  	_ = 	snop  }
0x3b: {  	_ = 	snop  }
0x3c: {  	p2 =	seq.s32 s10, $0x1;
	s10 =	sld [smem:$0x3FAE]  }
0x3d: {  	_ =	shalt  }
0x3e: {  	_ =	shalt  }
0x3f: {  	_ =	shalt  }
0x40: {  	_ =	shalt  }
0x41: {  	_ =	shalt  }
0x42: {  	_ =	shalt  }
0x43: {  	_ =	shalt  }
0x44: {  	_ =	shalt  }
0x45: {  	_ =	shalt  }
0x46: {  	_ =	shalt  }
0x47: {  	_ =	shalt  }
0x48: {  	_ =	shalt  }
0x49: {  	_ =	shalt  }
0x4a: {  	_ =	shalt  }
0x4b: {  	_ =	shalt  }
0x4c: {  	_ =	shalt  }
0x4d: {  	_ =	shalt  }
0x4e: {  	_ =	shalt  }
0x4f: {  	_ =	shalt  }
0x50: {  	_ =	shalt  }
0x51: {  	_ =	shalt  }
0x52: {  	_ =	shalt  }
0x53: {  	_ =	shalt  }
0x54: {  	_ =	shalt  }
0x55: {  	_ =	shalt  }
0x56: {  	_ =	shalt  }
0x57: {  	_ =	shalt  }
0x58: {  	_ =	shalt  }
0x59: {  	_ =	shalt  }
0x5a: {  	_ =	shalt  }
0x5b: {  	_ =	shalt  }
0x5c: {  	_ =	shalt  }
0x5d: {  	_ =	shalt  }
0x5e: {  	_ =	shalt  }
0x5f: {  	_ =	shalt  }
0x60: {  	_ =	shalt  }
0x61: {  	_ =	shalt  }
0x62: {  	_ =	shalt  }
0x63: {  	_ =	shalt  }
0x64: {  	_ =	shalt  }
0x65: {  	_ =	shalt  }
0x66: {  	_ =	shalt  }
0x67: {  	_ =	shalt  }
0x68: {  	_ =	shalt  }
0x69: {  	_ =	shalt  }
0x6a: {  	_ =	shalt  }
0x6b: {  	_ =	shalt  }
0x6c: {  	_ =	shalt  }
0x6d: {  	_ =	shalt  }
0x6e: {  	_ =	shalt  }
0x6f: {  	_ =	shalt  }
0x70: {  	_ =	shalt  }
0x71: {  	_ =	shalt  }
0x72: {  	_ =	shalt  }
0x73: {  	_ =	shalt  }
0x74: {  	_ =	shalt  }
0x75: {  	_ =	shalt  }
0x76: {  	_ =	shalt  }
0x77: {  	_ =	shalt  }
0x78: {  	_ =	shalt  }
0x79: {  	_ =	shalt  }
0x7a: {  	_ =	shalt  }
0x7b: {  	_ =	shalt  }
0x7c: {  	_ =	shalt  }
0x7d: {  	_ =	shalt  }
0x7e: {  	_ =	shalt  }
0x7f: {  	_ =	shalt  }
0x80: {  	_ =	shalt  }
0x81: {  	_ =	shalt  }
0x82: {  	_ =	shalt  }
0x83: {  	_ =	shalt  }
0x84: {  	_ =	shalt  }
0x85: {  	_ =	shalt  }
0x86: {  	_ =	shalt  }
0x87: {  	_ =	shalt  }
.Lfunc_end0:
.L_simem_size_0:
called_computation_lowered:
.L_overlay_start_0:
0x88: {  	s2 =	sld [smem:$0x3FD9]  }
0x89: {  	s3 =	sld [smem:$0x3FFE];
	_ =	sdelay $0x1  }
0x8a: {  	s1 =	srdreg.scid  }
0x8b: {  	s0 =	sand.u32 $0x1, s1  }
0x8c: {  	s17 =	sshll.u32 s0, $0xA;
	s2 =	sadd.s32 s3, s2  }
0x8d: {  	s2 =	sadd.s32 s2, s17  }
0x8e: {  	[smem:$0x3FBA] =	sst s2  }
0x8f: {  	_ = 	snop  }
0x90: {  	s2 =	sld [smem:$0x3FD0];
	(tm) =	ssettm $0x1  }
0x91: {  	s18 =	sld [smem:$0x3FFB];
	_ =	sdelay $0x3  }
0x92: {  	_ =	strace s18  }
0x93: {  	s3 =	sld [smem:$0x3FFC];
	_ =	sdelay $0x3  }
0x94: {  	_ =	strace s3  }
0x95: {  	s3 =	sld [smem:$0x3FFD];
	_ =	sdelay $0x3  }
0x96: {  	_ =	strace s3  }
0x97: {  	_ =	strace $0x8FFFFFFF  }
0x98: {  	s19 =	sld [smem:$0x3FDB];
	_ =	sdelay $0x1  }
0x99: {  	s4 =	simm.s32 $_scs_section_size  }
0x9a: {  	s5 =	simm.s32 $_size__tile_overlayer_lowered;
	s6 =	simm.s32 $_tile_overlayer_lowered  }
0x9b: {  	s22 =	simm.s32 $0x1BFF;
	s21 =	sshll.u32 s6, $0x1;
	s3 =	sadd.s32 s4, s19  }
0x9c: {  	s7 =	simm.s32 $0x0;
	s20 =	sshll.u32 s5, $0x1;
	s5 =	sadd.s32 s21, s3  }
0x9d: {  	[timem:s7], [sflag:s22] =	dma.local [hbm:s5], s20  }
0x9e: {  	_ =	swait.ge [sflag:s22], s20  }
0x9f: {  	s4 =	ssub.s32 $0x0, s20;
	[sflag:s22] =	ssyncset.done $0x0  }
0xa0: {  	[sflag:s22] =	ssyncadd.s32 s4;
	_ =	sdelay $0x1  }
0xa1: {  	s23 =	simm.s32 $0x1B8B  }
0xa2: {  	_ =	swait.ge [sflag:s23], $0x1  }
0xa3: {  	[sflag:s23] =	ssyncset.done $0x0  }
0xa4: {  	s25 =	simm.s32 $0x1B8E;
	s24 =	sld [smem:$0x3FFE];
	[sflag:s23] =	ssyncadd.s32 $0xFFFFFFFF  }
0xa5: {  	s26 =	simm.s32 $execute0_lowered;
	[smem:$0x3FD2] =	sst s25  }
0xa6: {  	s5 =	sshll.u32 s26, $0x1;
	_ =	strace $0x80000046;
	[dreg:$0x1] =	wrdreg $0xFFFFFFFF  }
0xa7: {  	s28 =	simm.s32 $_size_execute0_lowered;
	s3 =	sadd.s32 s3, s5;
	[dreg:$0x0] =	wrdreg $0x0  }
0xa8: {  	s5 =	sshll.u32 s28, $0x1;
	[dreg:$0x2] =	wrdreg s3  }
0xa9: {  	[dreg:$0x3] =	wrdreg s5  }
0xaa: {  	[dreg:$0x4] =	wrdreg $0xC0  }
0xab: {  	_ =	task [dreg:s7], $0x5FFFF  }
0xac: {  	[dreg:$0x1] =	wrdreg $0xFFFFFFFF  }
0xad: {  	[dreg:$0x0] =	wrdreg $0x60  }
0xae: {  	[dreg:$0x2] =	wrdreg s2  }
0xaf: {  	[dreg:$0x3] =	wrdreg s24  }
0xb0: {  	[dreg:$0x4] =	wrdreg $0x0  }
0xb1: {  	[dreg:$0x5] =	wrdreg $0x9  }
0xb2: {  	_ =	task.clear_ibuf [dreg:s7], $0x6FFFF;
	_ =	strace $0x90000046  }
0xb3: {  	s29 =	simm.s32 $0x9;
	_ =	strace $0x80000048  }
0xb4: {  	_ =	swait.ge [sflag:s29], $0x1  }
0xb5: {  	[sflag:s29] =	ssyncadd.s32 $0xFFFFFFFF  }
0xb6: {  	_ =	strace $0x90000048  }
0xb7: {  	_ =	sfence  }
0xb8: {  	s30 =	sld [smem:$0x0];
	_ =	sdelay $0x2  }
0xb9: {  	s31 =	sshll.u32 s1, $0xD;
	s1 =	sshrl.u32 s1, $0x2  }
0xba: {  	s3 =	sand.u32 $0x4000, s31;
	s1 =	sadd.s32 s1, s30  }
0xbb: {  	s0 =	sor.u32 s3, s0;
	s1 =	sshll.u32 s1, $0x11  }
0xbc: {  	s0 =	sor.u32 s1, s0  }
0xbd: {  	s0 =	sadd.s32 $0x8F2B, s0  }
0xbe: {  	[sflag:s0] =	ssyncadd.remote.s32 $0x1  }
0xbf: {  	_ =	sfence.sel $0xFFFF  }
0xc0: {  	[dreg:$0x0] =	wrdreg $0xFFFFFFFF;
	(pc) =	sbr.abs _section_cstart, $3  }
0xc1: {  	[dreg:$0x1] =	wrdreg $0xFFFFFFFF  }
0xc2: {  	_ =	task.clear_ibuf [dreg:s7], $0x2FFFF;
	_ =	strace $0x9FFFFFFF  }
0xc3: {  	(tm) =	ssettm $0x7FFFFFFF  }
tec
execute0_lowered:
.L_overlay_start_1:
0x0: {  	(tag) =	ssettag $0x1  }
0x1: {  	s0 =	rddreg [dreg:$0x0]  }
0x2: {  	s1 =	rddreg [dreg:$0x1]  }
0x3: {  	s3 =	rddreg [dreg:$0x2];
	s2 =	simm.s32 $0x0  }
0x4: {  	s4 =	srdreg.scid;
	s10 =	stileid.u32;
	s29 =	simm.s32 $0x1  }
0x5: {  	s30 =	simm.s32 $0x5000;
	s31 =	simm.s32 $0x80;
	s28 =	simm.s32 $0xA000  }
0x6: {  	s4 =	sand.u32 $0x1, s4;
	s5 =	smul.u32 $0x280, s10;
	s6 =	sshll.u32 s10, $0x1  }
0x7: {  	[smem:$0x7FF] =	sst s2;
	s8 =	sshrl.u32 s10, $0x3;
	s9 =	smul.u32 $0x5000, s10  }
0x8: {  	s18 =	sshll.u32 s10, $0x7;
	s7 =	smul.u32 $0x2800, s4;
	s6 =	sor.u32 s4, s6  }
0x9: {  	_ =	strace $0x80000047;
	s4 =	ssub.s32 $0x2, s4;
	s25 =	smul.u32 $0x50000, s8  }
0xa: {  	s6 =	smul.u32 $0x500, s6;
	s26 =	sshrl.u32 s4, $0x1;
	s20 =	sshrl.u32 s9, $0x2  }
0xb: {  	s5 =	sadd.s32 s5, s7;
	s11 =	ssub.s32 s4, s26;
	s19 =	sshrl.u32 s25, $0x2  }
0xc: {  	s4 =	sadd.s32 s20, s3;
	s5 =	sshll.u32 s5, $0x4;
	s0 =	sadd.s32 s0, s6  }
0xd: {  	s7 =	sadd.s32 s19, s3;
	s21 =	sadd.s32 $0x80, s4;
	s22 =	sadd.s32 $0x100, s4  }
0xe: {  	s23 =	sadd.s32 $0x180, s4;
	s24 =	sadd.s32 $0x200, s4;
	[dreg:$0x4] =	wrdreg s0  }
0xf: {  	s25 =	sadd.s32 $0x280, s4;
	s26 =	sadd.s32 $0x300, s4;
	[dreg:$0x6] =	wrdreg s21  }
0x10: {  	s12 =	sadd.s32 $0x380, s4;
	s13 =	sadd.s32 $0x14000, s4;
	[dreg:$0x7] =	wrdreg s22  }
0x11: {  	s14 =	sadd.s32 $0x14080, s4;
	s15 =	sadd.s32 $0x14100, s4;
	[dreg:$0x8] =	wrdreg s23  }
0x12: {  	s16 =	sadd.s32 $0x14180, s4;
	s17 =	sadd.s32 $0x14200, s4;
	[dreg:$0x9] =	wrdreg s24  }
0x13: {  	s19 =	sadd.s32 $0x14300, s4;
	s3 =	simm.s32 $0x0;
	[dreg:$0xa] =	wrdreg s25  }
0x14: {  	s1 =	sadd.s32 s5, s1;
	s0 =	sand.u32 $0x380, s18;
	[dreg:$0xb] =	wrdreg s26  }
0x15: {  	s18 =	sadd.s32 $0x14280, s4;
	s25 =	smax.u32 s11, $0x1;
	s26 =	sadd.s32 $0x14380, s4  }
0x16: {  	s0 =	sadd.s32 s0, s7;
	s20 =	sadd.s32 $0x2000, s1;
	s21 =	sadd.s32 $0x2800, s1  }
0x17: {  	s22 =	sadd.s32 $0x3000, s1;
	s23 =	sadd.s32 $0x3800, s1;
	s24 =	sadd.s32 $0x4000, s1  }
0x18: {  	v0 =	vimm.f32 $0.0e+00;
	v1 =	vimm.f32 $1.000000000e+00;
	s1 =	simm.s32 $0xA280;
	[dreg:$0x5] =	wrdreg s0;
	s0 =	simm.s32 $0x400  }
.LBB2_1:
0x19: {  	s5 =	rddreg [dreg:$0x4];
	s6 =	simm.s32 $0x2800  }
0x1a: {  	[tilespmem:s6], [sflag:$0x1] =	stream.linear.gather [hbm4b:s5+s2], $0x2800, $0x38;
	[tilespmem:$0xE280] =	vst v63  }
0x1b: {  	_ =	swait.ge [sflag:s29], $0x2800  }
0x1c: {  	[sflag:s29] =	ssyncset.done $0x0  }
0x1d: {  	s5 =	simm.s32 $0x0;
	[sflag:s29] =	ssyncadd.s32 $0xFFFFD800  }
.LBB2_2:
0x1e: {  	p0 =	sne.s32 s5, $0x9FC0  }
.Ltmp0:
0x1f: {  	_ = 	snop;
	(pc) =	sbr.rel @p0 .LBB2_2-.Ltmp0, $3  }
0x20: {  	_ =	sdelay $0x1  }
0x21: {  	s6 =	sshra.s32 s5, $0x2  }
0x22: {  	s5 =	sadd.s32 $0x40, s5;
	[tilespmem:s6+$0x5000] =	vst v0  }
0x23: {  	s6 =	simm.s32 $0x0;
	s5 =	simm.s32 $0x40  }
.LBB2_4:
0x24: {  	p0 =	sne.s32 s5, $0x9FC0;
	v2 =	vld [tilespmem:s6+$0x2800];
	_ =	sdelay $0x3  }
.Ltmp1:
0x25: {  	(pc) =	sbr.rel @p0 .LBB2_4-.Ltmp1, $2  }
0x26: {  	_ =	sdelay $0x2  }
0x27: {  	s6 =	sshra.s32 s5, $0x2;
	s5 =	sadd.s32 $0x40, s5;
	[tilespmem:v2+s30+$0x0] =	vst.idx.add.f32.msk $0xffff, v1  }
0x28: {  	v2 =	vld [tilespmem:s6+$0x2800];
	_ =	sdelay $0x7  }
0x29: {  	s5 =	rddreg [dreg:$0x5];
	[tilespmem:v2+s30+$0x0] =	vst.idx.add.f32.msk $0xffff, v1  }
0x2a: {  	[spmem:s5] =	stream.strided.scatter [tilespmem:s30], [sflag:$0x1], $0x2800, s0, s31, $0x38;
	[tilespmem:$0xE280] =	vst v63  }
0x2b: {  	_ =	swait.ge [sflag:s29], $0x2800  }
0x2c: {  	[sflag:s29] =	ssyncset.done $0x0  }
0x2d: {  	[sflag:s29] =	ssyncadd.s32 $0xFFFFD800  }
0x2e: {  	s6 =	simm.s32 $0x7800;
	[bflag:$0x0] =	sbarrier.arrive $0xFFFF  }
0x2f: {  	[tilespmem:s6], [sflag:$0x1] =	stream.strided.gather [spmem:s4], $0x280, s0, s31, $0x38;
	[tilespmem:$0xE280] =	vst v63  }
0x30: {  	_ =	swait.ge [sflag:s29], $0x280  }
0x31: {  	[sflag:s29] =	ssyncset.done $0x0  }
0x32: {  	s7 =	simm.s32 $0x7A80;
	s9 =	rddreg [dreg:$0x6];
	[sflag:s29] =	ssyncadd.s32 $0xFFFFFD80  }
0x33: {  	[tilespmem:s7], [sflag:$0x1] =	stream.strided.gather [spmem:s9], $0x280, s0, s31, $0x38;
	[tilespmem:$0xE280] =	vst v63  }
0x34: {  	_ =	swait.ge [sflag:s29], $0x280  }
0x35: {  	[sflag:s29] =	ssyncset.done $0x0  }
0x36: {  	s11 =	simm.s32 $0x7D00;
	s10 =	rddreg [dreg:$0x7];
	[sflag:s29] =	ssyncadd.s32 $0xFFFFFD80  }
0x37: {  	[tilespmem:s11], [sflag:$0x1] =	stream.strided.gather [spmem:s10], $0x280, s0, s31, $0x38;
	[tilespmem:$0xE280] =	vst v63  }
0x38: {  	_ =	swait.ge [sflag:s29], $0x280  }
0x39: {  	[sflag:s29] =	ssyncset.done $0x0  }
0x3a: {  	s9 =	simm.s32 $0x7F80;
	s8 =	rddreg [dreg:$0x8];
	[sflag:s29] =	ssyncadd.s32 $0xFFFFFD80  }
0x3b: {  	[tilespmem:s9], [sflag:$0x1] =	stream.strided.gather [spmem:s8], $0x280, s0, s31, $0x38;
	[tilespmem:$0xE280] =	vst v63  }
0x3c: {  	_ =	swait.ge [sflag:s29], $0x280  }
0x3d: {  	[sflag:s29] =	ssyncset.done $0x0  }
0x3e: {  	s11 =	simm.s32 $0x8200;
	s10 =	rddreg [dreg:$0x9];
	[sflag:s29] =	ssyncadd.s32 $0xFFFFFD80  }
0x3f: {  	[tilespmem:s11], [sflag:$0x1] =	stream.strided.gather [spmem:s10], $0x280, s0, s31, $0x38;
	[tilespmem:$0xE280] =	vst v63  }
0x40: {  	_ =	swait.ge [sflag:s29], $0x280  }
0x41: {  	[sflag:s29] =	ssyncset.done $0x0  }
0x42: {  	s8 =	simm.s32 $0x8480;
	s7 =	rddreg [dreg:$0xa];
	[sflag:s29] =	ssyncadd.s32 $0xFFFFFD80  }
0x43: {  	[tilespmem:s8], [sflag:$0x1] =	stream.strided.gather [spmem:s7], $0x280, s0, s31, $0x38;
	[tilespmem:$0xE280] =	vst v63  }
0x44: {  	_ =	swait.ge [sflag:s29], $0x280  }
0x45: {  	[sflag:s29] =	ssyncset.done $0x0  }
0x46: {  	s10 =	simm.s32 $0x8700;
	s9 =	rddreg [dreg:$0xb];
	[sflag:s29] =	ssyncadd.s32 $0xFFFFFD80  }
0x47: {  	[tilespmem:s10], [sflag:$0x1] =	stream.strided.gather [spmem:s9], $0x280, s0, s31, $0x38;
	[tilespmem:$0xE280] =	vst v63  }
0x48: {  	_ =	swait.ge [sflag:s29], $0x280  }
0x49: {  	[sflag:s29] =	ssyncset.done $0x0  }
0x4a: {  	s11 =	simm.s32 $0x8980;
	[sflag:s29] =	ssyncadd.s32 $0xFFFFFD80  }
0x4b: {  	[tilespmem:s11], [sflag:$0x1] =	stream.strided.gather [spmem:s12], $0x280, s0, s31, $0x38;
	[tilespmem:$0xE280] =	vst v63  }
0x4c: {  	_ =	swait.ge [sflag:s29], $0x280  }
0x4d: {  	[sflag:s29] =	ssyncset.done $0x0  }
0x4e: {  	s7 =	simm.s32 $0x8C00;
	[sflag:s29] =	ssyncadd.s32 $0xFFFFFD80  }
0x4f: {  	[tilespmem:s7], [sflag:$0x1] =	stream.strided.gather [spmem:s13], $0x280, s0, s31, $0x38;
	[tilespmem:$0xE280] =	vst v63  }
0x50: {  	_ =	swait.ge [sflag:s29], $0x280  }
0x51: {  	[sflag:s29] =	ssyncset.done $0x0  }
0x52: {  	s8 =	simm.s32 $0x8E80;
	[sflag:s29] =	ssyncadd.s32 $0xFFFFFD80  }
0x53: {  	[tilespmem:s8], [sflag:$0x1] =	stream.strided.gather [spmem:s14], $0x280, s0, s31, $0x38;
	[tilespmem:$0xE280] =	vst v63  }
0x54: {  	_ =	swait.ge [sflag:s29], $0x280  }
0x55: {  	[sflag:s29] =	ssyncset.done $0x0  }
0x56: {  	s9 =	simm.s32 $0x9100;
	[sflag:s29] =	ssyncadd.s32 $0xFFFFFD80  }
0x57: {  	[tilespmem:s9], [sflag:$0x1] =	stream.strided.gather [spmem:s15], $0x280, s0, s31, $0x38;
	[tilespmem:$0xE280] =	vst v63  }
0x58: {  	_ =	swait.ge [sflag:s29], $0x280  }
0x59: {  	[sflag:s29] =	ssyncset.done $0x0  }
0x5a: {  	s10 =	simm.s32 $0x9380;
	[sflag:s29] =	ssyncadd.s32 $0xFFFFFD80  }
0x5b: {  	[tilespmem:s10], [sflag:$0x1] =	stream.strided.gather [spmem:s16], $0x280, s0, s31, $0x38;
	[tilespmem:$0xE280] =	vst v63  }
0x5c: {  	_ =	swait.ge [sflag:s29], $0x280  }
0x5d: {  	[sflag:s29] =	ssyncset.done $0x0  }
0x5e: {  	s11 =	simm.s32 $0x9600;
	[sflag:s29] =	ssyncadd.s32 $0xFFFFFD80  }
0x5f: {  	[tilespmem:s11], [sflag:$0x1] =	stream.strided.gather [spmem:s17], $0x280, s0, s31, $0x38;
	[tilespmem:$0xE280] =	vst v63  }
0x60: {  	_ =	swait.ge [sflag:s29], $0x280  }
0x61: {  	[sflag:s29] =	ssyncset.done $0x0  }
0x62: {  	s7 =	simm.s32 $0x9880;
	[sflag:s29] =	ssyncadd.s32 $0xFFFFFD80  }
0x63: {  	[tilespmem:s7], [sflag:$0x1] =	stream.strided.gather [spmem:s18], $0x280, s0, s31, $0x38;
	[tilespmem:$0xE280] =	vst v63  }
0x64: {  	_ =	swait.ge [sflag:s29], $0x280  }
0x65: {  	[sflag:s29] =	ssyncset.done $0x0  }
0x66: {  	s8 =	simm.s32 $0x9B00;
	[sflag:s29] =	ssyncadd.s32 $0xFFFFFD80  }
0x67: {  	[tilespmem:s8], [sflag:$0x1] =	stream.strided.gather [spmem:s19], $0x280, s0, s31, $0x38;
	[tilespmem:$0xE280] =	vst v63  }
0x68: {  	_ =	swait.ge [sflag:s29], $0x280  }
0x69: {  	[sflag:s29] =	ssyncset.done $0x0  }
0x6a: {  	s9 =	simm.s32 $0x9D80;
	[sflag:s29] =	ssyncadd.s32 $0xFFFFFD80  }
0x6b: {  	[tilespmem:s9], [sflag:$0x1] =	stream.strided.gather [spmem:s26], $0x280, s0, s31, $0x38;
	[tilespmem:$0xE280] =	vst v63  }
0x6c: {  	_ =	swait.ge [sflag:s29], $0x280  }
0x6d: {  	[sflag:s29] =	ssyncset.done $0x0  }
0x6e: {  	s5 =	simm.s32 $0x0;
	[sflag:s29] =	ssyncadd.s32 $0xFFFFFD80  }
0x6f: {  	s10 =	sand.u32 $0x3F0, s5;
	v2 =	vld [tilespmem:s6+$0x0]  }
0x70: {  	v3 =	vld [tilespmem:s10+$0x7A80]  }
0x71: {  	v4 =	vld [tilespmem:s10+$0x7D00]  }
0x72: {  	v5 =	vld [tilespmem:s10+$0x7F80]  }
0x73: {  	v6 =	vld [tilespmem:s10+$0x8200]  }
0x74: {  	v7 =	vld [tilespmem:s10+$0x8480]  }
0x75: {  	v8 =	vld [tilespmem:s10+$0x8700]  }
0x76: {  	s11 =	simm.s32 $0x7810;
	v9 =	vld [tilespmem:s10+$0x8980]  }
0x77: {  	s8 =	simm.s32 $0x10;
	v11 =	vld [tilespmem:s11+$0x0];
	v2 =	vadd.f32 $0.0e+00, v2  }
0x78: {  	s9 =	sand.u32 $0x3F0, s8;
	v10 =	vld [tilespmem:s10+$0x8C00]  }
0x79: {  	v12 =	vld [tilespmem:s9+$0x7A80];
	v2 =	vadd.f32 v3, v2  }
0x7a: {  	v13 =	vld [tilespmem:s9+$0x7D00]  }
0x7b: {  	v14 =	vld [tilespmem:s9+$0x7F80];
	v2 =	vadd.f32 v4, v2  }
0x7c: {  	v56 =	vld [tilespmem:s9+$0x8200];
	v11 =	vadd.f32 $0.0e+00, v11  }
0x7d: {  	v57 =	vld [tilespmem:s9+$0x8480];
	v2 =	vadd.f32 v5, v2  }
0x7e: {  	v58 =	vld [tilespmem:s9+$0x8700];
	v11 =	vadd.f32 v12, v11  }
0x7f: {  	v59 =	vld [tilespmem:s9+$0x8980];
	v2 =	vadd.f32 v6, v2  }
0x80: {  	v3 =	vld [tilespmem:s10+$0x8E80];
	v11 =	vadd.f32 v13, v11  }
0x81: {  	v4 =	vld [tilespmem:s10+$0x9100];
	v2 =	vadd.f32 v7, v2  }
0x82: {  	v5 =	vld [tilespmem:s10+$0x9380];
	v11 =	vadd.f32 v14, v11  }
0x83: {  	v6 =	vld [tilespmem:s10+$0x9600];
	v2 =	vadd.f32 v8, v2  }
0x84: {  	v11 =	vadd.f32 v56, v11;
	v7 =	vld [tilespmem:s10+$0x9880]  }
0x85: {  	v8 =	vld [tilespmem:s10+$0x9B00];
	v2 =	vadd.f32 v9, v2  }
0x86: {  	v11 =	vadd.f32 v57, v11;
	v9 =	vld [tilespmem:s10+$0x9D80]  }
0x87: {  	s10 =	simm.s32 $0x7820;
	v2 =	vadd.f32 v10, v2;
	v10 =	vld [tilespmem:s9+$0x8C00]  }
0x88: {  	s11 =	simm.s32 $0x20;
	v11 =	vadd.f32 v58, v11;
	v60 =	vld [tilespmem:s10+$0x0]  }
0x89: {  	s6 =	sand.u32 $0x3F0, s11;
	v2 =	vadd.f32 v3, v2;
	v3 =	vld [tilespmem:s9+$0x8E80]  }
0x8a: {  	v61 =	vld [tilespmem:s6+$0x7A80];
	v11 =	vadd.f32 v59, v11  }
0x8b: {  	v2 =	vadd.f32 v4, v2;
	v4 =	vld [tilespmem:s9+$0x9100]  }
0x8c: {  	v62 =	vld [tilespmem:s6+$0x7D00];
	v10 =	vadd.f32 v10, v11  }
0x8d: {  	v13 =	vadd.f32 $0.0e+00, v60;
	v2 =	vadd.f32 v5, v2;
	v5 =	vld [tilespmem:s9+$0x9380]  }
0x8e: {  	v11 =	vld [tilespmem:s6+$0x7F80];
	v3 =	vadd.f32 v3, v10  }
0x8f: {  	v15 =	vld [tilespmem:s9+$0x9600];
	v2 =	vadd.f32 v6, v2;
	v6 =	vadd.f32 v61, v13  }
0x90: {  	v10 =	vld [tilespmem:s6+$0x8200];
	v3 =	vadd.f32 v4, v3  }
0x91: {  	v63 =	vld [tilespmem:s9+$0x9880];
	v2 =	vadd.f32 v7, v2;
	v6 =	vadd.f32 v62, v6  }
0x92: {  	v4 =	vld [tilespmem:s6+$0x8480];
	v5 =	vadd.f32 v5, v3  }
0x93: {  	v7 =	vadd.f32 v8, v2;
	v2 =	vld [tilespmem:s9+$0x9B00];
	v8 =	vadd.f32 v11, v6  }
0x94: {  	v6 =	vld [tilespmem:s6+$0x8700]  }
0x95: {  	v3 =	vld [tilespmem:s9+$0x9D80];
	v8 =	vadd.f32 v10, v8;
	v10 =	vadd.f32 v15, v5  }
0x96: {  	v9 =	vadd.f32 v9, v7;
	v7 =	vld [tilespmem:s6+$0x8980]  }
0x97: {  	s7 =	simm.s32 $0xA000;
	s8 =	simm.s32 $0x7830;
	v5 =	vld [tilespmem:s6+$0x8C00];
	v8 =	vadd.f32 v4, v8;
	v4 =	vadd.f32 v63, v10  }
0x98: {  	s10 =	simm.s32 $0x40;
	s9 =	simm.s32 $0x30;
	[tilespmem:s7+$0x0] =	vst v9;
	v9 =	vld [tilespmem:s8+$0x0]  }
.LBB2_6:
0x99: {  	p0 =	sne.s32 s10, $0x270;
	s11 =	sand.u32 $0x3F0, s9;
	v6 =	vadd.f32 v6, v8;
	v8 =	vld [tilespmem:s6+$0x8E80];
	v2 =	vadd.f32 v2, v4;
	s9 =	smov.u32 s10  }
0x9a: {  	v4 =	vld [tilespmem:s11+$0x7A80]  }
0x9b: {  	v6 =	vadd.f32 v7, v6;
	v7 =	vld [tilespmem:s6+$0x9100];
	v2 =	vadd.f32 v3, v2  }
0x9c: {  	s7 =	sadd.s32 $0x10, s7;
	v3 =	vld [tilespmem:s11+$0x7D00]  }
0x9d: {  	v9 =	vadd.f32 $0.0e+00, v9;
	v5 =	vadd.f32 v5, v6;
	v6 =	vld [tilespmem:s6+$0x9380];
	[tilespmem:s7+$0x0] =	vst v2  }
0x9e: {  	v2 =	vld [tilespmem:s11+$0x7F80]  }
0x9f: {  	v4 =	vadd.f32 v4, v9;
	v5 =	vadd.f32 v8, v5;
	v8 =	vld [tilespmem:s6+$0x9600]  }
0xa0: {  	v9 =	vld [tilespmem:s11+$0x8200]  }
0xa1: {  	v3 =	vadd.f32 v3, v4;
	v4 =	vadd.f32 v7, v5;
	v10 =	vld [tilespmem:s6+$0x9880]  }
0xa2: {  	v5 =	vld [tilespmem:s11+$0x8480]  }
0xa3: {  	v3 =	vadd.f32 v2, v3;
	v4 =	vadd.f32 v6, v4;
	v2 =	vld [tilespmem:s6+$0x9B00]  }
.Ltmp2:
0xa4: {  	v6 =	vld [tilespmem:s11+$0x8700];
	(pc) =	sbr.rel @p0 .LBB2_6-.Ltmp2, $4  }
0xa5: {  	v9 =	vadd.f32 v9, v3;
	v4 =	vadd.f32 v8, v4;
	v3 =	vld [tilespmem:s6+$0x9D80];
	s6 =	smov.u32 s11  }
0xa6: {  	v7 =	vld [tilespmem:s6+$0x8980]  }
0xa7: {  	s8 =	sadd.s32 $0x10, s8;
	v8 =	vadd.f32 v5, v9;
	v5 =	vld [tilespmem:s6+$0x8C00];
	v4 =	vadd.f32 v10, v4  }
0xa8: {  	s10 =	sadd.s32 $0x10, s10;
	v9 =	vld [tilespmem:s8+$0x0]  }
0xa9: {  	s8 =	sand.u32 $0x3F0, s9  }
0xaa: {  	v10 =	vld [tilespmem:s8+$0x7A80];
	_ =	sdelay $0x1  }
0xab: {  	v11 =	vld [tilespmem:s8+$0x7D00]  }
0xac: {  	v9 =	vadd.f32 $0.0e+00, v9  }
0xad: {  	v12 =	vld [tilespmem:s8+$0x7F80]  }
0xae: {  	v9 =	vadd.f32 v10, v9  }
0xaf: {  	v49 =	vld [tilespmem:s8+$0x8200]  }
0xb0: {  	v9 =	vadd.f32 v11, v9  }
0xb1: {  	v50 =	vld [tilespmem:s8+$0x8480]  }
0xb2: {  	v9 =	vadd.f32 v12, v9  }
0xb3: {  	v51 =	vld [tilespmem:s8+$0x8700]  }
0xb4: {  	v9 =	vadd.f32 v49, v9  }
0xb5: {  	v52 =	vld [tilespmem:s8+$0x8980]  }
0xb6: {  	v9 =	vadd.f32 v50, v9  }
0xb7: {  	v6 =	vadd.f32 v6, v8;
	v53 =	vld [tilespmem:s8+$0x8C00]  }
0xb8: {  	v54 =	vld [tilespmem:s6+$0x8E80];
	v9 =	vadd.f32 v51, v9  }
0xb9: {  	v6 =	vadd.f32 v7, v6;
	v7 =	vld [tilespmem:s8+$0x8E80]  }
0xba: {  	v55 =	vld [tilespmem:s6+$0x9100];
	v9 =	vadd.f32 v52, v9  }
0xbb: {  	v5 =	vadd.f32 v5, v6;
	v6 =	vld [tilespmem:s8+$0x9100]  }
0xbc: {  	v56 =	vld [tilespmem:s6+$0x9380];
	v8 =	vadd.f32 v53, v9  }
0xbd: {  	v57 =	vld [tilespmem:s8+$0x9380];
	v5 =	vadd.f32 v54, v5  }
0xbe: {  	v58 =	vld [tilespmem:s6+$0x9600];
	v7 =	vadd.f32 v7, v8  }
0xbf: {  	v59 =	vld [tilespmem:s8+$0x9600];
	v5 =	vadd.f32 v55, v5  }
0xc0: {  	v6 =	vadd.f32 v6, v7;
	v7 =	vld [tilespmem:s6+$0x9880]  }
0xc1: {  	v60 =	vld [tilespmem:s8+$0x9880];
	v5 =	vadd.f32 v56, v5  }
0xc2: {  	v61 =	vld [tilespmem:s6+$0x9B00];
	v6 =	vadd.f32 v57, v6  }
0xc3: {  	v62 =	vld [tilespmem:s8+$0x9B00];
	v5 =	vadd.f32 v58, v5  }
0xc4: {  	v63 =	vld [tilespmem:s6+$0x9D80];
	v6 =	vadd.f32 v59, v6  }
0xc5: {  	v5 =	vadd.f32 v7, v5;
	v7 =	vld [tilespmem:s8+$0x9D80]  }
0xc6: {  	v2 =	vadd.f32 v2, v4;
	v4 =	vadd.f32 v60, v6  }
0xc7: {  	v5 =	vadd.f32 v61, v5  }
0xc8: {  	v2 =	vadd.f32 v3, v2;
	v3 =	vadd.f32 v62, v4;
	v4 =	vmov s5  }
0xc9: {  	s9 =	sadd.s32 $0x10, s7;
	v5 =	vadd.f32 v63, v5  }
0xca: {  	[tilespmem:s9+$0x0] =	vst v2;
	s5 =	sadd.s32 $0x10, s9;
	v2 =	vadd.f32 v7, v3  }
0xcb: {  	[tilespmem:s5+$0x0] =	vst v5;
	s5 =	sadd.s32 $0x10, s5  }
0xcc: {  	[tilespmem:s5+$0x0] =	vst v2  }
0xcd: {  	v2 =	vld.idx.msk [tilespmem:v4+s28+$0x0], $0xffff;
	_ =	sdelay $0x1  }
0xce: {  	s10 =	simm.s32 $0x1  }
0xcf: {  	v3 =	vmov s10  }
0xd0: {  	s5 =	simm.s32 $0xA2C0  }
0xd1: {  	[tilespmem:s5+$0x30] =	vst v2  }
0xd2: {  	[tilespmem:s5+$0xFFFFFFC0] =	vst v2  }
0xd3: {  	[tilespmem:s5+$0xFFFFFFD0] =	vst v2  }
0xd4: {  	v3 =	vld.idx.msk [tilespmem:v3+s28+$0x0], $0xffff;
	[tilespmem:s5+$0xFFFFFFE0] =	vst v2  }
0xd5: {  	s11 =	simm.s32 $0x2;
	[tilespmem:s5+$0xFFFFFFF0] =	vst v2  }
0xd6: {  	s6 =	simm.s32 $0x3;
	v4 =	vmov s11;
	[tilespmem:s5+$0x0] =	vst v2  }
.LBB2_8:
0xd7: {  	p0 =	sne.s32 s6, $0x7F;
	[tilespmem:s5+$0x10] =	vst v2  }
0xd8: {  	[tilespmem:s5+$0x20] =	vst v2;
	s5 =	sadd.s32 $0x80, s5  }
0xd9: {  	v2 =	vmov v3;
	[tilespmem:s5+$0x30] =	vst v3  }
.Ltmp3:
0xda: {  	[tilespmem:s5+$0xFFFFFFC0] =	vst v2;
	(pc) =	sbr.rel @p0 .LBB2_8-.Ltmp3, $4  }
0xdb: {  	v3 =	vld.idx.msk [tilespmem:v4+s28+$0x0], $0xffff;
	[tilespmem:s5+$0xFFFFFFD0] =	vst v2  }
0xdc: {  	[tilespmem:s5+$0xFFFFFFE0] =	vst v2  }
0xdd: {  	[tilespmem:s5+$0xFFFFFFF0] =	vst v2  }
0xde: {  	v4 =	vmov s6;
	s6 =	sadd.s32 $0x1, s6;
	[tilespmem:s5+$0x0] =	vst v2  }
0xdf: {  	[tilespmem:s5+$0x10] =	vst v2  }
0xe0: {  	[tilespmem:s5+$0x20] =	vst v2;
	s9 =	sadd.s32 $0x80, s5  }
0xe1: {  	[tilespmem:s9+$0x30] =	vst v3  }
0xe2: {  	[tilespmem:s9+$0xFFFFFFC0] =	vst v3  }
0xe3: {  	[tilespmem:s9+$0xFFFFFFD0] =	vst v3  }
0xe4: {  	v2 =	vld.idx.msk [tilespmem:v4+s28+$0x0], $0xffff;
	[tilespmem:s9+$0xFFFFFFE0] =	vst v3  }
0xe5: {  	[tilespmem:s9+$0xFFFFFFF0] =	vst v3  }
0xe6: {  	[tilespmem:s9+$0x0] =	vst v3  }
0xe7: {  	[tilespmem:s9+$0x10] =	vst v3  }
0xe8: {  	[tilespmem:s9+$0x20] =	vst v3;
	s5 =	sadd.s32 $0x80, s9  }
0xe9: {  	[tilespmem:s5+$0x30] =	vst v2  }
0xea: {  	[tilespmem:s5+$0xFFFFFFC0] =	vst v2  }
0xeb: {  	[tilespmem:s5+$0xFFFFFFD0] =	vst v2  }
0xec: {  	[tilespmem:s5+$0xFFFFFFE0] =	vst v2  }
0xed: {  	[tilespmem:s5+$0xFFFFFFF0] =	vst v2  }
0xee: {  	[tilespmem:s5+$0x0] =	vst v2  }
0xef: {  	s6 =	simm.s32 $0x80;
	[tilespmem:s5+$0x10] =	vst v2  }
0xf0: {  	[tilespmem:s5+$0x20] =	vst v2;
	v2 =	vmov s6  }
0xf1: {  	[hbm4b:s20+s2] =	stream.linear.scatter [tilespmem:s1], [sflag:$0x1], $0x4000, $0x38;
	[tilespmem:$0xE280] =	vst v63  }
0xf2: {  	_ =	swait.ge [sflag:s29], $0x4000  }
0xf3: {  	[sflag:s29] =	ssyncset.done $0x0  }
0xf4: {  	[sflag:s29] =	ssyncadd.s32 $0xFFFFC000  }
0xf5: {  	v2 =	vld.idx.msk [tilespmem:v2+s28+$0x0], $0xffff;
	_ =	sdelay $0x1  }
0xf6: {  	s10 =	simm.s32 $0x81  }
0xf7: {  	v3 =	vmov s10  }
0xf8: {  	s5 =	simm.s32 $0xA2C0  }
0xf9: {  	[tilespmem:s5+$0x30] =	vst v2  }
0xfa: {  	[tilespmem:s5+$0xFFFFFFC0] =	vst v2  }
0xfb: {  	[tilespmem:s5+$0xFFFFFFD0] =	vst v2  }
0xfc: {  	v3 =	vld.idx.msk [tilespmem:v3+s28+$0x0], $0xffff;
	[tilespmem:s5+$0xFFFFFFE0] =	vst v2  }
0xfd: {  	s11 =	simm.s32 $0x82;
	[tilespmem:s5+$0xFFFFFFF0] =	vst v2  }
0xfe: {  	v4 =	vmov s11;
	s6 =	simm.s32 $0x83;
	[tilespmem:s5+$0x0] =	vst v2  }
.LBB2_10:
0xff: {  	p0 =	sne.s32 s6, $0xFF;
	[tilespmem:s5+$0x10] =	vst v2  }
0x100: {  	[tilespmem:s5+$0x20] =	vst v2;
	s5 =	sadd.s32 $0x80, s5  }
0x101: {  	v2 =	vmov v3;
	[tilespmem:s5+$0x30] =	vst v3  }
.Ltmp4:
0x102: {  	[tilespmem:s5+$0xFFFFFFC0] =	vst v2;
	(pc) =	sbr.rel @p0 .LBB2_10-.Ltmp4, $4  }
0x103: {  	v3 =	vld.idx.msk [tilespmem:v4+s28+$0x0], $0xffff;
	[tilespmem:s5+$0xFFFFFFD0] =	vst v2  }
0x104: {  	[tilespmem:s5+$0xFFFFFFE0] =	vst v2  }
0x105: {  	[tilespmem:s5+$0xFFFFFFF0] =	vst v2  }
0x106: {  	v4 =	vmov s6;
	s6 =	sadd.s32 $0x1, s6;
	[tilespmem:s5+$0x0] =	vst v2  }
0x107: {  	[tilespmem:s5+$0x10] =	vst v2  }
0x108: {  	[tilespmem:s5+$0x20] =	vst v2;
	s9 =	sadd.s32 $0x80, s5  }
0x109: {  	[tilespmem:s9+$0x30] =	vst v3  }
0x10a: {  	[tilespmem:s9+$0xFFFFFFC0] =	vst v3  }
0x10b: {  	[tilespmem:s9+$0xFFFFFFD0] =	vst v3  }
0x10c: {  	v2 =	vld.idx.msk [tilespmem:v4+s28+$0x0], $0xffff;
	[tilespmem:s9+$0xFFFFFFE0] =	vst v3  }
0x10d: {  	[tilespmem:s9+$0xFFFFFFF0] =	vst v3  }
0x10e: {  	[tilespmem:s9+$0x0] =	vst v3  }
0x10f: {  	[tilespmem:s9+$0x10] =	vst v3  }
0x110: {  	[tilespmem:s9+$0x20] =	vst v3;
	s5 =	sadd.s32 $0x80, s9  }
0x111: {  	[tilespmem:s5+$0x30] =	vst v2  }
0x112: {  	[tilespmem:s5+$0xFFFFFFC0] =	vst v2  }
0x113: {  	[tilespmem:s5+$0xFFFFFFD0] =	vst v2  }
0x114: {  	[tilespmem:s5+$0xFFFFFFE0] =	vst v2  }
0x115: {  	[tilespmem:s5+$0xFFFFFFF0] =	vst v2  }
0x116: {  	[tilespmem:s5+$0x0] =	vst v2  }
0x117: {  	s6 =	simm.s32 $0x100;
	[tilespmem:s5+$0x10] =	vst v2  }
0x118: {  	[tilespmem:s5+$0x20] =	vst v2;
	v2 =	vmov s6  }
0x119: {  	[hbm4b:s21+s2] =	stream.linear.scatter [tilespmem:s1], [sflag:$0x1], $0x4000, $0x38;
	[tilespmem:$0xE280] =	vst v63  }
0x11a: {  	_ =	swait.ge [sflag:s29], $0x4000  }
0x11b: {  	[sflag:s29] =	ssyncset.done $0x0  }
0x11c: {  	[sflag:s29] =	ssyncadd.s32 $0xFFFFC000  }
0x11d: {  	v2 =	vld.idx.msk [tilespmem:v2+s28+$0x0], $0xffff;
	_ =	sdelay $0x1  }
0x11e: {  	s10 =	simm.s32 $0x101  }
0x11f: {  	v3 =	vmov s10  }
0x120: {  	s5 =	simm.s32 $0xA2C0  }
0x121: {  	[tilespmem:s5+$0x30] =	vst v2  }
0x122: {  	[tilespmem:s5+$0xFFFFFFC0] =	vst v2  }
0x123: {  	[tilespmem:s5+$0xFFFFFFD0] =	vst v2  }
0x124: {  	v3 =	vld.idx.msk [tilespmem:v3+s28+$0x0], $0xffff;
	[tilespmem:s5+$0xFFFFFFE0] =	vst v2  }
0x125: {  	s11 =	simm.s32 $0x102;
	[tilespmem:s5+$0xFFFFFFF0] =	vst v2  }
0x126: {  	v4 =	vmov s11;
	s6 =	simm.s32 $0x103;
	[tilespmem:s5+$0x0] =	vst v2  }
.LBB2_12:
0x127: {  	p0 =	sne.s32 s6, $0x17F;
	[tilespmem:s5+$0x10] =	vst v2  }
0x128: {  	[tilespmem:s5+$0x20] =	vst v2;
	s5 =	sadd.s32 $0x80, s5  }
0x129: {  	v2 =	vmov v3;
	[tilespmem:s5+$0x30] =	vst v3  }
.Ltmp5:
0x12a: {  	[tilespmem:s5+$0xFFFFFFC0] =	vst v2;
	(pc) =	sbr.rel @p0 .LBB2_12-.Ltmp5, $4  }
0x12b: {  	v3 =	vld.idx.msk [tilespmem:v4+s28+$0x0], $0xffff;
	[tilespmem:s5+$0xFFFFFFD0] =	vst v2  }
0x12c: {  	[tilespmem:s5+$0xFFFFFFE0] =	vst v2  }
0x12d: {  	[tilespmem:s5+$0xFFFFFFF0] =	vst v2  }
0x12e: {  	v4 =	vmov s6;
	s6 =	sadd.s32 $0x1, s6;
	[tilespmem:s5+$0x0] =	vst v2  }
0x12f: {  	[tilespmem:s5+$0x10] =	vst v2  }
0x130: {  	[tilespmem:s5+$0x20] =	vst v2;
	s9 =	sadd.s32 $0x80, s5  }
0x131: {  	[tilespmem:s9+$0x30] =	vst v3  }
0x132: {  	[tilespmem:s9+$0xFFFFFFC0] =	vst v3  }
0x133: {  	[tilespmem:s9+$0xFFFFFFD0] =	vst v3  }
0x134: {  	v2 =	vld.idx.msk [tilespmem:v4+s28+$0x0], $0xffff;
	[tilespmem:s9+$0xFFFFFFE0] =	vst v3  }
0x135: {  	[tilespmem:s9+$0xFFFFFFF0] =	vst v3  }
0x136: {  	[tilespmem:s9+$0x0] =	vst v3  }
0x137: {  	[tilespmem:s9+$0x10] =	vst v3  }
0x138: {  	[tilespmem:s9+$0x20] =	vst v3;
	s5 =	sadd.s32 $0x80, s9  }
0x139: {  	[tilespmem:s5+$0x30] =	vst v2  }
0x13a: {  	[tilespmem:s5+$0xFFFFFFC0] =	vst v2  }
0x13b: {  	[tilespmem:s5+$0xFFFFFFD0] =	vst v2  }
0x13c: {  	[tilespmem:s5+$0xFFFFFFE0] =	vst v2  }
0x13d: {  	[tilespmem:s5+$0xFFFFFFF0] =	vst v2  }
0x13e: {  	[tilespmem:s5+$0x0] =	vst v2  }
0x13f: {  	s6 =	simm.s32 $0x180;
	[tilespmem:s5+$0x10] =	vst v2  }
0x140: {  	[tilespmem:s5+$0x20] =	vst v2;
	v2 =	vmov s6  }
0x141: {  	[hbm4b:s22+s2] =	stream.linear.scatter [tilespmem:s1], [sflag:$0x1], $0x4000, $0x38;
	[tilespmem:$0xE280] =	vst v63  }
0x142: {  	_ =	swait.ge [sflag:s29], $0x4000  }
0x143: {  	[sflag:s29] =	ssyncset.done $0x0  }
0x144: {  	[sflag:s29] =	ssyncadd.s32 $0xFFFFC000  }
0x145: {  	v2 =	vld.idx.msk [tilespmem:v2+s28+$0x0], $0xffff;
	_ =	sdelay $0x1  }
0x146: {  	s10 =	simm.s32 $0x181  }
0x147: {  	v3 =	vmov s10  }
0x148: {  	s5 =	simm.s32 $0xA2C0  }
0x149: {  	[tilespmem:s5+$0x30] =	vst v2  }
0x14a: {  	[tilespmem:s5+$0xFFFFFFC0] =	vst v2  }
0x14b: {  	[tilespmem:s5+$0xFFFFFFD0] =	vst v2  }
0x14c: {  	v3 =	vld.idx.msk [tilespmem:v3+s28+$0x0], $0xffff;
	[tilespmem:s5+$0xFFFFFFE0] =	vst v2  }
0x14d: {  	s11 =	simm.s32 $0x182;
	[tilespmem:s5+$0xFFFFFFF0] =	vst v2  }
0x14e: {  	v4 =	vmov s11;
	s6 =	simm.s32 $0x183;
	[tilespmem:s5+$0x0] =	vst v2  }
.LBB2_14:
0x14f: {  	p0 =	sne.s32 s6, $0x1FF;
	[tilespmem:s5+$0x10] =	vst v2  }
0x150: {  	[tilespmem:s5+$0x20] =	vst v2;
	s5 =	sadd.s32 $0x80, s5  }
0x151: {  	v2 =	vmov v3;
	[tilespmem:s5+$0x30] =	vst v3  }
.Ltmp6:
0x152: {  	[tilespmem:s5+$0xFFFFFFC0] =	vst v2;
	(pc) =	sbr.rel @p0 .LBB2_14-.Ltmp6, $4  }
0x153: {  	v3 =	vld.idx.msk [tilespmem:v4+s28+$0x0], $0xffff;
	[tilespmem:s5+$0xFFFFFFD0] =	vst v2  }
0x154: {  	[tilespmem:s5+$0xFFFFFFE0] =	vst v2  }
0x155: {  	[tilespmem:s5+$0xFFFFFFF0] =	vst v2  }
0x156: {  	v4 =	vmov s6;
	s6 =	sadd.s32 $0x1, s6;
	[tilespmem:s5+$0x0] =	vst v2  }
0x157: {  	[tilespmem:s5+$0x10] =	vst v2  }
0x158: {  	[tilespmem:s5+$0x20] =	vst v2;
	s9 =	sadd.s32 $0x80, s5  }
0x159: {  	[tilespmem:s9+$0x30] =	vst v3  }
0x15a: {  	[tilespmem:s9+$0xFFFFFFC0] =	vst v3  }
0x15b: {  	[tilespmem:s9+$0xFFFFFFD0] =	vst v3  }
0x15c: {  	v2 =	vld.idx.msk [tilespmem:v4+s28+$0x0], $0xffff;
	[tilespmem:s9+$0xFFFFFFE0] =	vst v3  }
0x15d: {  	[tilespmem:s9+$0xFFFFFFF0] =	vst v3  }
0x15e: {  	[tilespmem:s9+$0x0] =	vst v3  }
0x15f: {  	[tilespmem:s9+$0x10] =	vst v3  }
0x160: {  	[tilespmem:s9+$0x20] =	vst v3;
	s5 =	sadd.s32 $0x80, s9  }
0x161: {  	[tilespmem:s5+$0x30] =	vst v2  }
0x162: {  	[tilespmem:s5+$0xFFFFFFC0] =	vst v2  }
0x163: {  	[tilespmem:s5+$0xFFFFFFD0] =	vst v2  }
0x164: {  	[tilespmem:s5+$0xFFFFFFE0] =	vst v2  }
0x165: {  	[tilespmem:s5+$0xFFFFFFF0] =	vst v2  }
0x166: {  	[tilespmem:s5+$0x0] =	vst v2  }
0x167: {  	s6 =	simm.s32 $0x200;
	[tilespmem:s5+$0x10] =	vst v2  }
0x168: {  	[tilespmem:s5+$0x20] =	vst v2;
	v2 =	vmov s6  }
0x169: {  	[hbm4b:s23+s2] =	stream.linear.scatter [tilespmem:s1], [sflag:$0x1], $0x4000, $0x38;
	[tilespmem:$0xE280] =	vst v63  }
0x16a: {  	_ =	swait.ge [sflag:s29], $0x4000  }
0x16b: {  	[sflag:s29] =	ssyncset.done $0x0  }
0x16c: {  	[sflag:s29] =	ssyncadd.s32 $0xFFFFC000  }
0x16d: {  	v2 =	vld.idx.msk [tilespmem:v2+s28+$0x0], $0xffff;
	_ =	sdelay $0x1  }
0x16e: {  	s10 =	simm.s32 $0x201  }
0x16f: {  	v3 =	vmov s10  }
0x170: {  	s5 =	simm.s32 $0xA2C0  }
0x171: {  	[tilespmem:s5+$0x30] =	vst v2  }
0x172: {  	[tilespmem:s5+$0xFFFFFFC0] =	vst v2  }
0x173: {  	[tilespmem:s5+$0xFFFFFFD0] =	vst v2  }
0x174: {  	v3 =	vld.idx.msk [tilespmem:v3+s28+$0x0], $0xffff;
	[tilespmem:s5+$0xFFFFFFE0] =	vst v2  }
0x175: {  	s11 =	simm.s32 $0x202;
	[tilespmem:s5+$0xFFFFFFF0] =	vst v2  }
0x176: {  	v4 =	vmov s11;
	s6 =	simm.s32 $0x203;
	[tilespmem:s5+$0x0] =	vst v2  }
.LBB2_16:
0x177: {  	p0 =	sne.s32 s6, $0x27F;
	[tilespmem:s5+$0x10] =	vst v2  }
0x178: {  	[tilespmem:s5+$0x20] =	vst v2;
	s5 =	sadd.s32 $0x80, s5  }
0x179: {  	v2 =	vmov v3;
	[tilespmem:s5+$0x30] =	vst v3  }
.Ltmp7:
0x17a: {  	[tilespmem:s5+$0xFFFFFFC0] =	vst v2;
	(pc) =	sbr.rel @p0 .LBB2_16-.Ltmp7, $4  }
0x17b: {  	v3 =	vld.idx.msk [tilespmem:v4+s28+$0x0], $0xffff;
	[tilespmem:s5+$0xFFFFFFD0] =	vst v2  }
0x17c: {  	[tilespmem:s5+$0xFFFFFFE0] =	vst v2  }
0x17d: {  	[tilespmem:s5+$0xFFFFFFF0] =	vst v2  }
0x17e: {  	v4 =	vmov s6;
	s6 =	sadd.s32 $0x1, s6;
	[tilespmem:s5+$0x0] =	vst v2  }
0x17f: {  	[tilespmem:s5+$0x10] =	vst v2  }
0x180: {  	[tilespmem:s5+$0x20] =	vst v2;
	s11 =	sadd.s32 $0x80, s5  }
0x181: {  	[tilespmem:s11+$0x30] =	vst v3  }
0x182: {  	[tilespmem:s11+$0xFFFFFFC0] =	vst v3  }
0x183: {  	[tilespmem:s11+$0xFFFFFFD0] =	vst v3  }
0x184: {  	v2 =	vld.idx.msk [tilespmem:v4+s28+$0x0], $0xffff;
	[tilespmem:s11+$0xFFFFFFE0] =	vst v3  }
0x185: {  	[tilespmem:s11+$0xFFFFFFF0] =	vst v3  }
0x186: {  	[tilespmem:s11+$0x0] =	vst v3  }
0x187: {  	[tilespmem:s11+$0x10] =	vst v3  }
0x188: {  	[tilespmem:s11+$0x20] =	vst v3;
	s5 =	sadd.s32 $0x80, s11  }
0x189: {  	[tilespmem:s5+$0x30] =	vst v2  }
0x18a: {  	[tilespmem:s5+$0xFFFFFFC0] =	vst v2  }
0x18b: {  	[tilespmem:s5+$0xFFFFFFD0] =	vst v2  }
0x18c: {  	[tilespmem:s5+$0xFFFFFFE0] =	vst v2  }
0x18d: {  	[tilespmem:s5+$0xFFFFFFF0] =	vst v2  }
0x18e: {  	s3 =	sadd.s32 $0x1, s3;
	[tilespmem:s5+$0x0] =	vst v2  }
0x18f: {  	p0 =	sne.s32 s3, s25;
	[tilespmem:s5+$0x10] =	vst v2  }
.Ltmp8:
0x190: {  	[tilespmem:s5+$0x20] =	vst v2;
	(pc) =	sbr.rel @p0 .LBB2_1-.Ltmp8, $4  }
0x191: {  	[hbm4b:s24+s2] =	stream.linear.scatter [tilespmem:s1], [sflag:$0x1], $0x4000, $0x38;
	[tilespmem:$0xE280] =	vst v63  }
0x192: {  	_ =	swait.ge [sflag:s29], $0x4000  }
0x193: {  	[sflag:s29] =	ssyncset.done $0x0  }
0x194: {  	[sflag:s29] =	ssyncadd.s32 $0xFFFFC000  }
0x195: {  	_ =	sfence.sel $0x180000  }
0x196: {  	[bflag:$0x0] =	sbarrier.arrive $0xFFFF  }
0x197: {  	_ =	strace $0x90000047  }
0x198: {  	s0 =	stileid.u32;
	[bflag:$0x2] =	sbarrier.arrive $0xFFFF  }
0x199: {  	p0 =	sne.s32 s0, $0x0;
	s0 =	rddreg [dreg:$0x3]  }
0x19a: {  	s0 =	sadd.s32 @!p0 $0x100000, s0  }
0x19b: {  	[sflag:s0] =	ssyncadd.tile.s32 @!p0 $0x1;
	_ =	shalt  }
.Lfunc_end2:
_tile_overlayer_lowered:
.L_overlay_start_2:
0x19c: {  	(tag) =	ssettag $0x2  }
0x19d: {  	s0 =	rddreg [dreg:$0x0];
	s2 =	stileid.u32  }
0x19e: {  	s1 =	rddreg [dreg:$0x1];
	p0 =	sne.s32 s2, $0x0  }
0x19f: {  	s3 =	rddreg [dreg:$0x2];
	[bflag:$0x3] =	sbarrier.arrive $0xFFFF;
	s2 =	simm.s32 @!p0 $0x1C01  }
0x1a0: {  	[timem:s3], [sflag:s2] =	dma.local @!p0 [hbm:s0], s1  }
0x1a1: {  	s0 =	simm.s32 @!p0 $0x1  }
0x1a2: {  	_ =	swait.ge @!p0 [sflag:s0], s1  }
0x1a3: {  	s1 =	ssub.s32 @!p0 $0x0, s1;
	[sflag:s0] =	ssyncset.done @!p0 $0x0  }
0x1a4: {  	[sflag:s0] =	ssyncadd.s32 @!p0 s1  }
0x1a5: {  	[bflag:$0x3] =	sbarrier.arrive $0xFFFF  }
0x1a6: {  	_ =	shalt  }

// kernel: kernel.9.cloned.1.call-start
scs
__scs_entry_jumppad:
0x0: {  	(pc) =	sbr.rel $0x88, $3  }
0x1: {  	(tag) =	ssettag $0x0;
	lr =	simm.s32 $0x1  }
0x2: {  	[smem:$0x3F93] =	sst lr;
	_ =	strace $0xD0000000  }
0x3: {  	_ = 	snop  }
0x4: {  	_ = 	snop  }
0x5: {  	_ = 	snop  }
0x6: {  	_ = 	snop  }
0x7: {  	_ = 	snop  }
__scs_overlays_trampoline_lowered:
0x8: {  	[smem:$0x3FA2] =	sst s0  }
0x9: {  	[smem:$0x3FA3] =	sst s1  }
0xa: {  	[smem:$0x3FA4] =	sst s2  }
0xb: {  	[smem:$0x3FA5] =	sst s3  }
0xc: {  	[smem:$0x3FA6] =	sst s4  }
0xd: {  	[smem:$0x3FA7] =	sst s5  }
0xe: {  	[smem:$0x3FA8] =	sst s6  }
0xf: {  	[smem:$0x3FA9] =	sst s7  }
0x10: {  	[smem:$0x3FAA] =	sst s8  }
0x11: {  	[smem:$0x3FAB] =	sst s9;
	s0 =	simm.s32 @!p0 $0x0  }
0x12: {  	s1 =	sld [smem:$0x3F91];
	s0 =	simm.s32 @p0 $0x1  }
0x13: {  	[smem:$0x3FAC] =	sst s0;
	s0 =	simm.s32 @!p1 $0x0  }
0x14: {  	s2 =	sld [smem:$0x3F90];
	s0 =	simm.s32 @p1 $0x1  }
0x15: {  	[smem:$0x3FAD] =	sst s0;
	s0 =	simm.s32 @!p2 $0x0  }
0x16: {  	s3 =	sld [smem:$0x3FDB];
	s0 =	simm.s32 @p2 $0x1  }
0x17: {  	s4 =	simm.s32 $0x1BF5;
	[smem:$0x3FAF] =	sst s0  }
0x18: {  	s0 =	sld [smem:$0x3F92];
	_ =	swait.ge [sflag:s4], $0x0  }
0x19: {  	s7 =	sld [smem:$0x3F93]  }
0x1a: {  	s8 =	sadd.s32 $0xFFFFE003, lr  }
0x1b: {  	s9 =	sadd.s32 $0xFFFFFEF7, lr;
	s5 =	simm.s32 $0xFFFFFFFF;
	p2 =	slt.u32 s8, $0xFFFFF086  }
0x1c: {  	p1 =	slt.u32 s9, $0xF7A;
	s5 =	simm.s32 @!p2 $0x0  }
0x1d: {  	s5 =	simm.s32 @p1 $0x1;
	p0 =	seq.s32 s7, s2  }
0x1e: {  	s7 =	smul.u32 @!p0 $0xF7A, s2;
	p2 =	seq.s32 @!p0 s5, $0x0  }
0x1f: {  	s9 =	smul.u32 $0xF7A, s1;
	s8 =	simm.s32 @!p0 $0x1BF5;
	p2 =	por !p2, p0  }
0x20: {  	[sflag:s8] =	ssyncset.s32 @!p0 $0xFFFFF086;
	s6 =	sadd.s32 @!p0 s3, s7;
	s7 =	simm.s32 @!p0 $0x108  }
0x21: {  	s3 =	sadd.s32 s3, s9;
	s6 =	sadd.s32 @!p0 $0x88, s6;
	s7 =	simm.s32 @p2 $0x1082  }
0x22: {  	[simem:s7], [sflag:s8] =	dma.local @!p0 [hbm:s6], $0xF7A  }
0x23: {  	s9 =	sor.u32 $0xD0000000, s2;
	s6 =	simm.s32 $0x108;
	_ =	swait.ge @!p0 [sflag:s8], $0x0  }
0x24: {  	s3 =	sadd.s32 $0x88, s3;
	s6 =	simm.s32 @!p1 $0x1082;
	[sflag:s4] =	ssyncset.s32 $0xFFFFF086  }
0x25: {  	[simem:s6], [sflag:s4] =	dma.local [hbm:s3], $0xF7A  }
0x26: {  	[smem:$0x3F93] =	sst s1;
	(tag) =	ssettag s2;
	_ =	strace s9  }
0x27: {  	s1 =	sld [smem:$0x3FA3]  }
0x28: {  	s2 =	sld [smem:$0x3FA4]  }
0x29: {  	s4 =	sld [smem:$0x3FA6]  }
0x2a: {  	p0 =	seq.s32 s5, $0x0;
	s5 =	sld [smem:$0x3FA7]  }
0x2b: {  	s6 =	sld [smem:$0x3FA8]  }
0x2c: {  	s7 =	sld [smem:$0x3FA9]  }
0x2d: {  	s3 =	simm.s32 $0x108;
	s8 =	sld [smem:$0x3FAA]  }
0x2e: {  	s3 =	simm.s32 @!p0 $0x1082;
	s9 =	sld [smem:$0x3FAB]  }
0x2f: {  	lr =	sadd.s32 s0, s3;
	s0 =	sld [smem:$0x3FA2]  }
0x30: {  	s3 =	sld [smem:$0x3FA5]  }
0x31: {  	[smem:$0x3FAE] =	sst s10  }
0x32: {  	s10 =	sld [smem:$0x3FAC];
	_ =	sdelay $0x3  }
0x33: {  	p0 =	seq.s32 s10, $0x1;
	s10 =	sld [smem:$0x3FAE];
	_ =	sdelay $0x3  }
0x34: {  	[smem:$0x3FAE] =	sst s10  }
0x35: {  	s10 =	sld [smem:$0x3FAD];
	_ =	sdelay $0x3  }
0x36: {  	p1 =	seq.s32 s10, $0x1;
	s10 =	sld [smem:$0x3FAE];
	_ =	sdelay $0x3  }
0x37: {  	[smem:$0x3FAE] =	sst s10  }
0x38: {  	s10 =	sld [smem:$0x3FAF]  }
0x39: {  	_ = 	snop;
	(pc) =	sbr.ind lr, $3  }
0x3a: {  	_ = 	snop  }
0x3b: {  	_ = 	snop  }
0x3c: {  	p2 =	seq.s32 s10, $0x1;
	s10 =	sld [smem:$0x3FAE]  }
0x3d: {  	_ =	shalt  }
0x3e: {  	_ =	shalt  }
0x3f: {  	_ =	shalt  }
0x40: {  	_ =	shalt  }
0x41: {  	_ =	shalt  }
0x42: {  	_ =	shalt  }
0x43: {  	_ =	shalt  }
0x44: {  	_ =	shalt  }
0x45: {  	_ =	shalt  }
0x46: {  	_ =	shalt  }
0x47: {  	_ =	shalt  }
0x48: {  	_ =	shalt  }
0x49: {  	_ =	shalt  }
0x4a: {  	_ =	shalt  }
0x4b: {  	_ =	shalt  }
0x4c: {  	_ =	shalt  }
0x4d: {  	_ =	shalt  }
0x4e: {  	_ =	shalt  }
0x4f: {  	_ =	shalt  }
0x50: {  	_ =	shalt  }
0x51: {  	_ =	shalt  }
0x52: {  	_ =	shalt  }
0x53: {  	_ =	shalt  }
0x54: {  	_ =	shalt  }
0x55: {  	_ =	shalt  }
0x56: {  	_ =	shalt  }
0x57: {  	_ =	shalt  }
0x58: {  	_ =	shalt  }
0x59: {  	_ =	shalt  }
0x5a: {  	_ =	shalt  }
0x5b: {  	_ =	shalt  }
0x5c: {  	_ =	shalt  }
0x5d: {  	_ =	shalt  }
0x5e: {  	_ =	shalt  }
0x5f: {  	_ =	shalt  }
0x60: {  	_ =	shalt  }
0x61: {  	_ =	shalt  }
0x62: {  	_ =	shalt  }
0x63: {  	_ =	shalt  }
0x64: {  	_ =	shalt  }
0x65: {  	_ =	shalt  }
0x66: {  	_ =	shalt  }
0x67: {  	_ =	shalt  }
0x68: {  	_ =	shalt  }
0x69: {  	_ =	shalt  }
0x6a: {  	_ =	shalt  }
0x6b: {  	_ =	shalt  }
0x6c: {  	_ =	shalt  }
0x6d: {  	_ =	shalt  }
0x6e: {  	_ =	shalt  }
0x6f: {  	_ =	shalt  }
0x70: {  	_ =	shalt  }
0x71: {  	_ =	shalt  }
0x72: {  	_ =	shalt  }
0x73: {  	_ =	shalt  }
0x74: {  	_ =	shalt  }
0x75: {  	_ =	shalt  }
0x76: {  	_ =	shalt  }
0x77: {  	_ =	shalt  }
0x78: {  	_ =	shalt  }
0x79: {  	_ =	shalt  }
0x7a: {  	_ =	shalt  }
0x7b: {  	_ =	shalt  }
0x7c: {  	_ =	shalt  }
0x7d: {  	_ =	shalt  }
0x7e: {  	_ =	shalt  }
0x7f: {  	_ =	shalt  }
0x80: {  	_ =	shalt  }
0x81: {  	_ =	shalt  }
0x82: {  	_ =	shalt  }
0x83: {  	_ =	shalt  }
0x84: {  	_ =	shalt  }
0x85: {  	_ =	shalt  }
0x86: {  	_ =	shalt  }
0x87: {  	_ =	shalt  }
.Lfunc_end0:
.L_simem_size_0:
called_computation.1_lowered:
.L_overlay_start_0:
0x88: {  	s2 =	sld [smem:$0x3FD9]  }
0x89: {  	s3 =	sld [smem:$0x3FFE];
	_ =	sdelay $0x1  }
0x8a: {  	s1 =	srdreg.scid  }
0x8b: {  	s0 =	sand.u32 $0x1, s1  }
0x8c: {  	s17 =	sshll.u32 s0, $0xA;
	s2 =	sadd.s32 s3, s2  }
0x8d: {  	s2 =	sadd.s32 s2, s17  }
0x8e: {  	[smem:$0x3FBA] =	sst s2  }
0x8f: {  	_ = 	snop  }
0x90: {  	s2 =	sld [smem:$0x3FD0];
	(tm) =	ssettm $0x1  }
0x91: {  	s18 =	sld [smem:$0x3FFB];
	_ =	sdelay $0x3  }
0x92: {  	_ =	strace s18  }
0x93: {  	s3 =	sld [smem:$0x3FFC];
	_ =	sdelay $0x3  }
0x94: {  	_ =	strace s3  }
0x95: {  	s3 =	sld [smem:$0x3FFD];
	_ =	sdelay $0x3  }
0x96: {  	_ =	strace s3  }
0x97: {  	_ =	strace $0x8FFFFFFF  }
0x98: {  	s19 =	sld [smem:$0x3FDB];
	_ =	sdelay $0x1  }
0x99: {  	s4 =	simm.s32 $_scs_section_size  }
0x9a: {  	s5 =	simm.s32 $_size__tile_overlayer_lowered;
	s6 =	simm.s32 $_tile_overlayer_lowered  }
0x9b: {  	s22 =	simm.s32 $0x1BFF;
	s21 =	sshll.u32 s6, $0x1;
	s3 =	sadd.s32 s4, s19  }
0x9c: {  	s7 =	simm.s32 $0x0;
	s20 =	sshll.u32 s5, $0x1;
	s5 =	sadd.s32 s21, s3  }
0x9d: {  	[timem:s7], [sflag:s22] =	dma.local [hbm:s5], s20  }
0x9e: {  	_ =	swait.ge [sflag:s22], s20  }
0x9f: {  	s4 =	ssub.s32 $0x0, s20;
	[sflag:s22] =	ssyncset.done $0x0  }
0xa0: {  	[sflag:s22] =	ssyncadd.s32 s4;
	_ =	sdelay $0x1  }
0xa1: {  	s23 =	simm.s32 $0x1B8B  }
0xa2: {  	_ =	swait.ge [sflag:s23], $0x1  }
0xa3: {  	[sflag:s23] =	ssyncset.done $0x0  }
0xa4: {  	s25 =	simm.s32 $0x1B8E;
	s24 =	sld [smem:$0x3FFE];
	[sflag:s23] =	ssyncadd.s32 $0xFFFFFFFF  }
0xa5: {  	s26 =	simm.s32 $execute0_lowered;
	[smem:$0x3FD2] =	sst s25  }
0xa6: {  	s5 =	sshll.u32 s26, $0x1;
	_ =	strace $0x80000049;
	[dreg:$0x1] =	wrdreg $0xFFFFFFFF  }
0xa7: {  	s28 =	simm.s32 $_size_execute0_lowered;
	s3 =	sadd.s32 s3, s5;
	[dreg:$0x0] =	wrdreg $0x0  }
0xa8: {  	s5 =	sshll.u32 s28, $0x1;
	[dreg:$0x2] =	wrdreg s3  }
0xa9: {  	[dreg:$0x3] =	wrdreg s5  }
0xaa: {  	[dreg:$0x4] =	wrdreg $0xC0  }
0xab: {  	_ =	task [dreg:s7], $0x5FFFF  }
0xac: {  	[dreg:$0x1] =	wrdreg $0xFFFFFFFF  }
0xad: {  	[dreg:$0x0] =	wrdreg $0x60  }
0xae: {  	[dreg:$0x2] =	wrdreg s24  }
0xaf: {  	[dreg:$0x3] =	wrdreg s2  }
0xb0: {  	[dreg:$0x4] =	wrdreg $0x0  }
0xb1: {  	[dreg:$0x5] =	wrdreg $0x9  }
0xb2: {  	_ =	task.clear_ibuf [dreg:s7], $0x6FFFF;
	_ =	strace $0x90000049  }
0xb3: {  	s29 =	simm.s32 $0x9;
	_ =	strace $0x8000004B  }
0xb4: {  	_ =	swait.ge [sflag:s29], $0x1  }
0xb5: {  	[sflag:s29] =	ssyncadd.s32 $0xFFFFFFFF  }
0xb6: {  	_ =	strace $0x9000004B  }
0xb7: {  	_ =	sfence  }
0xb8: {  	s30 =	sld [smem:$0x0];
	_ =	sdelay $0x2  }
0xb9: {  	s31 =	sshll.u32 s1, $0xD;
	s1 =	sshrl.u32 s1, $0x2  }
0xba: {  	s3 =	sand.u32 $0x4000, s31;
	s1 =	sadd.s32 s1, s30  }
0xbb: {  	s0 =	sor.u32 s3, s0;
	s1 =	sshll.u32 s1, $0x11  }
0xbc: {  	s0 =	sor.u32 s1, s0  }
0xbd: {  	s0 =	sadd.s32 $0x8F2B, s0  }
0xbe: {  	[sflag:s0] =	ssyncadd.remote.s32 $0x1  }
0xbf: {  	_ =	sfence.sel $0xFFFF  }
0xc0: {  	[dreg:$0x0] =	wrdreg $0xFFFFFFFF;
	(pc) =	sbr.abs _section_cstart, $3  }
0xc1: {  	[dreg:$0x1] =	wrdreg $0xFFFFFFFF  }
0xc2: {  	_ =	task.clear_ibuf [dreg:s7], $0x2FFFF;
	_ =	strace $0x9FFFFFFF  }
0xc3: {  	(tm) =	ssettm $0x7FFFFFFF  }
tec
execute0_lowered:
.L_overlay_start_1:
0x0: {  	(tag) =	ssettag $0x1  }
0x1: {  	s0 =	rddreg [dreg:$0x0]  }
0x2: {  	s2 =	rddreg [dreg:$0x1]  }
0x3: {  	s3 =	rddreg [dreg:$0x2]  }
0x4: {  	s1 =	srdreg.scid;
	s8 =	stileid.u32;
	s4 =	simm.s32 $0x0  }
0x5: {  	s20 =	simm.s32 $0x16400;
	s28 =	simm.s32 $0x1;
	s29 =	simm.s32 $0x2  }
0x6: {  	s30 =	simm.s32 $0x16300;
	s31 =	simm.s32 $0x16380;
	s1 =	sand.u32 $0x1, s1  }
0x7: {  	s5 =	smul.u32 $0x278, s8;
	[smem:$0x7FF] =	sst s4;
	s12 =	sadd.s32 $0x5C000, s0  }
0x8: {  	s21 =	smul.u32 $0x4F000, s8;
	s13 =	sadd.s32 $0x52000, s0;
	s22 =	sshll.u32 s8, $0x1  }
0x9: {  	s6 =	smul.u32 $0x2780, s1;
	s23 =	ssub.s32 $0x2, s1;
	s1 =	sor.u32 s1, s22  }
0xa: {  	_ =	strace $0x8000004A;
	s22 =	simm.s32 $0x13C00;
	s9 =	smul.u32 $0x2800, s1  }
0xb: {  	s24 =	sshrl.u32 s21, $0x2;
	s25 =	sshrl.u32 s23, $0x1;
	s1 =	smul.u32 $0x500, s1  }
0xc: {  	s21 =	simm.s32 $0x3;
	s5 =	sadd.s32 s5, s6;
	s19 =	ssub.s32 s23, s25  }
0xd: {  	s23 =	simm.s32 $0x15000;
	s25 =	simm.s32 $0x13C80;
	s7 =	sshll.u32 s5, $0x4  }
0xe: {  	s5 =	sadd.s32 s24, s3;
	s10 =	sshrl.u32 s9, $0x3;
	s26 =	sadd.s32 s12, s1  }
0xf: {  	s11 =	sadd.s32 s13, s1;
	s19 =	smax.u32 s19, $0x1;
	s24 =	simm.s32 $0x80  }
0x10: {  	s0 =	sadd.s32 s7, s0;
	s6 =	sadd.s32 $0x4000, s5;
	s7 =	sadd.s32 $0x8000, s5  }
0x11: {  	s8 =	sadd.s32 $0xC000, s5;
	s9 =	sadd.s32 $0x10000, s5;
	s14 =	sadd.s32 $0x280, s10  }
0x12: {  	[dreg:$0x4] =	wrdreg s26;
	s26 =	simm.s32 $0x1A400;
	s12 =	sadd.s32 s12, s14  }
0x13: {  	s13 =	sadd.s32 s13, s14;
	s14 =	sadd.s32 $0x66000, s0;
	s15 =	sadd.s32 $0x66800, s0  }
0x14: {  	v0 =	vimm.f32 $0.0e+00;
	s16 =	sadd.s32 $0x67000, s0;
	s17 =	sadd.s32 $0x67800, s0;
	s18 =	sadd.s32 $0x68000, s0  }
.LBB2_1:
0x15: {  	s0 =	simm.s32 $0x0;
	s1 =	simm.s32 $0x200  }
.LBB2_2:
0x16: {  	p0 =	sne.s32 s1, $0xFE00;
	[tilespmem:s0+$0x16470] =	vst v0  }
0x17: {  	[tilespmem:s0+$0x16400] =	vst v0  }
0x18: {  	[tilespmem:s0+$0x16410] =	vst v0  }
.Ltmp0:
0x19: {  	[tilespmem:s0+$0x16420] =	vst v0;
	(pc) =	sbr.rel @p0 .LBB2_2-.Ltmp0, $4  }
0x1a: {  	[tilespmem:s0+$0x16430] =	vst v0  }
0x1b: {  	[tilespmem:s0+$0x16440] =	vst v0  }
0x1c: {  	[tilespmem:s0+$0x16450] =	vst v0  }
0x1d: {  	[tilespmem:s0+$0x16460] =	vst v0;
	s0 =	sshra.s32 s1, $0x2;
	s1 =	sadd.s32 $0x200, s1  }
0x1e: {  	[tilespmem:s0+$0x16470] =	vst v0  }
0x1f: {  	[tilespmem:s0+$0x16400] =	vst v0  }
0x20: {  	[tilespmem:s0+$0x16410] =	vst v0  }
0x21: {  	[tilespmem:s0+$0x16420] =	vst v0  }
0x22: {  	[tilespmem:s0+$0x16430] =	vst v0  }
0x23: {  	[tilespmem:s0+$0x16440] =	vst v0  }
0x24: {  	[tilespmem:s0+$0x16450] =	vst v0  }
0x25: {  	[tilespmem:s0+$0x16460] =	vst v0  }
0x26: {  	[spmem:s5] =	stream.linear.scatter [tilespmem:s20], [sflag:$0x3], $0x4000, $0x38;
	[tilespmem:$0x1E400] =	vst v63  }
0x27: {  	_ =	swait.ge [sflag:s21], $0x4000  }
0x28: {  	[sflag:s21] =	ssyncset.done $0x0  }
0x29: {  	[sflag:s21] =	ssyncadd.s32 $0xFFFFC000  }
0x2a: {  	[spmem:s6] =	stream.linear.scatter [tilespmem:s20], [sflag:$0x3], $0x4000, $0x38;
	[tilespmem:$0x1E400] =	vst v63  }
0x2b: {  	_ =	swait.ge [sflag:s21], $0x4000  }
0x2c: {  	[sflag:s21] =	ssyncset.done $0x0  }
0x2d: {  	[sflag:s21] =	ssyncadd.s32 $0xFFFFC000  }
0x2e: {  	[spmem:s7] =	stream.linear.scatter [tilespmem:s20], [sflag:$0x3], $0x4000, $0x38;
	[tilespmem:$0x1E400] =	vst v63  }
0x2f: {  	_ =	swait.ge [sflag:s21], $0x4000  }
0x30: {  	[sflag:s21] =	ssyncset.done $0x0  }
0x31: {  	[sflag:s21] =	ssyncadd.s32 $0xFFFFC000  }
0x32: {  	[spmem:s8] =	stream.linear.scatter [tilespmem:s20], [sflag:$0x3], $0x4000, $0x38;
	[tilespmem:$0x1E400] =	vst v63  }
0x33: {  	_ =	swait.ge [sflag:s21], $0x4000  }
0x34: {  	[sflag:s21] =	ssyncset.done $0x0  }
0x35: {  	[sflag:s21] =	ssyncadd.s32 $0xFFFFC000  }
0x36: {  	[spmem:s9] =	stream.linear.scatter [tilespmem:s20], [sflag:$0x3], $0x3C00, $0x38;
	[tilespmem:$0x1E400] =	vst v63  }
0x37: {  	_ =	swait.ge [sflag:s21], $0x3C00  }
0x38: {  	[sflag:s21] =	ssyncset.done $0x0  }
0x39: {  	[sflag:s21] =	ssyncadd.s32 $0xFFFFC400  }
0x3a: {  	[bflag:$0x0] =	sbarrier.arrive $0xFFFF  }
0x3b: {  	s10 =	simm.s32 $0x0;
	s1 =	rddreg [dreg:$0x4]  }
0x3c: {  	[tilespmem:s22], [sflag:$0x3] =	stream.linear.gather [hbm4b:s1+s10], $0x1400, $0x38;
	[tilespmem:$0x1E400] =	vst v63  }
0x3d: {  	_ =	swait.ge [sflag:s21], $0x1400  }
0x3e: {  	[sflag:s21] =	ssyncset.done $0x0  }
0x3f: {  	[sflag:s21] =	ssyncadd.s32 $0xFFFFEC00  }
0x40: {  	[tilespmem:s23], [sflag:$0x3] =	stream.linear.gather [hbm4b:s11+s10], $0x1400, $0x38;
	[tilespmem:$0x1E400] =	vst v63  }
0x41: {  	_ =	swait.ge [sflag:s21], $0x1400  }
0x42: {  	[sflag:s21] =	ssyncset.done $0x0  }
0x43: {  	[sflag:s21] =	ssyncadd.s32 $0xFFFFEC00  }
0x44: {  	[tilespmem:s20], [sflag:$0x1] =	stream.indirect.gather [hbm4b:s2+s24], $0x80, s22, s24, $0xb8;
	[tilespmem:$0x1E400] =	vst v63  }
0x45: {  	_ = 	snop  }
0x46: {  	[tilespmem:s26], [sflag:$0x2] =	stream.indirect.gather [hbm4b:s2+s24], $0x80, s25, s24, $0xb8;
	[tilespmem:$0x1E400] =	vst v63  }
0x47: {  	_ =	swait.ge [sflag:s28], $0x4000  }
0x48: {  	[sflag:s28] =	ssyncset.done $0x0  }
0x49: {  	s10 =	simm.s32 $0x15000;
	[sflag:s28] =	ssyncadd.s32 $0xFFFFC000  }
0x4a: {  	[spmem:s3] =	stream.indirect.scatter.add.f32 [tilespmem:s20], [sflag:$0x3], $0x80, s10, s24, $0xb8;
	[tilespmem:$0x1E400] =	vst v63  }
0x4b: {  	_ =	swait.ge [sflag:s21], $0x4000  }
0x4c: {  	[sflag:s21] =	ssyncset.done $0x0  }
0x4d: {  	s1 =	simm.s32 $0x13D00;
	[sflag:s21] =	ssyncadd.s32 $0xFFFFC000  }
0x4e: {  	[tilespmem:s20], [sflag:$0x1] =	stream.indirect.gather [hbm4b:s2+s24], $0x80, s1, s24, $0xb8;
	[tilespmem:$0x1E400] =	vst v63  }
0x4f: {  	_ =	swait.ge [sflag:s29], $0x4000  }
0x50: {  	[sflag:s29] =	ssyncset.done $0x0  }
0x51: {  	s10 =	simm.s32 $0x15080;
	[sflag:s29] =	ssyncadd.s32 $0xFFFFC000  }
0x52: {  	[spmem:s3] =	stream.indirect.scatter.add.f32 [tilespmem:s26], [sflag:$0x3], $0x80, s10, s24, $0xb8;
	[tilespmem:$0x1E400] =	vst v63  }
0x53: {  	_ =	swait.ge [sflag:s21], $0x4000  }
0x54: {  	[sflag:s21] =	ssyncset.done $0x0  }
0x55: {  	s0 =	simm.s32 $0x400;
	s1 =	simm.s32 $0x13D80;
	[sflag:s21] =	ssyncadd.s32 $0xFFFFC000  }
.LBB2_4:
0x56: {  	[tilespmem:s26], [sflag:$0x2] =	stream.indirect.gather [hbm4b:s2+s24], $0x80, s1, s24, $0xb8;
	[tilespmem:$0x1E400] =	vst v63  }
0x57: {  	s1 =	smov.u32 s0  }
0x58: {  	p0 =	sne.s32 s0, $0x4800;
	s0 =	sadd.s32 $0x400, s0;
	_ =	swait.ge [sflag:s28], $0x4000  }
0x59: {  	s1 =	sshra.s32 s1, $0x2;
	[sflag:s28] =	ssyncset.done $0x0  }
0x5a: {  	s10 =	sadd.s32 $0x15000, s1;
	[sflag:s28] =	ssyncadd.s32 $0xFFFFC000  }
0x5b: {  	[spmem:s3] =	stream.indirect.scatter.add.f32 [tilespmem:s20], [sflag:$0x3], $0x80, s10, s24, $0xb8;
	[tilespmem:$0x1E400] =	vst v63  }
0x5c: {  	_ =	swait.ge [sflag:s21], $0x4000  }
0x5d: {  	[sflag:s21] =	ssyncset.done $0x0  }
0x5e: {  	s10 =	sadd.s32 $0x13D00, s1;
	[sflag:s21] =	ssyncadd.s32 $0xFFFFC000  }
0x5f: {  	[tilespmem:s20], [sflag:$0x1] =	stream.indirect.gather [hbm4b:s2+s24], $0x80, s10, s24, $0xb8;
	[tilespmem:$0x1E400] =	vst v63  }
0x60: {  	_ =	swait.ge [sflag:s29], $0x4000  }
0x61: {  	[sflag:s29] =	ssyncset.done $0x0  }
.Ltmp1:
0x62: {  	s10 =	sadd.s32 $0x15080, s1;
	[sflag:s29] =	ssyncadd.s32 $0xFFFFC000;
	(pc) =	sbr.rel @p0 .LBB2_4-.Ltmp1, $4  }
0x63: {  	[spmem:s3] =	stream.indirect.scatter.add.f32 [tilespmem:s26], [sflag:$0x3], $0x80, s10, s24, $0xb8;
	[tilespmem:$0x1E400] =	vst v63  }
0x64: {  	_ =	swait.ge [sflag:s21], $0x4000  }
0x65: {  	[sflag:s21] =	ssyncset.done $0x0  }
0x66: {  	s1 =	sadd.s32 $0x13D80, s1;
	[sflag:s21] =	ssyncadd.s32 $0xFFFFC000  }
0x67: {  	[tilespmem:s26], [sflag:$0x2] =	stream.indirect.gather [hbm4b:s2+s24], $0x80, s1, s24, $0xb8;
	[tilespmem:$0x1E400] =	vst v63  }
0x68: {  	_ =	swait.ge [sflag:s28], $0x4000  }
0x69: {  	[sflag:s28] =	ssyncset.done $0x0  }
0x6a: {  	[sflag:s28] =	ssyncadd.s32 $0xFFFFC000  }
0x6b: {  	[spmem:s3] =	stream.indirect.scatter.add.f32 [tilespmem:s20], [sflag:$0x3], $0x80, s30, s24, $0xb8;
	[tilespmem:$0x1E400] =	vst v63  }
0x6c: {  	_ =	swait.ge [sflag:s21], $0x4000  }
0x6d: {  	[sflag:s21] =	ssyncset.done $0x0  }
0x6e: {  	[sflag:s21] =	ssyncadd.s32 $0xFFFFC000  }
0x6f: {  	_ =	swait.ge [sflag:s29], $0x4000  }
0x70: {  	[sflag:s29] =	ssyncset.done $0x0  }
0x71: {  	[sflag:s29] =	ssyncadd.s32 $0xFFFFC000  }
0x72: {  	[spmem:s3] =	stream.indirect.scatter.add.f32 [tilespmem:s26], [sflag:$0x3], $0x80, s31, s24, $0xb8;
	[tilespmem:$0x1E400] =	vst v63  }
0x73: {  	_ =	swait.ge [sflag:s21], $0x4000  }
0x74: {  	[sflag:s21] =	ssyncset.done $0x0  }
0x75: {  	s0 =	simm.s32 $0x0;
	[sflag:s21] =	ssyncadd.s32 $0xFFFFC000  }
0x76: {  	[tilespmem:s22], [sflag:$0x3] =	stream.linear.gather [hbm4b:s12+s0], $0x1400, $0x38;
	[tilespmem:$0x1E400] =	vst v63  }
0x77: {  	_ =	swait.ge [sflag:s21], $0x1400  }
0x78: {  	[sflag:s21] =	ssyncset.done $0x0  }
0x79: {  	[sflag:s21] =	ssyncadd.s32 $0xFFFFEC00  }
0x7a: {  	[tilespmem:s23], [sflag:$0x3] =	stream.linear.gather [hbm4b:s13+s0], $0x1400, $0x38;
	[tilespmem:$0x1E400] =	vst v63  }
0x7b: {  	_ =	swait.ge [sflag:s21], $0x1400  }
0x7c: {  	[sflag:s21] =	ssyncset.done $0x0  }
0x7d: {  	[sflag:s21] =	ssyncadd.s32 $0xFFFFEC00  }
0x7e: {  	[tilespmem:s20], [sflag:$0x1] =	stream.indirect.gather [hbm4b:s2+s24], $0x80, s22, s24, $0xb8;
	[tilespmem:$0x1E400] =	vst v63  }
0x7f: {  	_ = 	snop  }
0x80: {  	[tilespmem:s26], [sflag:$0x2] =	stream.indirect.gather [hbm4b:s2+s24], $0x80, s25, s24, $0xb8;
	[tilespmem:$0x1E400] =	vst v63  }
0x81: {  	_ =	swait.ge [sflag:s28], $0x4000  }
0x82: {  	[sflag:s28] =	ssyncset.done $0x0  }
0x83: {  	s10 =	simm.s32 $0x15000;
	[sflag:s28] =	ssyncadd.s32 $0xFFFFC000  }
0x84: {  	[spmem:s3] =	stream.indirect.scatter.add.f32 [tilespmem:s20], [sflag:$0x3], $0x80, s10, s24, $0xb8;
	[tilespmem:$0x1E400] =	vst v63  }
0x85: {  	_ =	swait.ge [sflag:s21], $0x4000  }
0x86: {  	[sflag:s21] =	ssyncset.done $0x0  }
0x87: {  	s1 =	simm.s32 $0x13D00;
	[sflag:s21] =	ssyncadd.s32 $0xFFFFC000  }
0x88: {  	[tilespmem:s20], [sflag:$0x1] =	stream.indirect.gather [hbm4b:s2+s24], $0x80, s1, s24, $0xb8;
	[tilespmem:$0x1E400] =	vst v63  }
0x89: {  	_ =	swait.ge [sflag:s29], $0x4000  }
0x8a: {  	[sflag:s29] =	ssyncset.done $0x0  }
0x8b: {  	s10 =	simm.s32 $0x15080;
	[sflag:s29] =	ssyncadd.s32 $0xFFFFC000  }
0x8c: {  	[spmem:s3] =	stream.indirect.scatter.add.f32 [tilespmem:s26], [sflag:$0x3], $0x80, s10, s24, $0xb8;
	[tilespmem:$0x1E400] =	vst v63  }
0x8d: {  	_ =	swait.ge [sflag:s21], $0x4000  }
0x8e: {  	[sflag:s21] =	ssyncset.done $0x0  }
0x8f: {  	s0 =	simm.s32 $0x400;
	s1 =	simm.s32 $0x13D80;
	[sflag:s21] =	ssyncadd.s32 $0xFFFFC000  }
.LBB2_6:
0x90: {  	[tilespmem:s26], [sflag:$0x2] =	stream.indirect.gather [hbm4b:s2+s24], $0x80, s1, s24, $0xb8;
	[tilespmem:$0x1E400] =	vst v63  }
0x91: {  	s1 =	smov.u32 s0  }
0x92: {  	p0 =	sne.s32 s0, $0x4800;
	s0 =	sadd.s32 $0x400, s0;
	_ =	swait.ge [sflag:s28], $0x4000  }
0x93: {  	s1 =	sshra.s32 s1, $0x2;
	[sflag:s28] =	ssyncset.done $0x0  }
0x94: {  	s10 =	sadd.s32 $0x15000, s1;
	[sflag:s28] =	ssyncadd.s32 $0xFFFFC000  }
0x95: {  	[spmem:s3] =	stream.indirect.scatter.add.f32 [tilespmem:s20], [sflag:$0x3], $0x80, s10, s24, $0xb8;
	[tilespmem:$0x1E400] =	vst v63  }
0x96: {  	_ =	swait.ge [sflag:s21], $0x4000  }
0x97: {  	[sflag:s21] =	ssyncset.done $0x0  }
0x98: {  	s10 =	sadd.s32 $0x13D00, s1;
	[sflag:s21] =	ssyncadd.s32 $0xFFFFC000  }
0x99: {  	[tilespmem:s20], [sflag:$0x1] =	stream.indirect.gather [hbm4b:s2+s24], $0x80, s10, s24, $0xb8;
	[tilespmem:$0x1E400] =	vst v63  }
0x9a: {  	_ =	swait.ge [sflag:s29], $0x4000  }
0x9b: {  	[sflag:s29] =	ssyncset.done $0x0  }
.Ltmp2:
0x9c: {  	s10 =	sadd.s32 $0x15080, s1;
	[sflag:s29] =	ssyncadd.s32 $0xFFFFC000;
	(pc) =	sbr.rel @p0 .LBB2_6-.Ltmp2, $4  }
0x9d: {  	[spmem:s3] =	stream.indirect.scatter.add.f32 [tilespmem:s26], [sflag:$0x3], $0x80, s10, s24, $0xb8;
	[tilespmem:$0x1E400] =	vst v63  }
0x9e: {  	_ =	swait.ge [sflag:s21], $0x4000  }
0x9f: {  	[sflag:s21] =	ssyncset.done $0x0  }
0xa0: {  	s1 =	sadd.s32 $0x13D80, s1;
	[sflag:s21] =	ssyncadd.s32 $0xFFFFC000  }
0xa1: {  	[tilespmem:s26], [sflag:$0x2] =	stream.indirect.gather [hbm4b:s2+s24], $0x80, s1, s24, $0xb8;
	[tilespmem:$0x1E400] =	vst v63  }
0xa2: {  	_ =	swait.ge [sflag:s28], $0x4000  }
0xa3: {  	[sflag:s28] =	ssyncset.done $0x0  }
0xa4: {  	[sflag:s28] =	ssyncadd.s32 $0xFFFFC000  }
0xa5: {  	[spmem:s3] =	stream.indirect.scatter.add.f32 [tilespmem:s20], [sflag:$0x3], $0x80, s30, s24, $0xb8;
	[tilespmem:$0x1E400] =	vst v63  }
0xa6: {  	_ =	swait.ge [sflag:s21], $0x4000  }
0xa7: {  	[sflag:s21] =	ssyncset.done $0x0  }
0xa8: {  	[sflag:s21] =	ssyncadd.s32 $0xFFFFC000  }
0xa9: {  	_ =	swait.ge [sflag:s29], $0x4000  }
0xaa: {  	[sflag:s29] =	ssyncset.done $0x0  }
0xab: {  	[sflag:s29] =	ssyncadd.s32 $0xFFFFC000  }
0xac: {  	[spmem:s3] =	stream.indirect.scatter.add.f32 [tilespmem:s26], [sflag:$0x3], $0x80, s31, s24, $0xb8;
	[tilespmem:$0x1E400] =	vst v63  }
0xad: {  	_ =	swait.ge [sflag:s21], $0x4000  }
0xae: {  	s0 =	stileid.u32;
	[sflag:s21] =	ssyncset.done $0x0  }
0xaf: {  	s0 =	sshll.u32 s0, $0x6;
	[sflag:s21] =	ssyncadd.s32 $0xFFFFC000  }
0xb0: {  	s10 =	sshrl.u32 s5, $0x3;
	s0 =	sor.u32 $0x1C03, s0;
	[bflag:$0x0] =	sbarrier.arrive $0xFFFF  }
0xb1: {  	[hbm:s14], [sflag:s0] =	dma.local [spmem:s10], $0x800  }
0xb2: {  	_ =	swait.ge [sflag:s21], $0x800  }
0xb3: {  	[sflag:s21] =	ssyncset.done $0x0  }
0xb4: {  	s10 =	sshrl.u32 s6, $0x3;
	[sflag:s21] =	ssyncadd.s32 $0xFFFFF800  }
0xb5: {  	[hbm:s15], [sflag:s0] =	dma.local [spmem:s10], $0x800  }
0xb6: {  	_ =	swait.ge [sflag:s21], $0x800  }
0xb7: {  	[sflag:s21] =	ssyncset.done $0x0  }
0xb8: {  	s10 =	sshrl.u32 s7, $0x3;
	[sflag:s21] =	ssyncadd.s32 $0xFFFFF800  }
0xb9: {  	[hbm:s16], [sflag:s0] =	dma.local [spmem:s10], $0x800  }
0xba: {  	_ =	swait.ge [sflag:s21], $0x800  }
0xbb: {  	[sflag:s21] =	ssyncset.done $0x0  }
0xbc: {  	s10 =	sshrl.u32 s8, $0x3;
	[sflag:s21] =	ssyncadd.s32 $0xFFFFF800  }
0xbd: {  	[hbm:s17], [sflag:s0] =	dma.local [spmem:s10], $0x800  }
0xbe: {  	s4 =	sadd.s32 $0x1, s4;
	_ =	swait.ge [sflag:s21], $0x800  }
0xbf: {  	p0 =	sne.s32 s4, s19;
	[sflag:s21] =	ssyncset.done $0x0  }
.Ltmp3:
0xc0: {  	s10 =	sshrl.u32 s9, $0x3;
	[sflag:s21] =	ssyncadd.s32 $0xFFFFF800;
	(pc) =	sbr.rel @p0 .LBB2_1-.Ltmp3, $4  }
0xc1: {  	[hbm:s18], [sflag:s0] =	dma.local [spmem:s10], $0x780  }
0xc2: {  	_ =	swait.ge [sflag:s21], $0x780  }
0xc3: {  	[sflag:s21] =	ssyncset.done $0x0  }
0xc4: {  	[sflag:s21] =	ssyncadd.s32 $0xFFFFF880  }
0xc5: {  	_ =	sfence.sel $0x180000  }
0xc6: {  	[bflag:$0x0] =	sbarrier.arrive $0xFFFF  }
0xc7: {  	_ =	strace $0x9000004A  }
0xc8: {  	s0 =	stileid.u32;
	[bflag:$0x2] =	sbarrier.arrive $0xFFFF  }
0xc9: {  	p0 =	sne.s32 s0, $0x0;
	s0 =	rddreg [dreg:$0x3]  }
0xca: {  	s0 =	sadd.s32 @!p0 $0x100000, s0  }
0xcb: {  	[sflag:s0] =	ssyncadd.tile.s32 @!p0 $0x1;
	_ =	shalt  }
.Lfunc_end2:
_tile_overlayer_lowered:
.L_overlay_start_2:
0xcc: {  	(tag) =	ssettag $0x2  }
0xcd: {  	s0 =	rddreg [dreg:$0x0];
	s2 =	stileid.u32  }
0xce: {  	s1 =	rddreg [dreg:$0x1];
	p0 =	sne.s32 s2, $0x0  }
0xcf: {  	s3 =	rddreg [dreg:$0x2];
	[bflag:$0x3] =	sbarrier.arrive $0xFFFF;
	s2 =	simm.s32 @!p0 $0x1C03  }
0xd0: {  	[timem:s3], [sflag:s2] =	dma.local @!p0 [hbm:s0], s1  }
0xd1: {  	s0 =	simm.s32 @!p0 $0x3  }
0xd2: {  	_ =	swait.ge @!p0 [sflag:s0], s1  }
0xd3: {  	s1 =	ssub.s32 @!p0 $0x0, s1;
	[sflag:s0] =	ssyncset.done @!p0 $0x0  }
0xd4: {  	[sflag:s0] =	ssyncadd.s32 @!p0 s1  }
0xd5: {  	[bflag:$0x3] =	sbarrier.arrive $0xFFFF  }
0xd6: {  	_ =	shalt  }

</sc_bundles>
